<compile_context>
chip_gen: v7x
topology: tpu7x:2x2x1
jax: 0.10.2.dev20260603
libtpu: 0.0.44.dev20260713+nightly
codegen_flags: <defaults>
</compile_context>

<pallas_src>
import functools

import jax
import jax.numpy as jnp
from jax import lax
from jax.experimental import pallas as pl
from jax.experimental.pallas import tpu as pltpu
from jax.experimental.pallas import tpu_sc as plsc

B, T, D = 4, 2048, 1024
NW = 32
TW = T // NW
R = 8
K = TW // R
CD = D // 16
NV = R * CD
P = 3


def _sc_body(x_hbm, tab_hbm, out_hbm,
             tb0, tb1, xb0, xb1, xb2,
             st0, st1, sx0, sx1, sx2, so0, so1, so2):
    tbuf = (tb0, tb1)
    xbuf = (xb0, xb1, xb2)
    sem_t = (st0, st1)
    sem_x = (sx0, sx1, sx2)
    sem_o = (so0, so1, so2)

    wid = lax.axis_index("s") * 2 + lax.axis_index("c")
    t_base = wid * TW

    hx = [None] * K
    ho = [None] * K
    ht = [None] * K

    def start_x(k):
        p = k % P
        t0 = t_base + k * R
        hx[k] = pltpu.async_copy(x_hbm.at[:, pl.ds(t0, R)], xbuf[p],
                                 sem_x[p])

    def start_t(k):
        t0 = t_base + k * R
        ht[k] = pltpu.async_copy(tab_hbm.at[pl.ds(t0, R)], tbuf[k % 2],
                                 sem_t[k % 2])

    start_t(0)
    start_t(1)
    start_x(0)
    start_x(1)

    for k in range(K):
        p = k % P
        hx[k].wait()
        ht[k].wait()
        tb = tbuf[k % 2]
        xs = xbuf[p]

        @plsc.parallel_loop(0, NV, unroll=8)
        def add(v):
            r = v // CD
            off = pl.ds((v % CD) * 16, 16)
            tv = tb[r, off]
            for b in range(B):
                xs[b, r, off] = xs[b, r, off] + tv

        t0 = t_base + k * R
        ho[k] = pltpu.async_copy(xs, out_hbm.at[:, pl.ds(t0, R)],
                                 sem_o[p])
        if k + 2 < K:
            if k >= 1:
                ho[k - 1].wait()
            start_x(k + 2)
            start_t(k + 2)

    for k in (K - 3, K - 2, K - 1):
        ho[k].wait()


@jax.jit
def _pos_add(x, pos_table):
    mesh = plsc.VectorSubcoreMesh(core_axis_name="c", subcore_axis_name="s")
    f = functools.partial(
        pl.kernel,
        mesh=mesh,
        out_type=jax.ShapeDtypeStruct((B, T, D), jnp.float32),
        scratch_types=(
            [pltpu.VMEM((R, D), jnp.float32)] * 2
            + [pltpu.VMEM((B, R, D), jnp.float32)] * 3
            + [pltpu.SemaphoreType.DMA] * 8
        ),
    )(_sc_body)
    return f(x, pos_table)


def kernel(x, pos_table):
    return _pos_add(x, pos_table)

# --- scband reference (transcript-rebuilt; emitter-appended) ---
"""Pipeline reference for scband-positional-encoding-73615739453936 (READ-ONLY COPY).

The authoritative reference and input builder live on the scoring server;
editing this copy changes nothing except your own understanding.
"""

import jax, jax.numpy as jnp
import numpy as np


def setup_inputs(seed: int = 0) -> dict:
    key = jax.random.key(seed)
    k1, k2 = jax.random.split(key)
    B, T, D = 4, 2048, 1024
    max_seq_len = 2048
    x = jax.random.normal(k1, (B, T, D), dtype=jnp.float32)
    # learned positional embedding table, torch nn.Embedding default init ~ N(0,1)
    pos_table = jax.random.normal(k2, (max_seq_len, D), dtype=jnp.float32)
    return {"x": x, "pos_table": pos_table}


def reference(x, pos_table):
    B, T, D = x.shape
    positions = jnp.arange(T, dtype=jnp.int64 if jax.config.jax_enable_x64 else jnp.int32)
    positions = jnp.broadcast_to(positions[None, :], (B, T))  # (B, T)
    pos_emb = jnp.take(pos_table, positions, axis=0)          # (B, T, D) gather
    return x + pos_emb

if __name__ == "__main__":
    import jax
    _d = setup_inputs()
    print(jax.jit(kernel)(*tuple(_d.values())))

</pallas_src>

<mosaic_0001>
#map = affine_map<(d0, d1) -> (0, 0, 0)>
#map1 = affine_map<(d0, d1) -> (0, 0)>
module attributes {stable_mosaic.version = 14 : i64} {
  func.func @_sc_body(%arg0: i32, %arg1: i32, %arg2: memref<4x2048x1024xf32, #tpu.memory_space<hbm>>, %arg3: memref<2048x1024xf32, #tpu.memory_space<hbm>>, %arg4: memref<4x2048x1024xf32, #tpu.memory_space<hbm>>, %arg5: memref<8x1024xf32, #tpu.memory_space<vmem>>, %arg6: memref<8x1024xf32, #tpu.memory_space<vmem>>, %arg7: memref<4x8x1024xf32, #tpu.memory_space<vmem>>, %arg8: memref<4x8x1024xf32, #tpu.memory_space<vmem>>, %arg9: memref<4x8x1024xf32, #tpu.memory_space<vmem>>, %arg10: memref<!tpu.dma_semaphore, #tpu.memory_space<semaphore_mem>>, %arg11: memref<!tpu.dma_semaphore, #tpu.memory_space<semaphore_mem>>, %arg12: memref<!tpu.dma_semaphore, #tpu.memory_space<semaphore_mem>>, %arg13: memref<!tpu.dma_semaphore, #tpu.memory_space<semaphore_mem>>, %arg14: memref<!tpu.dma_semaphore, #tpu.memory_space<semaphore_mem>>, %arg15: memref<!tpu.dma_semaphore, #tpu.memory_space<semaphore_mem>>, %arg16: memref<!tpu.dma_semaphore, #tpu.memory_space<semaphore_mem>>, %arg17: memref<!tpu.dma_semaphore, #tpu.memory_space<semaphore_mem>>) attributes {dimension_semantics = [#tpu.dimension_semantics<core_parallel>, #tpu.dimension_semantics<subcore_parallel>], iteration_bounds = array<i64: 2, 16>, scalar_prefetch = 0 : i64, scratch_operands = 13 : i64, tpu.core_type = #tpu.core_type<sc_vector_subcore>, window_params = [{transform_indices = #map}, {transform_indices = #map1}, {transform_indices = #map}]} {
    %mul3A = arith.constant 2 : i32
    %mul3A_0 = arith.muli %arg1, %mul3A : i32
    %add3A = arith.addi %mul3A_0, %arg0 : i32
    %mul3A_1 = arith.constant 64 : i32
    %mul3A_2 = arith.muli %add3A, %mul3A_1 : i32
    %add3A_3 = arith.constant 0 : i32
    %add3A_4 = arith.addi %mul3A_2, %add3A_3 : i32
    %dma_start3A = arith.constant 0 : i32
    %dma_start3A_5 = tpu.memref_slice %arg3[%add3A_4, %dma_start3A] : memref<2048x1024xf32, #tpu.memory_space<hbm>> -> memref<8x1024xf32, #tpu.memory_space<hbm>>
    %dma_start3A_6 = arith.constant 0 : i32
    %dma_start3A_7 = tpu.memref_slice %arg3[%add3A_4, %dma_start3A_6] : memref<2048x1024xf32, #tpu.memory_space<hbm>> -> memref<8x1024xf32, #tpu.memory_space<hbm>>
    tpu.enqueue_dma source(%dma_start3A_7 : memref<8x1024xf32, #tpu.memory_space<hbm>>) target(%arg5 : memref<8x1024xf32, #tpu.memory_space<vmem>>) target_semaphore(%arg10 : memref<!tpu.dma_semaphore, #tpu.memory_space<semaphore_mem>>)
    %add3A_8 = arith.constant 8 : i32
    %add3A_9 = arith.addi %mul3A_2, %add3A_8 : i32
    %dma_start3A_10 = arith.constant 0 : i32
    %dma_start3A_11 = tpu.memref_slice %arg3[%add3A_9, %dma_start3A_10] : memref<2048x1024xf32, #tpu.memory_space<hbm>> -> memref<8x1024xf32, #tpu.memory_space<hbm>>
    %dma_start3A_12 = arith.constant 0 : i32
    %dma_start3A_13 = tpu.memref_slice %arg3[%add3A_9, %dma_start3A_12] : memref<2048x1024xf32, #tpu.memory_space<hbm>> -> memref<8x1024xf32, #tpu.memory_space<hbm>>
    tpu.enqueue_dma source(%dma_start3A_13 : memref<8x1024xf32, #tpu.memory_space<hbm>>) target(%arg6 : memref<8x1024xf32, #tpu.memory_space<vmem>>) target_semaphore(%arg11 : memref<!tpu.dma_semaphore, #tpu.memory_space<semaphore_mem>>)
    %add3A_14 = arith.constant 0 : i32
    %add3A_15 = arith.addi %mul3A_2, %add3A_14 : i32
    %dma_start3A_16 = arith.constant 0 : i32
    %dma_start3A_17 = arith.constant 0 : i32
    %dma_start3A_18 = tpu.memref_slice %arg2[%dma_start3A_16, %add3A_15, %dma_start3A_17] : memref<4x2048x1024xf32, #tpu.memory_space<hbm>> -> memref<4x8x1024xf32, #tpu.memory_space<hbm>>
    %dma_start3A_19 = arith.constant 0 : i32
    %dma_start3A_20 = arith.constant 0 : i32
    %dma_start3A_21 = tpu.memref_slice %arg2[%dma_start3A_19, %add3A_15, %dma_start3A_20] : memref<4x2048x1024xf32, #tpu.memory_space<hbm>> -> memref<4x8x1024xf32, #tpu.memory_space<hbm>>
    tpu.enqueue_dma source(%dma_start3A_21 : memref<4x8x1024xf32, #tpu.memory_space<hbm>>) target(%arg7 : memref<4x8x1024xf32, #tpu.memory_space<vmem>>) target_semaphore(%arg12 : memref<!tpu.dma_semaphore, #tpu.memory_space<semaphore_mem>>)
    %add3A_22 = arith.constant 8 : i32
    %add3A_23 = arith.addi %mul3A_2, %add3A_22 : i32
    %dma_start3A_24 = arith.constant 0 : i32
    %dma_start3A_25 = arith.constant 0 : i32
    %dma_start3A_26 = tpu.memref_slice %arg2[%dma_start3A_24, %add3A_23, %dma_start3A_25] : memref<4x2048x1024xf32, #tpu.memory_space<hbm>> -> memref<4x8x1024xf32, #tpu.memory_space<hbm>>
    %dma_start3A_27 = arith.constant 0 : i32
    %dma_start3A_28 = arith.constant 0 : i32
    %dma_start3A_29 = tpu.memref_slice %arg2[%dma_start3A_27, %add3A_23, %dma_start3A_28] : memref<4x2048x1024xf32, #tpu.memory_space<hbm>> -> memref<4x8x1024xf32, #tpu.memory_space<hbm>>
    tpu.enqueue_dma source(%dma_start3A_29 : memref<4x8x1024xf32, #tpu.memory_space<hbm>>) target(%arg8 : memref<4x8x1024xf32, #tpu.memory_space<vmem>>) target_semaphore(%arg13 : memref<!tpu.dma_semaphore, #tpu.memory_space<semaphore_mem>>)
    %dma_wait3A = arith.constant 0 : i32
    %dma_wait3A_30 = arith.constant 0 : i32
    %dma_wait3A_31 = tpu.memref_slice %arg2[%dma_wait3A, %add3A_15, %dma_wait3A_30] : memref<4x2048x1024xf32, #tpu.memory_space<hbm>> -> memref<4x8x1024xf32, #tpu.memory_space<hbm>>
    %dma_wait3A_32 = arith.constant 0 : i32
    %dma_wait3A_33 = arith.constant 0 : i32
    %dma_wait3A_34 = tpu.memref_slice %arg2[%dma_wait3A_32, %add3A_15, %dma_wait3A_33] : memref<4x2048x1024xf32, #tpu.memory_space<hbm>> -> memref<4x8x1024xf32, #tpu.memory_space<hbm>>
    tpu.wait_dma2 semaphore(%arg12 : memref<!tpu.dma_semaphore, #tpu.memory_space<semaphore_mem>>) src(%dma_wait3A_34 : memref<4x8x1024xf32, #tpu.memory_space<hbm>>) dst(%arg7 : memref<4x8x1024xf32, #tpu.memory_space<vmem>>)
    %dma_wait3A_35 = arith.constant 0 : i32
    %dma_wait3A_36 = tpu.memref_slice %arg3[%add3A_4, %dma_wait3A_35] : memref<2048x1024xf32, #tpu.memory_space<hbm>> -> memref<8x1024xf32, #tpu.memory_space<hbm>>
    %dma_wait3A_37 = arith.constant 0 : i32
    %dma_wait3A_38 = tpu.memref_slice %arg3[%add3A_4, %dma_wait3A_37] : memref<2048x1024xf32, #tpu.memory_space<hbm>> -> memref<8x1024xf32, #tpu.memory_space<hbm>>
    tpu.wait_dma2 semaphore(%arg10 : memref<!tpu.dma_semaphore, #tpu.memory_space<semaphore_mem>>) src(%dma_wait3A_38 : memref<8x1024xf32, #tpu.memory_space<hbm>>) dst(%arg5 : memref<8x1024xf32, #tpu.memory_space<vmem>>)
    %parallel_loop3A = arith.constant 0 : i32
    %parallel_loop3A_39 = arith.constant 512 : i32
    %parallel_loop3A_40 = arith.constant 1 : i32
    scf.for %parallel_loop3A_328 = %parallel_loop3A to %parallel_loop3A_39 step %parallel_loop3A_40  : i32 {
      %parallel_loop3A_329 = arith.constant 64 : i32
      %parallel_loop3A_330 = arith.divsi %parallel_loop3A_328, %parallel_loop3A_329 : i32
      %parallel_loop3A_331 = arith.constant 0 : i32
      %parallel_loop3A_332 = arith.cmpi sgt, %parallel_loop3A_328, %parallel_loop3A_331 : i32
      %parallel_loop3A_333 = arith.extui %parallel_loop3A_332 : i1 to i32
      %parallel_loop3A_334 = arith.constant 0 : i32
      %parallel_loop3A_335 = arith.cmpi slt, %parallel_loop3A_328, %parallel_loop3A_334 : i32
      %parallel_loop3A_336 = arith.extui %parallel_loop3A_335 : i1 to i32
      %parallel_loop3A_337 = arith.subi %parallel_loop3A_333, %parallel_loop3A_336 : i32
      %parallel_loop3A_338 = arith.constant 0 : i32
      %parallel_loop3A_339 = arith.cmpi sgt, %parallel_loop3A_329, %parallel_loop3A_338 : i32
      %parallel_loop3A_340 = arith.extui %parallel_loop3A_339 : i1 to i32
      %parallel_loop3A_341 = arith.constant 0 : i32
      %parallel_loop3A_342 = arith.cmpi slt, %parallel_loop3A_329, %parallel_loop3A_341 : i32
      %parallel_loop3A_343 = arith.extui %parallel_loop3A_342 : i1 to i32
      %parallel_loop3A_344 = arith.subi %parallel_loop3A_340, %parallel_loop3A_343 : i32
      %parallel_loop3A_345 = arith.cmpi ne, %parallel_loop3A_337, %parallel_loop3A_344 : i32
      %parallel_loop3A_346 = arith.remsi %parallel_loop3A_328, %parallel_loop3A_329 : i32
      %parallel_loop3A_347 = arith.constant 0 : i32
      %parallel_loop3A_348 = arith.cmpi ne, %parallel_loop3A_346, %parallel_loop3A_347 : i32
      %parallel_loop3A_349 = arith.andi %parallel_loop3A_345, %parallel_loop3A_348 : i1
      %parallel_loop3A_350 = arith.constant 1 : i32
      %parallel_loop3A_351 = arith.subi %parallel_loop3A_330, %parallel_loop3A_350 : i32
      %parallel_loop3A_352 = arith.select %parallel_loop3A_349, %parallel_loop3A_351, %parallel_loop3A_330 : i32
      %parallel_loop3A_353 = arith.constant 64 : i32
      %parallel_loop3A_354 = arith.constant 0 : i32
      %parallel_loop3A_355 = arith.cmpi eq, %parallel_loop3A_353, %parallel_loop3A_354 : i32
      %parallel_loop3A_356 = arith.constant 1 : i32
      %parallel_loop3A_357 = arith.select %parallel_loop3A_355, %parallel_loop3A_356, %parallel_loop3A_353 : i32
      %parallel_loop3A_358 = arith.remsi %parallel_loop3A_328, %parallel_loop3A_357 : i32
      %parallel_loop3A_359 = arith.constant 0 : i32
      %parallel_loop3A_360 = arith.cmpi ne, %parallel_loop3A_358, %parallel_loop3A_359 : i32
      %parallel_loop3A_361 = arith.constant 0 : i32
      %parallel_loop3A_362 = arith.cmpi slt, %parallel_loop3A_358, %parallel_loop3A_361 : i32
      %parallel_loop3A_363 = arith.constant 0 : i32
      %parallel_loop3A_364 = arith.cmpi slt, %parallel_loop3A_357, %parallel_loop3A_363 : i32
      %parallel_loop3A_365 = arith.xori %parallel_loop3A_362, %parallel_loop3A_364 : i1
      %parallel_loop3A_366 = arith.andi %parallel_loop3A_365, %parallel_loop3A_360 : i1
      %parallel_loop3A_367 = arith.addi %parallel_loop3A_358, %parallel_loop3A_357 : i32
      %parallel_loop3A_368 = arith.select %parallel_loop3A_366, %parallel_loop3A_367, %parallel_loop3A_358 : i32
      %parallel_loop3A_369 = arith.constant 16 : i32
      %parallel_loop3A_370 = arith.muli %parallel_loop3A_368, %parallel_loop3A_369 : i32
      %parallel_loop3A_371 = arith.index_cast %parallel_loop3A_352 : i32 to index
      %parallel_loop3A_372 = arith.index_cast %parallel_loop3A_370 : i32 to index
      %parallel_loop3A_373 = tpu.vector_load %arg5[%parallel_loop3A_371, %parallel_loop3A_372] {strides = array<i32>} : memref<8x1024xf32, #tpu.memory_space<vmem>>, vector<1x16xf32>,
      %parallel_loop3A_374 = vector.shape_cast %parallel_loop3A_373 : vector<1x16xf32> to vector<16xf32>
      %parallel_loop3A_375 = arith.constant 0 : i32
      %parallel_loop3A_376 = arith.index_cast %parallel_loop3A_375 : i32 to index
      %parallel_loop3A_377 = arith.index_cast %parallel_loop3A_352 : i32 to index
      %parallel_loop3A_378 = arith.index_cast %parallel_loop3A_370 : i32 to index
      %parallel_loop3A_379 = tpu.vector_load %arg7[%parallel_loop3A_376, %parallel_loop3A_377, %parallel_loop3A_378] {strides = array<i32>} : memref<4x8x1024xf32, #tpu.memory_space<vmem>>, vector<1x1x16xf32>,
      %parallel_loop3A_380 = vector.shape_cast %parallel_loop3A_379 : vector<1x1x16xf32> to vector<16xf32>
      %parallel_loop3A_381 = arith.addf %parallel_loop3A_380, %parallel_loop3A_374 : vector<16xf32>
      %parallel_loop3A_382 = arith.constant 0 : i32
      %parallel_loop3A_383 = arith.index_cast %parallel_loop3A_382 : i32 to index
      %parallel_loop3A_384 = arith.index_cast %parallel_loop3A_352 : i32 to index
      %parallel_loop3A_385 = arith.index_cast %parallel_loop3A_370 : i32 to index
      %parallel_loop3A_386 = tpu.vector_load %arg7[%parallel_loop3A_383, %parallel_loop3A_384, %parallel_loop3A_385] {strides = array<i32>} : memref<4x8x1024xf32, #tpu.memory_space<vmem>>, vector<1x1x16xf32>,
      %parallel_loop3A_387 = vector.shape_cast %parallel_loop3A_386 : vector<1x1x16xf32> to vector<16xf32>
      %parallel_loop3A_388 = vector.shape_cast %parallel_loop3A_381 : vector<16xf32> to vector<1x1x16xf32>
      tpu.vector_store %arg7[%parallel_loop3A_383, %parallel_loop3A_384, %parallel_loop3A_385], %parallel_loop3A_388 {strides = array<i32>} : memref<4x8x1024xf32, #tpu.memory_space<vmem>>, vector<1x1x16xf32>,
      %parallel_loop3A_389 = arith.constant 1 : i32
      %parallel_loop3A_390 = arith.index_cast %parallel_loop3A_389 : i32 to index
      %parallel_loop3A_391 = arith.index_cast %parallel_loop3A_352 : i32 to index
      %parallel_loop3A_392 = arith.index_cast %parallel_loop3A_370 : i32 to index
      %parallel_loop3A_393 = tpu.vector_load %arg7[%parallel_loop3A_390, %parallel_loop3A_391, %parallel_loop3A_392] {strides = array<i32>} : memref<4x8x1024xf32, #tpu.memory_space<vmem>>, vector<1x1x16xf32>,
      %parallel_loop3A_394 = vector.shape_cast %parallel_loop3A_393 : vector<1x1x16xf32> to vector<16xf32>
      %parallel_loop3A_395 = arith.addf %parallel_loop3A_394, %parallel_loop3A_374 : vector<16xf32>
      %parallel_loop3A_396 = arith.constant 1 : i32
      %parallel_loop3A_397 = arith.index_cast %parallel_loop3A_396 : i32 to index
      %parallel_loop3A_398 = arith.index_cast %parallel_loop3A_352 : i32 to index
      %parallel_loop3A_399 = arith.index_cast %parallel_loop3A_370 : i32 to index
      %parallel_loop3A_400 = tpu.vector_load %arg7[%parallel_loop3A_397, %parallel_loop3A_398, %parallel_loop3A_399] {strides = array<i32>} : memref<4x8x1024xf32, #tpu.memory_space<vmem>>, vector<1x1x16xf32>,
      %parallel_loop3A_401 = vector.shape_cast %parallel_loop3A_400 : vector<1x1x16xf32> to vector<16xf32>
      %parallel_loop3A_402 = vector.shape_cast %parallel_loop3A_395 : vector<16xf32> to vector<1x1x16xf32>
      tpu.vector_store %arg7[%parallel_loop3A_397, %parallel_loop3A_398, %parallel_loop3A_399], %parallel_loop3A_402 {strides = array<i32>} : memref<4x8x1024xf32, #tpu.memory_space<vmem>>, vector<1x1x16xf32>,
      %parallel_loop3A_403 = arith.constant 2 : i32
      %parallel_loop3A_404 = arith.index_cast %parallel_loop3A_403 : i32 to index
      %parallel_loop3A_405 = arith.index_cast %parallel_loop3A_352 : i32 to index
      %parallel_loop3A_406 = arith.index_cast %parallel_loop3A_370 : i32 to index
      %parallel_loop3A_407 = tpu.vector_load %arg7[%parallel_loop3A_404, %parallel_loop3A_405, %parallel_loop3A_406] {strides = array<i32>} : memref<4x8x1024xf32, #tpu.memory_space<vmem>>, vector<1x1x16xf32>,
      %parallel_loop3A_408 = vector.shape_cast %parallel_loop3A_407 : vector<1x1x16xf32> to vector<16xf32>
      %parallel_loop3A_409 = arith.addf %parallel_loop3A_408, %parallel_loop3A_374 : vector<16xf32>
      %parallel_loop3A_410 = arith.constant 2 : i32
      %parallel_loop3A_411 = arith.index_cast %parallel_loop3A_410 : i32 to index
      %parallel_loop3A_412 = arith.index_cast %parallel_loop3A_352 : i32 to index
      %parallel_loop3A_413 = arith.index_cast %parallel_loop3A_370 : i32 to index
      %parallel_loop3A_414 = tpu.vector_load %arg7[%parallel_loop3A_411, %parallel_loop3A_412, %parallel_loop3A_413] {strides = array<i32>} : memref<4x8x1024xf32, #tpu.memory_space<vmem>>, vector<1x1x16xf32>,
      %parallel_loop3A_415 = vector.shape_cast %parallel_loop3A_414 : vector<1x1x16xf32> to vector<16xf32>
      %parallel_loop3A_416 = vector.shape_cast %parallel_loop3A_409 : vector<16xf32> to vector<1x1x16xf32>
      tpu.vector_store %arg7[%parallel_loop3A_411, %parallel_loop3A_412, %parallel_loop3A_413], %parallel_loop3A_416 {strides = array<i32>} : memref<4x8x1024xf32, #tpu.memory_space<vmem>>, vector<1x1x16xf32>,
      %parallel_loop3A_417 = arith.constant 3 : i32
      %parallel_loop3A_418 = arith.index_cast %parallel_loop3A_417 : i32 to index
      %parallel_loop3A_419 = arith.index_cast %parallel_loop3A_352 : i32 to index
      %parallel_loop3A_420 = arith.index_cast %parallel_loop3A_370 : i32 to index
      %parallel_loop3A_421 = tpu.vector_load %arg7[%parallel_loop3A_418, %parallel_loop3A_419, %parallel_loop3A_420] {strides = array<i32>} : memref<4x8x1024xf32, #tpu.memory_space<vmem>>, vector<1x1x16xf32>,
      %parallel_loop3A_422 = vector.shape_cast %parallel_loop3A_421 : vector<1x1x16xf32> to vector<16xf32>
      %parallel_loop3A_423 = arith.addf %parallel_loop3A_422, %parallel_loop3A_374 : vector<16xf32>
      %parallel_loop3A_424 = arith.constant 3 : i32
      %parallel_loop3A_425 = arith.index_cast %parallel_loop3A_424 : i32 to index
      %parallel_loop3A_426 = arith.index_cast %parallel_loop3A_352 : i32 to index
      %parallel_loop3A_427 = arith.index_cast %parallel_loop3A_370 : i32 to index
      %parallel_loop3A_428 = tpu.vector_load %arg7[%parallel_loop3A_425, %parallel_loop3A_426, %parallel_loop3A_427] {strides = array<i32>} : memref<4x8x1024xf32, #tpu.memory_space<vmem>>, vector<1x1x16xf32>,
      %parallel_loop3A_429 = vector.shape_cast %parallel_loop3A_428 : vector<1x1x16xf32> to vector<16xf32>
      %parallel_loop3A_430 = vector.shape_cast %parallel_loop3A_423 : vector<16xf32> to vector<1x1x16xf32>
      tpu.vector_store %arg7[%parallel_loop3A_425, %parallel_loop3A_426, %parallel_loop3A_427], %parallel_loop3A_430 {strides = array<i32>} : memref<4x8x1024xf32, #tpu.memory_space<vmem>>, vector<1x1x16xf32>,
    } {sc.loop_unroll_factor = 8 : i64, sc.parallel_access}
    %add3A_41 = arith.constant 0 : i32
    %add3A_42 = arith.addi %mul3A_2, %add3A_41 : i32
    %dma_start3A_43 = arith.constant 0 : i32
    %dma_start3A_44 = arith.constant 0 : i32
    %dma_start3A_45 = tpu.memref_slice %arg4[%dma_start3A_43, %add3A_42, %dma_start3A_44] : memref<4x2048x1024xf32, #tpu.memory_space<hbm>> -> memref<4x8x1024xf32, #tpu.memory_space<hbm>>
    %dma_start3A_46 = arith.constant 0 : i32
    %dma_start3A_47 = arith.constant 0 : i32
    %dma_start3A_48 = tpu.memref_slice %arg4[%dma_start3A_46, %add3A_42, %dma_start3A_47] : memref<4x2048x1024xf32, #tpu.memory_space<hbm>> -> memref<4x8x1024xf32, #tpu.memory_space<hbm>>
    tpu.enqueue_dma source(%arg7 : memref<4x8x1024xf32, #tpu.memory_space<vmem>>) target(%dma_start3A_48 : memref<4x8x1024xf32, #tpu.memory_space<hbm>>) target_semaphore(%arg15 : memref<!tpu.dma_semaphore, #tpu.memory_space<semaphore_mem>>)
    %add3A_49 = arith.constant 16 : i32
    %add3A_50 = arith.addi %mul3A_2, %add3A_49 : i32
    %dma_start3A_51 = arith.constant 0 : i32
    %dma_start3A_52 = arith.constant 0 : i32
    %dma_start3A_53 = tpu.memref_slice %arg2[%dma_start3A_51, %add3A_50, %dma_start3A_52] : memref<4x2048x1024xf32, #tpu.memory_space<hbm>> -> memref<4x8x1024xf32, #tpu.memory_space<hbm>>
    %dma_start3A_54 = arith.constant 0 : i32
    %dma_start3A_55 = arith.constant 0 : i32
    %dma_start3A_56 = tpu.memref_slice %arg2[%dma_start3A_54, %add3A_50, %dma_start3A_55] : memref<4x2048x1024xf32, #tpu.memory_space<hbm>> -> memref<4x8x1024xf32, #tpu.memory_space<hbm>>
    tpu.enqueue_dma source(%dma_start3A_56 : memref<4x8x1024xf32, #tpu.memory_space<hbm>>) target(%arg9 : memref<4x8x1024xf32, #tpu.memory_space<vmem>>) target_semaphore(%arg14 : memref<!tpu.dma_semaphore, #tpu.memory_space<semaphore_mem>>)
    %add3A_57 = arith.constant 16 : i32
    %add3A_58 = arith.addi %mul3A_2, %add3A_57 : i32
    %dma_start3A_59 = arith.constant 0 : i32
    %dma_start3A_60 = tpu.memref_slice %arg3[%add3A_58, %dma_start3A_59] : memref<2048x1024xf32, #tpu.memory_space<hbm>> -> memref<8x1024xf32, #tpu.memory_space<hbm>>
    %dma_start3A_61 = arith.constant 0 : i32
    %dma_start3A_62 = tpu.memref_slice %arg3[%add3A_58, %dma_start3A_61] : memref<2048x1024xf32, #tpu.memory_space<hbm>> -> memref<8x1024xf32, #tpu.memory_space<hbm>>
    tpu.enqueue_dma source(%dma_start3A_62 : memref<8x1024xf32, #tpu.memory_space<hbm>>) target(%arg5 : memref<8x1024xf32, #tpu.memory_space<vmem>>) target_semaphore(%arg10 : memref<!tpu.dma_semaphore, #tpu.memory_space<semaphore_mem>>)
    %dma_wait3A_63 = arith.constant 0 : i32
    %dma_wait3A_64 = arith.constant 0 : i32
    %dma_wait3A_65 = tpu.memref_slice %arg2[%dma_wait3A_63, %add3A_23, %dma_wait3A_64] : memref<4x2048x1024xf32, #tpu.memory_space<hbm>> -> memref<4x8x1024xf32, #tpu.memory_space<hbm>>
    %dma_wait3A_66 = arith.constant 0 : i32
    %dma_wait3A_67 = arith.constant 0 : i32
    %dma_wait3A_68 = tpu.memref_slice %arg2[%dma_wait3A_66, %add3A_23, %dma_wait3A_67] : memref<4x2048x1024xf32, #tpu.memory_space<hbm>> -> memref<4x8x1024xf32, #tpu.memory_space<hbm>>
    tpu.wait_dma2 semaphore(%arg13 : memref<!tpu.dma_semaphore, #tpu.memory_space<semaphore_mem>>) src(%dma_wait3A_68 : memref<4x8x1024xf32, #tpu.memory_space<hbm>>) dst(%arg8 : memref<4x8x1024xf32, #tpu.memory_space<vmem>>)
    %dma_wait3A_69 = arith.constant 0 : i32
    %dma_wait3A_70 = tpu.memref_slice %arg3[%add3A_9, %dma_wait3A_69] : memref<2048x1024xf32, #tpu.memory_space<hbm>> -> memref<8x1024xf32, #tpu.memory_space<hbm>>
    %dma_wait3A_71 = arith.constant 0 : i32
    %dma_wait3A_72 = tpu.memref_slice %arg3[%add3A_9, %dma_wait3A_71] : memref<2048x1024xf32, #tpu.memory_space<hbm>> -> memref<8x1024xf32, #tpu.memory_space<hbm>>
    tpu.wait_dma2 semaphore(%arg11 : memref<!tpu.dma_semaphore, #tpu.memory_space<semaphore_mem>>) src(%dma_wait3A_72 : memref<8x1024xf32, #tpu.memory_space<hbm>>) dst(%arg6 : memref<8x1024xf32, #tpu.memory_space<vmem>>)
    %parallel_loop3A_73 = arith.constant 0 : i32
    %parallel_loop3A_74 = arith.constant 512 : i32
    %parallel_loop3A_75 = arith.constant 1 : i32
    scf.for %parallel_loop3A_328 = %parallel_loop3A_73 to %parallel_loop3A_74 step %parallel_loop3A_75  : i32 {
      %parallel_loop3A_329 = arith.constant 64 : i32
      %parallel_loop3A_330 = arith.divsi %parallel_loop3A_328, %parallel_loop3A_329 : i32
      %parallel_loop3A_331 = arith.constant 0 : i32
      %parallel_loop3A_332 = arith.cmpi sgt, %parallel_loop3A_328, %parallel_loop3A_331 : i32
      %parallel_loop3A_333 = arith.extui %parallel_loop3A_332 : i1 to i32
      %parallel_loop3A_334 = arith.constant 0 : i32
      %parallel_loop3A_335 = arith.cmpi slt, %parallel_loop3A_328, %parallel_loop3A_334 : i32
      %parallel_loop3A_336 = arith.extui %parallel_loop3A_335 : i1 to i32
      %parallel_loop3A_337 = arith.subi %parallel_loop3A_333, %parallel_loop3A_336 : i32
      %parallel_loop3A_338 = arith.constant 0 : i32
      %parallel_loop3A_339 = arith.cmpi sgt, %parallel_loop3A_329, %parallel_loop3A_338 : i32
      %parallel_loop3A_340 = arith.extui %parallel_loop3A_339 : i1 to i32
      %parallel_loop3A_341 = arith.constant 0 : i32
      %parallel_loop3A_342 = arith.cmpi slt, %parallel_loop3A_329, %parallel_loop3A_341 : i32
      %parallel_loop3A_343 = arith.extui %parallel_loop3A_342 : i1 to i32
      %parallel_loop3A_344 = arith.subi %parallel_loop3A_340, %parallel_loop3A_343 : i32
      %parallel_loop3A_345 = arith.cmpi ne, %parallel_loop3A_337, %parallel_loop3A_344 : i32
      %parallel_loop3A_346 = arith.remsi %parallel_loop3A_328, %parallel_loop3A_329 : i32
      %parallel_loop3A_347 = arith.constant 0 : i32
      %parallel_loop3A_348 = arith.cmpi ne, %parallel_loop3A_346, %parallel_loop3A_347 : i32
      %parallel_loop3A_349 = arith.andi %parallel_loop3A_345, %parallel_loop3A_348 : i1
      %parallel_loop3A_350 = arith.constant 1 : i32
      %parallel_loop3A_351 = arith.subi %parallel_loop3A_330, %parallel_loop3A_350 : i32
      %parallel_loop3A_352 = arith.select %parallel_loop3A_349, %parallel_loop3A_351, %parallel_loop3A_330 : i32
      %parallel_loop3A_353 = arith.constant 64 : i32
      %parallel_loop3A_354 = arith.constant 0 : i32
      %parallel_loop3A_355 = arith.cmpi eq, %parallel_loop3A_353, %parallel_loop3A_354 : i32
      %parallel_loop3A_356 = arith.constant 1 : i32
      %parallel_loop3A_357 = arith.select %parallel_loop3A_355, %parallel_loop3A_356, %parallel_loop3A_353 : i32
      %parallel_loop3A_358 = arith.remsi %parallel_loop3A_328, %parallel_loop3A_357 : i32
      %parallel_loop3A_359 = arith.constant 0 : i32
      %parallel_loop3A_360 = arith.cmpi ne, %parallel_loop3A_358, %parallel_loop3A_359 : i32
      %parallel_loop3A_361 = arith.constant 0 : i32
      %parallel_loop3A_362 = arith.cmpi slt, %parallel_loop3A_358, %parallel_loop3A_361 : i32
      %parallel_loop3A_363 = arith.constant 0 : i32
      %parallel_loop3A_364 = arith.cmpi slt, %parallel_loop3A_357, %parallel_loop3A_363 : i32
      %parallel_loop3A_365 = arith.xori %parallel_loop3A_362, %parallel_loop3A_364 : i1
      %parallel_loop3A_366 = arith.andi %parallel_loop3A_365, %parallel_loop3A_360 : i1
      %parallel_loop3A_367 = arith.addi %parallel_loop3A_358, %parallel_loop3A_357 : i32
      %parallel_loop3A_368 = arith.select %parallel_loop3A_366, %parallel_loop3A_367, %parallel_loop3A_358 : i32
      %parallel_loop3A_369 = arith.constant 16 : i32
      %parallel_loop3A_370 = arith.muli %parallel_loop3A_368, %parallel_loop3A_369 : i32
      %parallel_loop3A_371 = arith.index_cast %parallel_loop3A_352 : i32 to index
      %parallel_loop3A_372 = arith.index_cast %parallel_loop3A_370 : i32 to index
      %parallel_loop3A_373 = tpu.vector_load %arg6[%parallel_loop3A_371, %parallel_loop3A_372] {strides = array<i32>} : memref<8x1024xf32, #tpu.memory_space<vmem>>, vector<1x16xf32>,
      %parallel_loop3A_374 = vector.shape_cast %parallel_loop3A_373 : vector<1x16xf32> to vector<16xf32>
      %parallel_loop3A_375 = arith.constant 0 : i32
      %parallel_loop3A_376 = arith.index_cast %parallel_loop3A_375 : i32 to index
      %parallel_loop3A_377 = arith.index_cast %parallel_loop3A_352 : i32 to index
      %parallel_loop3A_378 = arith.index_cast %parallel_loop3A_370 : i32 to index
      %parallel_loop3A_379 = tpu.vector_load %arg8[%parallel_loop3A_376, %parallel_loop3A_377, %parallel_loop3A_378] {strides = array<i32>} : memref<4x8x1024xf32, #tpu.memory_space<vmem>>, vector<1x1x16xf32>,
      %parallel_loop3A_380 = vector.shape_cast %parallel_loop3A_379 : vector<1x1x16xf32> to vector<16xf32>
      %parallel_loop3A_381 = arith.addf %parallel_loop3A_380, %parallel_loop3A_374 : vector<16xf32>
      %parallel_loop3A_382 = arith.constant 0 : i32
      %parallel_loop3A_383 = arith.index_cast %parallel_loop3A_382 : i32 to index
      %parallel_loop3A_384 = arith.index_cast %parallel_loop3A_352 : i32 to index
      %parallel_loop3A_385 = arith.index_cast %parallel_loop3A_370 : i32 to index
      %parallel_loop3A_386 = tpu.vector_load %arg8[%parallel_loop3A_383, %parallel_loop3A_384, %parallel_loop3A_385] {strides = array<i32>} : memref<4x8x1024xf32, #tpu.memory_space<vmem>>, vector<1x1x16xf32>,
      %parallel_loop3A_387 = vector.shape_cast %parallel_loop3A_386 : vector<1x1x16xf32> to vector<16xf32>
      %parallel_loop3A_388 = vector.shape_cast %parallel_loop3A_381 : vector<16xf32> to vector<1x1x16xf32>
      tpu.vector_store %arg8[%parallel_loop3A_383, %parallel_loop3A_384, %parallel_loop3A_385], %parallel_loop3A_388 {strides = array<i32>} : memref<4x8x1024xf32, #tpu.memory_space<vmem>>, vector<1x1x16xf32>,
      %parallel_loop3A_389 = arith.constant 1 : i32
      %parallel_loop3A_390 = arith.index_cast %parallel_loop3A_389 : i32 to index
      %parallel_loop3A_391 = arith.index_cast %parallel_loop3A_352 : i32 to index
      %parallel_loop3A_392 = arith.index_cast %parallel_loop3A_370 : i32 to index
      %parallel_loop3A_393 = tpu.vector_load %arg8[%parallel_loop3A_390, %parallel_loop3A_391, %parallel_loop3A_392] {strides = array<i32>} : memref<4x8x1024xf32, #tpu.memory_space<vmem>>, vector<1x1x16xf32>,
      %parallel_loop3A_394 = vector.shape_cast %parallel_loop3A_393 : vector<1x1x16xf32> to vector<16xf32>
      %parallel_loop3A_395 = arith.addf %parallel_loop3A_394, %parallel_loop3A_374 : vector<16xf32>
      %parallel_loop3A_396 = arith.constant 1 : i32
      %parallel_loop3A_397 = arith.index_cast %parallel_loop3A_396 : i32 to index
      %parallel_loop3A_398 = arith.index_cast %parallel_loop3A_352 : i32 to index
      %parallel_loop3A_399 = arith.index_cast %parallel_loop3A_370 : i32 to index
      %parallel_loop3A_400 = tpu.vector_load %arg8[%parallel_loop3A_397, %parallel_loop3A_398, %parallel_loop3A_399] {strides = array<i32>} : memref<4x8x1024xf32, #tpu.memory_space<vmem>>, vector<1x1x16xf32>,
      %parallel_loop3A_401 = vector.shape_cast %parallel_loop3A_400 : vector<1x1x16xf32> to vector<16xf32>
      %parallel_loop3A_402 = vector.shape_cast %parallel_loop3A_395 : vector<16xf32> to vector<1x1x16xf32>
      tpu.vector_store %arg8[%parallel_loop3A_397, %parallel_loop3A_398, %parallel_loop3A_399], %parallel_loop3A_402 {strides = array<i32>} : memref<4x8x1024xf32, #tpu.memory_space<vmem>>, vector<1x1x16xf32>,
      %parallel_loop3A_403 = arith.constant 2 : i32
      %parallel_loop3A_404 = arith.index_cast %parallel_loop3A_403 : i32 to index
      %parallel_loop3A_405 = arith.index_cast %parallel_loop3A_352 : i32 to index
      %parallel_loop3A_406 = arith.index_cast %parallel_loop3A_370 : i32 to index
      %parallel_loop3A_407 = tpu.vector_load %arg8[%parallel_loop3A_404, %parallel_loop3A_405, %parallel_loop3A_406] {strides = array<i32>} : memref<4x8x1024xf32, #tpu.memory_space<vmem>>, vector<1x1x16xf32>,
      %parallel_loop3A_408 = vector.shape_cast %parallel_loop3A_407 : vector<1x1x16xf32> to vector<16xf32>
      %parallel_loop3A_409 = arith.addf %parallel_loop3A_408, %parallel_loop3A_374 : vector<16xf32>
      %parallel_loop3A_410 = arith.constant 2 : i32
      %parallel_loop3A_411 = arith.index_cast %parallel_loop3A_410 : i32 to index
      %parallel_loop3A_412 = arith.index_cast %parallel_loop3A_352 : i32 to index
      %parallel_loop3A_413 = arith.index_cast %parallel_loop3A_370 : i32 to index
      %parallel_loop3A_414 = tpu.vector_load %arg8[%parallel_loop3A_411, %parallel_loop3A_412, %parallel_loop3A_413] {strides = array<i32>} : memref<4x8x1024xf32, #tpu.memory_space<vmem>>, vector<1x1x16xf32>,
      %parallel_loop3A_415 = vector.shape_cast %parallel_loop3A_414 : vector<1x1x16xf32> to vector<16xf32>
      %parallel_loop3A_416 = vector.shape_cast %parallel_loop3A_409 : vector<16xf32> to vector<1x1x16xf32>
      tpu.vector_store %arg8[%parallel_loop3A_411, %parallel_loop3A_412, %parallel_loop3A_413], %parallel_loop3A_416 {strides = array<i32>} : memref<4x8x1024xf32, #tpu.memory_space<vmem>>, vector<1x1x16xf32>,
      %parallel_loop3A_417 = arith.constant 3 : i32
      %parallel_loop3A_418 = arith.index_cast %parallel_loop3A_417 : i32 to index
      %parallel_loop3A_419 = arith.index_cast %parallel_loop3A_352 : i32 to index
      %parallel_loop3A_420 = arith.index_cast %parallel_loop3A_370 : i32 to index
      %parallel_loop3A_421 = tpu.vector_load %arg8[%parallel_loop3A_418, %parallel_loop3A_419, %parallel_loop3A_420] {strides = array<i32>} : memref<4x8x1024xf32, #tpu.memory_space<vmem>>, vector<1x1x16xf32>,
      %parallel_loop3A_422 = vector.shape_cast %parallel_loop3A_421 : vector<1x1x16xf32> to vector<16xf32>
      %parallel_loop3A_423 = arith.addf %parallel_loop3A_422, %parallel_loop3A_374 : vector<16xf32>
      %parallel_loop3A_424 = arith.constant 3 : i32
      %parallel_loop3A_425 = arith.index_cast %parallel_loop3A_424 : i32 to index
      %parallel_loop3A_426 = arith.index_cast %parallel_loop3A_352 : i32 to index
      %parallel_loop3A_427 = arith.index_cast %parallel_loop3A_370 : i32 to index
      %parallel_loop3A_428 = tpu.vector_load %arg8[%parallel_loop3A_425, %parallel_loop3A_426, %parallel_loop3A_427] {strides = array<i32>} : memref<4x8x1024xf32, #tpu.memory_space<vmem>>, vector<1x1x16xf32>,
      %parallel_loop3A_429 = vector.shape_cast %parallel_loop3A_428 : vector<1x1x16xf32> to vector<16xf32>
      %parallel_loop3A_430 = vector.shape_cast %parallel_loop3A_423 : vector<16xf32> to vector<1x1x16xf32>
      tpu.vector_store %arg8[%parallel_loop3A_425, %parallel_loop3A_426, %parallel_loop3A_427], %parallel_loop3A_430 {strides = array<i32>} : memref<4x8x1024xf32, #tpu.memory_space<vmem>>, vector<1x1x16xf32>,
    } {sc.loop_unroll_factor = 8 : i64, sc.parallel_access}
    %add3A_76 = arith.constant 8 : i32
    %add3A_77 = arith.addi %mul3A_2, %add3A_76 : i32
    %dma_start3A_78 = arith.constant 0 : i32
    %dma_start3A_79 = arith.constant 0 : i32
    %dma_start3A_80 = tpu.memref_slice %arg4[%dma_start3A_78, %add3A_77, %dma_start3A_79] : memref<4x2048x1024xf32, #tpu.memory_space<hbm>> -> memref<4x8x1024xf32, #tpu.memory_space<hbm>>
    %dma_start3A_81 = arith.constant 0 : i32
    %dma_start3A_82 = arith.constant 0 : i32
    %dma_start3A_83 = tpu.memref_slice %arg4[%dma_start3A_81, %add3A_77, %dma_start3A_82] : memref<4x2048x1024xf32, #tpu.memory_space<hbm>> -> memref<4x8x1024xf32, #tpu.memory_space<hbm>>
    tpu.enqueue_dma source(%arg8 : memref<4x8x1024xf32, #tpu.memory_space<vmem>>) target(%dma_start3A_83 : memref<4x8x1024xf32, #tpu.memory_space<hbm>>) target_semaphore(%arg16 : memref<!tpu.dma_semaphore, #tpu.memory_space<semaphore_mem>>)
    %dma_wait3A_84 = arith.constant 0 : i32
    %dma_wait3A_85 = arith.constant 0 : i32
    %dma_wait3A_86 = tpu.memref_slice %arg4[%dma_wait3A_84, %add3A_42, %dma_wait3A_85] : memref<4x2048x1024xf32, #tpu.memory_space<hbm>> -> memref<4x8x1024xf32, #tpu.memory_space<hbm>>
    %dma_wait3A_87 = arith.constant 0 : i32
    %dma_wait3A_88 = arith.constant 0 : i32
    %dma_wait3A_89 = tpu.memref_slice %arg4[%dma_wait3A_87, %add3A_42, %dma_wait3A_88] : memref<4x2048x1024xf32, #tpu.memory_space<hbm>> -> memref<4x8x1024xf32, #tpu.memory_space<hbm>>
    tpu.wait_dma2 semaphore(%arg15 : memref<!tpu.dma_semaphore, #tpu.memory_space<semaphore_mem>>) src(%arg7 : memref<4x8x1024xf32, #tpu.memory_space<vmem>>) dst(%dma_wait3A_89 : memref<4x8x1024xf32, #tpu.memory_space<hbm>>)
    %add3A_90 = arith.constant 24 : i32
    %add3A_91 = arith.addi %mul3A_2, %add3A_90 : i32
    %dma_start3A_92 = arith.constant 0 : i32
    %dma_start3A_93 = arith.constant 0 : i32
    %dma_start3A_94 = tpu.memref_slice %arg2[%dma_start3A_92, %add3A_91, %dma_start3A_93] : memref<4x2048x1024xf32, #tpu.memory_space<hbm>> -> memref<4x8x1024xf32, #tpu.memory_space<hbm>>
    %dma_start3A_95 = arith.constant 0 : i32
    %dma_start3A_96 = arith.constant 0 : i32
    %dma_start3A_97 = tpu.memref_slice %arg2[%dma_start3A_95, %add3A_91, %dma_start3A_96] : memref<4x2048x1024xf32, #tpu.memory_space<hbm>> -> memref<4x8x1024xf32, #tpu.memory_space<hbm>>
    tpu.enqueue_dma source(%dma_start3A_97 : memref<4x8x1024xf32, #tpu.memory_space<hbm>>) target(%arg7 : memref<4x8x1024xf32, #tpu.memory_space<vmem>>) target_semaphore(%arg12 : memref<!tpu.dma_semaphore, #tpu.memory_space<semaphore_mem>>)
    %add3A_98 = arith.constant 24 : i32
    %add3A_99 = arith.addi %mul3A_2, %add3A_98 : i32
    %dma_start3A_100 = arith.constant 0 : i32
    %dma_start3A_101 = tpu.memref_slice %arg3[%add3A_99, %dma_start3A_100] : memref<2048x1024xf32, #tpu.memory_space<hbm>> -> memref<8x1024xf32, #tpu.memory_space<hbm>>
    %dma_start3A_102 = arith.constant 0 : i32
    %dma_start3A_103 = tpu.memref_slice %arg3[%add3A_99, %dma_start3A_102] : memref<2048x1024xf32, #tpu.memory_space<hbm>> -> memref<8x1024xf32, #tpu.memory_space<hbm>>
    tpu.enqueue_dma source(%dma_start3A_103 : memref<8x1024xf32, #tpu.memory_space<hbm>>) target(%arg6 : memref<8x1024xf32, #tpu.memory_space<vmem>>) target_semaphore(%arg11 : memref<!tpu.dma_semaphore, #tpu.memory_space<semaphore_mem>>)
    %dma_wait3A_104 = arith.constant 0 : i32
    %dma_wait3A_105 = arith.constant 0 : i32
    %dma_wait3A_106 = tpu.memref_slice %arg2[%dma_wait3A_104, %add3A_50, %dma_wait3A_105] : memref<4x2048x1024xf32, #tpu.memory_space<hbm>> -> memref<4x8x1024xf32, #tpu.memory_space<hbm>>
    %dma_wait3A_107 = arith.constant 0 : i32
    %dma_wait3A_108 = arith.constant 0 : i32
    %dma_wait3A_109 = tpu.memref_slice %arg2[%dma_wait3A_107, %add3A_50, %dma_wait3A_108] : memref<4x2048x1024xf32, #tpu.memory_space<hbm>> -> memref<4x8x1024xf32, #tpu.memory_space<hbm>>
    tpu.wait_dma2 semaphore(%arg14 : memref<!tpu.dma_semaphore, #tpu.memory_space<semaphore_mem>>) src(%dma_wait3A_109 : memref<4x8x1024xf32, #tpu.memory_space<hbm>>) dst(%arg9 : memref<4x8x1024xf32, #tpu.memory_space<vmem>>)
    %dma_wait3A_110 = arith.constant 0 : i32
    %dma_wait3A_111 = tpu.memref_slice %arg3[%add3A_58, %dma_wait3A_110] : memref<2048x1024xf32, #tpu.memory_space<hbm>> -> memref<8x1024xf32, #tpu.memory_space<hbm>>
    %dma_wait3A_112 = arith.constant 0 : i32
    %dma_wait3A_113 = tpu.memref_slice %arg3[%add3A_58, %dma_wait3A_112] : memref<2048x1024xf32, #tpu.memory_space<hbm>> -> memref<8x1024xf32, #tpu.memory_space<hbm>>
    tpu.wait_dma2 semaphore(%arg10 : memref<!tpu.dma_semaphore, #tpu.memory_space<semaphore_mem>>) src(%dma_wait3A_113 : memref<8x1024xf32, #tpu.memory_space<hbm>>) dst(%arg5 : memref<8x1024xf32, #tpu.memory_space<vmem>>)
    %parallel_loop3A_114 = arith.constant 0 : i32
    %parallel_loop3A_115 = arith.constant 512 : i32
    %parallel_loop3A_116 = arith.constant 1 : i32
    scf.for %parallel_loop3A_328 = %parallel_loop3A_114 to %parallel_loop3A_115 step %parallel_loop3A_116  : i32 {
      %parallel_loop3A_329 = arith.constant 64 : i32
      %parallel_loop3A_330 = arith.divsi %parallel_loop3A_328, %parallel_loop3A_329 : i32
      %parallel_loop3A_331 = arith.constant 0 : i32
      %parallel_loop3A_332 = arith.cmpi sgt, %parallel_loop3A_328, %parallel_loop3A_331 : i32
      %parallel_loop3A_333 = arith.extui %parallel_loop3A_332 : i1 to i32
      %parallel_loop3A_334 = arith.constant 0 : i32
      %parallel_loop3A_335 = arith.cmpi slt, %parallel_loop3A_328, %parallel_loop3A_334 : i32
      %parallel_loop3A_336 = arith.extui %parallel_loop3A_335 : i1 to i32
      %parallel_loop3A_337 = arith.subi %parallel_loop3A_333, %parallel_loop3A_336 : i32
      %parallel_loop3A_338 = arith.constant 0 : i32
      %parallel_loop3A_339 = arith.cmpi sgt, %parallel_loop3A_329, %parallel_loop3A_338 : i32
      %parallel_loop3A_340 = arith.extui %parallel_loop3A_339 : i1 to i32
      %parallel_loop3A_341 = arith.constant 0 : i32
      %parallel_loop3A_342 = arith.cmpi slt, %parallel_loop3A_329, %parallel_loop3A_341 : i32
      %parallel_loop3A_343 = arith.extui %parallel_loop3A_342 : i1 to i32
      %parallel_loop3A_344 = arith.subi %parallel_loop3A_340, %parallel_loop3A_343 : i32
      %parallel_loop3A_345 = arith.cmpi ne, %parallel_loop3A_337, %parallel_loop3A_344 : i32
      %parallel_loop3A_346 = arith.remsi %parallel_loop3A_328, %parallel_loop3A_329 : i32
      %parallel_loop3A_347 = arith.constant 0 : i32
      %parallel_loop3A_348 = arith.cmpi ne, %parallel_loop3A_346, %parallel_loop3A_347 : i32
      %parallel_loop3A_349 = arith.andi %parallel_loop3A_345, %parallel_loop3A_348 : i1
      %parallel_loop3A_350 = arith.constant 1 : i32
      %parallel_loop3A_351 = arith.subi %parallel_loop3A_330, %parallel_loop3A_350 : i32
      %parallel_loop3A_352 = arith.select %parallel_loop3A_349, %parallel_loop3A_351, %parallel_loop3A_330 : i32
      %parallel_loop3A_353 = arith.constant 64 : i32
      %parallel_loop3A_354 = arith.constant 0 : i32
      %parallel_loop3A_355 = arith.cmpi eq, %parallel_loop3A_353, %parallel_loop3A_354 : i32
      %parallel_loop3A_356 = arith.constant 1 : i32
      %parallel_loop3A_357 = arith.select %parallel_loop3A_355, %parallel_loop3A_356, %parallel_loop3A_353 : i32
      %parallel_loop3A_358 = arith.remsi %parallel_loop3A_328, %parallel_loop3A_357 : i32
      %parallel_loop3A_359 = arith.constant 0 : i32
      %parallel_loop3A_360 = arith.cmpi ne, %parallel_loop3A_358, %parallel_loop3A_359 : i32
      %parallel_loop3A_361 = arith.constant 0 : i32
      %parallel_loop3A_362 = arith.cmpi slt, %parallel_loop3A_358, %parallel_loop3A_361 : i32
      %parallel_loop3A_363 = arith.constant 0 : i32
      %parallel_loop3A_364 = arith.cmpi slt, %parallel_loop3A_357, %parallel_loop3A_363 : i32
      %parallel_loop3A_365 = arith.xori %parallel_loop3A_362, %parallel_loop3A_364 : i1
      %parallel_loop3A_366 = arith.andi %parallel_loop3A_365, %parallel_loop3A_360 : i1
      %parallel_loop3A_367 = arith.addi %parallel_loop3A_358, %parallel_loop3A_357 : i32
      %parallel_loop3A_368 = arith.select %parallel_loop3A_366, %parallel_loop3A_367, %parallel_loop3A_358 : i32
      %parallel_loop3A_369 = arith.constant 16 : i32
      %parallel_loop3A_370 = arith.muli %parallel_loop3A_368, %parallel_loop3A_369 : i32
      %parallel_loop3A_371 = arith.index_cast %parallel_loop3A_352 : i32 to index
      %parallel_loop3A_372 = arith.index_cast %parallel_loop3A_370 : i32 to index
      %parallel_loop3A_373 = tpu.vector_load %arg5[%parallel_loop3A_371, %parallel_loop3A_372] {strides = array<i32>} : memref<8x1024xf32, #tpu.memory_space<vmem>>, vector<1x16xf32>,
      %parallel_loop3A_374 = vector.shape_cast %parallel_loop3A_373 : vector<1x16xf32> to vector<16xf32>
      %parallel_loop3A_375 = arith.constant 0 : i32
      %parallel_loop3A_376 = arith.index_cast %parallel_loop3A_375 : i32 to index
      %parallel_loop3A_377 = arith.index_cast %parallel_loop3A_352 : i32 to index
      %parallel_loop3A_378 = arith.index_cast %parallel_loop3A_370 : i32 to index
      %parallel_loop3A_379 = tpu.vector_load %arg9[%parallel_loop3A_376, %parallel_loop3A_377, %parallel_loop3A_378] {strides = array<i32>} : memref<4x8x1024xf32, #tpu.memory_space<vmem>>, vector<1x1x16xf32>,
      %parallel_loop3A_380 = vector.shape_cast %parallel_loop3A_379 : vector<1x1x16xf32> to vector<16xf32>
      %parallel_loop3A_381 = arith.addf %parallel_loop3A_380, %parallel_loop3A_374 : vector<16xf32>
      %parallel_loop3A_382 = arith.constant 0 : i32
      %parallel_loop3A_383 = arith.index_cast %parallel_loop3A_382 : i32 to index
      %parallel_loop3A_384 = arith.index_cast %parallel_loop3A_352 : i32 to index
      %parallel_loop3A_385 = arith.index_cast %parallel_loop3A_370 : i32 to index
      %parallel_loop3A_386 = tpu.vector_load %arg9[%parallel_loop3A_383, %parallel_loop3A_384, %parallel_loop3A_385] {strides = array<i32>} : memref<4x8x1024xf32, #tpu.memory_space<vmem>>, vector<1x1x16xf32>,
      %parallel_loop3A_387 = vector.shape_cast %parallel_loop3A_386 : vector<1x1x16xf32> to vector<16xf32>
      %parallel_loop3A_388 = vector.shape_cast %parallel_loop3A_381 : vector<16xf32> to vector<1x1x16xf32>
      tpu.vector_store %arg9[%parallel_loop3A_383, %parallel_loop3A_384, %parallel_loop3A_385], %parallel_loop3A_388 {strides = array<i32>} : memref<4x8x1024xf32, #tpu.memory_space<vmem>>, vector<1x1x16xf32>,
      %parallel_loop3A_389 = arith.constant 1 : i32
      %parallel_loop3A_390 = arith.index_cast %parallel_loop3A_389 : i32 to index
      %parallel_loop3A_391 = arith.index_cast %parallel_loop3A_352 : i32 to index
      %parallel_loop3A_392 = arith.index_cast %parallel_loop3A_370 : i32 to index
      %parallel_loop3A_393 = tpu.vector_load %arg9[%parallel_loop3A_390, %parallel_loop3A_391, %parallel_loop3A_392] {strides = array<i32>} : memref<4x8x1024xf32, #tpu.memory_space<vmem>>, vector<1x1x16xf32>,
      %parallel_loop3A_394 = vector.shape_cast %parallel_loop3A_393 : vector<1x1x16xf32> to vector<16xf32>
      %parallel_loop3A_395 = arith.addf %parallel_loop3A_394, %parallel_loop3A_374 : vector<16xf32>
      %parallel_loop3A_396 = arith.constant 1 : i32
      %parallel_loop3A_397 = arith.index_cast %parallel_loop3A_396 : i32 to index
      %parallel_loop3A_398 = arith.index_cast %parallel_loop3A_352 : i32 to index
      %parallel_loop3A_399 = arith.index_cast %parallel_loop3A_370 : i32 to index
      %parallel_loop3A_400 = tpu.vector_load %arg9[%parallel_loop3A_397, %parallel_loop3A_398, %parallel_loop3A_399] {strides = array<i32>} : memref<4x8x1024xf32, #tpu.memory_space<vmem>>, vector<1x1x16xf32>,
      %parallel_loop3A_401 = vector.shape_cast %parallel_loop3A_400 : vector<1x1x16xf32> to vector<16xf32>
      %parallel_loop3A_402 = vector.shape_cast %parallel_loop3A_395 : vector<16xf32> to vector<1x1x16xf32>
      tpu.vector_store %arg9[%parallel_loop3A_397, %parallel_loop3A_398, %parallel_loop3A_399], %parallel_loop3A_402 {strides = array<i32>} : memref<4x8x1024xf32, #tpu.memory_space<vmem>>, vector<1x1x16xf32>,
      %parallel_loop3A_403 = arith.constant 2 : i32
      %parallel_loop3A_404 = arith.index_cast %parallel_loop3A_403 : i32 to index
      %parallel_loop3A_405 = arith.index_cast %parallel_loop3A_352 : i32 to index
      %parallel_loop3A_406 = arith.index_cast %parallel_loop3A_370 : i32 to index
      %parallel_loop3A_407 = tpu.vector_load %arg9[%parallel_loop3A_404, %parallel_loop3A_405, %parallel_loop3A_406] {strides = array<i32>} : memref<4x8x1024xf32, #tpu.memory_space<vmem>>, vector<1x1x16xf32>,
      %parallel_loop3A_408 = vector.shape_cast %parallel_loop3A_407 : vector<1x1x16xf32> to vector<16xf32>
      %parallel_loop3A_409 = arith.addf %parallel_loop3A_408, %parallel_loop3A_374 : vector<16xf32>
      %parallel_loop3A_410 = arith.constant 2 : i32
      %parallel_loop3A_411 = arith.index_cast %parallel_loop3A_410 : i32 to index
      %parallel_loop3A_412 = arith.index_cast %parallel_loop3A_352 : i32 to index
      %parallel_loop3A_413 = arith.index_cast %parallel_loop3A_370 : i32 to index
      %parallel_loop3A_414 = tpu.vector_load %arg9[%parallel_loop3A_411, %parallel_loop3A_412, %parallel_loop3A_413] {strides = array<i32>} : memref<4x8x1024xf32, #tpu.memory_space<vmem>>, vector<1x1x16xf32>,
      %parallel_loop3A_415 = vector.shape_cast %parallel_loop3A_414 : vector<1x1x16xf32> to vector<16xf32>
      %parallel_loop3A_416 = vector.shape_cast %parallel_loop3A_409 : vector<16xf32> to vector<1x1x16xf32>
      tpu.vector_store %arg9[%parallel_loop3A_411, %parallel_loop3A_412, %parallel_loop3A_413], %parallel_loop3A_416 {strides = array<i32>} : memref<4x8x1024xf32, #tpu.memory_space<vmem>>, vector<1x1x16xf32>,
      %parallel_loop3A_417 = arith.constant 3 : i32
      %parallel_loop3A_418 = arith.index_cast %parallel_loop3A_417 : i32 to index
      %parallel_loop3A_419 = arith.index_cast %parallel_loop3A_352 : i32 to index
      %parallel_loop3A_420 = arith.index_cast %parallel_loop3A_370 : i32 to index
      %parallel_loop3A_421 = tpu.vector_load %arg9[%parallel_loop3A_418, %parallel_loop3A_419, %parallel_loop3A_420] {strides = array<i32>} : memref<4x8x1024xf32, #tpu.memory_space<vmem>>, vector<1x1x16xf32>,
      %parallel_loop3A_422 = vector.shape_cast %parallel_loop3A_421 : vector<1x1x16xf32> to vector<16xf32>
      %parallel_loop3A_423 = arith.addf %parallel_loop3A_422, %parallel_loop3A_374 : vector<16xf32>
      %parallel_loop3A_424 = arith.constant 3 : i32
      %parallel_loop3A_425 = arith.index_cast %parallel_loop3A_424 : i32 to index
      %parallel_loop3A_426 = arith.index_cast %parallel_loop3A_352 : i32 to index
      %parallel_loop3A_427 = arith.index_cast %parallel_loop3A_370 : i32 to index
      %parallel_loop3A_428 = tpu.vector_load %arg9[%parallel_loop3A_425, %parallel_loop3A_426, %parallel_loop3A_427] {strides = array<i32>} : memref<4x8x1024xf32, #tpu.memory_space<vmem>>, vector<1x1x16xf32>,
      %parallel_loop3A_429 = vector.shape_cast %parallel_loop3A_428 : vector<1x1x16xf32> to vector<16xf32>
      %parallel_loop3A_430 = vector.shape_cast %parallel_loop3A_423 : vector<16xf32> to vector<1x1x16xf32>
      tpu.vector_store %arg9[%parallel_loop3A_425, %parallel_loop3A_426, %parallel_loop3A_427], %parallel_loop3A_430 {strides = array<i32>} : memref<4x8x1024xf32, #tpu.memory_space<vmem>>, vector<1x1x16xf32>,
    } {sc.loop_unroll_factor = 8 : i64, sc.parallel_access}
    %add3A_117 = arith.constant 16 : i32
    %add3A_118 = arith.addi %mul3A_2, %add3A_117 : i32
    %dma_start3A_119 = arith.constant 0 : i32
    %dma_start3A_120 = arith.constant 0 : i32
    %dma_start3A_121 = tpu.memref_slice %arg4[%dma_start3A_119, %add3A_118, %dma_start3A_120] : memref<4x2048x1024xf32, #tpu.memory_space<hbm>> -> memref<4x8x1024xf32, #tpu.memory_space<hbm>>
    %dma_start3A_122 = arith.constant 0 : i32
    %dma_start3A_123 = arith.constant 0 : i32
    %dma_start3A_124 = tpu.memref_slice %arg4[%dma_start3A_122, %add3A_118, %dma_start3A_123] : memref<4x2048x1024xf32, #tpu.memory_space<hbm>> -> memref<4x8x1024xf32, #tpu.memory_space<hbm>>
    tpu.enqueue_dma source(%arg9 : memref<4x8x1024xf32, #tpu.memory_space<vmem>>) target(%dma_start3A_124 : memref<4x8x1024xf32, #tpu.memory_space<hbm>>) target_semaphore(%arg17 : memref<!tpu.dma_semaphore, #tpu.memory_space<semaphore_mem>>)
    %dma_wait3A_125 = arith.constant 0 : i32
    %dma_wait3A_126 = arith.constant 0 : i32
    %dma_wait3A_127 = tpu.memref_slice %arg4[%dma_wait3A_125, %add3A_77, %dma_wait3A_126] : memref<4x2048x1024xf32, #tpu.memory_space<hbm>> -> memref<4x8x1024xf32, #tpu.memory_space<hbm>>
    %dma_wait3A_128 = arith.constant 0 : i32
    %dma_wait3A_129 = arith.constant 0 : i32
    %dma_wait3A_130 = tpu.memref_slice %arg4[%dma_wait3A_128, %add3A_77, %dma_wait3A_129] : memref<4x2048x1024xf32, #tpu.memory_space<hbm>> -> memref<4x8x1024xf32, #tpu.memory_space<hbm>>
    tpu.wait_dma2 semaphore(%arg16 : memref<!tpu.dma_semaphore, #tpu.memory_space<semaphore_mem>>) src(%arg8 : memref<4x8x1024xf32, #tpu.memory_space<vmem>>) dst(%dma_wait3A_130 : memref<4x8x1024xf32, #tpu.memory_space<hbm>>)
    %add3A_131 = arith.constant 32 : i32
    %add3A_132 = arith.addi %mul3A_2, %add3A_131 : i32
    %dma_start3A_133 = arith.constant 0 : i32
    %dma_start3A_134 = arith.constant 0 : i32
    %dma_start3A_135 = tpu.memref_slice %arg2[%dma_start3A_133, %add3A_132, %dma_start3A_134] : memref<4x2048x1024xf32, #tpu.memory_space<hbm>> -> memref<4x8x1024xf32, #tpu.memory_space<hbm>>
    %dma_start3A_136 = arith.constant 0 : i32
    %dma_start3A_137 = arith.constant 0 : i32
    %dma_start3A_138 = tpu.memref_slice %arg2[%dma_start3A_136, %add3A_132, %dma_start3A_137] : memref<4x2048x1024xf32, #tpu.memory_space<hbm>> -> memref<4x8x1024xf32, #tpu.memory_space<hbm>>
    tpu.enqueue_dma source(%dma_start3A_138 : memref<4x8x1024xf32, #tpu.memory_space<hbm>>) target(%arg8 : memref<4x8x1024xf32, #tpu.memory_space<vmem>>) target_semaphore(%arg13 : memref<!tpu.dma_semaphore, #tpu.memory_space<semaphore_mem>>)
    %add3A_139 = arith.constant 32 : i32
    %add3A_140 = arith.addi %mul3A_2, %add3A_139 : i32
    %dma_start3A_141 = arith.constant 0 : i32
    %dma_start3A_142 = tpu.memref_slice %arg3[%add3A_140, %dma_start3A_141] : memref<2048x1024xf32, #tpu.memory_space<hbm>> -> memref<8x1024xf32, #tpu.memory_space<hbm>>
    %dma_start3A_143 = arith.constant 0 : i32
    %dma_start3A_144 = tpu.memref_slice %arg3[%add3A_140, %dma_start3A_143] : memref<2048x1024xf32, #tpu.memory_space<hbm>> -> memref<8x1024xf32, #tpu.memory_space<hbm>>
    tpu.enqueue_dma source(%dma_start3A_144 : memref<8x1024xf32, #tpu.memory_space<hbm>>) target(%arg5 : memref<8x1024xf32, #tpu.memory_space<vmem>>) target_semaphore(%arg10 : memref<!tpu.dma_semaphore, #tpu.memory_space<semaphore_mem>>)
    %dma_wait3A_145 = arith.constant 0 : i32
    %dma_wait3A_146 = arith.constant 0 : i32
    %dma_wait3A_147 = tpu.memref_slice %arg2[%dma_wait3A_145, %add3A_91, %dma_wait3A_146] : memref<4x2048x1024xf32, #tpu.memory_space<hbm>> -> memref<4x8x1024xf32, #tpu.memory_space<hbm>>
    %dma_wait3A_148 = arith.constant 0 : i32
    %dma_wait3A_149 = arith.constant 0 : i32
    %dma_wait3A_150 = tpu.memref_slice %arg2[%dma_wait3A_148, %add3A_91, %dma_wait3A_149] : memref<4x2048x1024xf32, #tpu.memory_space<hbm>> -> memref<4x8x1024xf32, #tpu.memory_space<hbm>>
    tpu.wait_dma2 semaphore(%arg12 : memref<!tpu.dma_semaphore, #tpu.memory_space<semaphore_mem>>) src(%dma_wait3A_150 : memref<4x8x1024xf32, #tpu.memory_space<hbm>>) dst(%arg7 : memref<4x8x1024xf32, #tpu.memory_space<vmem>>)
    %dma_wait3A_151 = arith.constant 0 : i32
    %dma_wait3A_152 = tpu.memref_slice %arg3[%add3A_99, %dma_wait3A_151] : memref<2048x1024xf32, #tpu.memory_space<hbm>> -> memref<8x1024xf32, #tpu.memory_space<hbm>>
    %dma_wait3A_153 = arith.constant 0 : i32
    %dma_wait3A_154 = tpu.memref_slice %arg3[%add3A_99, %dma_wait3A_153] : memref<2048x1024xf32, #tpu.memory_space<hbm>> -> memref<8x1024xf32, #tpu.memory_space<hbm>>
    tpu.wait_dma2 semaphore(%arg11 : memref<!tpu.dma_semaphore, #tpu.memory_space<semaphore_mem>>) src(%dma_wait3A_154 : memref<8x1024xf32, #tpu.memory_space<hbm>>) dst(%arg6 : memref<8x1024xf32, #tpu.memory_space<vmem>>)
    %parallel_loop3A_155 = arith.constant 0 : i32
    %parallel_loop3A_156 = arith.constant 512 : i32
    %parallel_loop3A_157 = arith.constant 1 : i32
    scf.for %parallel_loop3A_328 = %parallel_loop3A_155 to %parallel_loop3A_156 step %parallel_loop3A_157  : i32 {
      %parallel_loop3A_329 = arith.constant 64 : i32
      %parallel_loop3A_330 = arith.divsi %parallel_loop3A_328, %parallel_loop3A_329 : i32
      %parallel_loop3A_331 = arith.constant 0 : i32
      %parallel_loop3A_332 = arith.cmpi sgt, %parallel_loop3A_328, %parallel_loop3A_331 : i32
      %parallel_loop3A_333 = arith.extui %parallel_loop3A_332 : i1 to i32
      %parallel_loop3A_334 = arith.constant 0 : i32
      %parallel_loop3A_335 = arith.cmpi slt, %parallel_loop3A_328, %parallel_loop3A_334 : i32
      %parallel_loop3A_336 = arith.extui %parallel_loop3A_335 : i1 to i32
      %parallel_loop3A_337 = arith.subi %parallel_loop3A_333, %parallel_loop3A_336 : i32
      %parallel_loop3A_338 = arith.constant 0 : i32
      %parallel_loop3A_339 = arith.cmpi sgt, %parallel_loop3A_329, %parallel_loop3A_338 : i32
      %parallel_loop3A_340 = arith.extui %parallel_loop3A_339 : i1 to i32
      %parallel_loop3A_341 = arith.constant 0 : i32
      %parallel_loop3A_342 = arith.cmpi slt, %parallel_loop3A_329, %parallel_loop3A_341 : i32
      %parallel_loop3A_343 = arith.extui %parallel_loop3A_342 : i1 to i32
      %parallel_loop3A_344 = arith.subi %parallel_loop3A_340, %parallel_loop3A_343 : i32
      %parallel_loop3A_345 = arith.cmpi ne, %parallel_loop3A_337, %parallel_loop3A_344 : i32
      %parallel_loop3A_346 = arith.remsi %parallel_loop3A_328, %parallel_loop3A_329 : i32
      %parallel_loop3A_347 = arith.constant 0 : i32
      %parallel_loop3A_348 = arith.cmpi ne, %parallel_loop3A_346, %parallel_loop3A_347 : i32
      %parallel_loop3A_349 = arith.andi %parallel_loop3A_345, %parallel_loop3A_348 : i1
      %parallel_loop3A_350 = arith.constant 1 : i32
      %parallel_loop3A_351 = arith.subi %parallel_loop3A_330, %parallel_loop3A_350 : i32
      %parallel_loop3A_352 = arith.select %parallel_loop3A_349, %parallel_loop3A_351, %parallel_loop3A_330 : i32
      %parallel_loop3A_353 = arith.constant 64 : i32
      %parallel_loop3A_354 = arith.constant 0 : i32
      %parallel_loop3A_355 = arith.cmpi eq, %parallel_loop3A_353, %parallel_loop3A_354 : i32
      %parallel_loop3A_356 = arith.constant 1 : i32
      %parallel_loop3A_357 = arith.select %parallel_loop3A_355, %parallel_loop3A_356, %parallel_loop3A_353 : i32
      %parallel_loop3A_358 = arith.remsi %parallel_loop3A_328, %parallel_loop3A_357 : i32
      %parallel_loop3A_359 = arith.constant 0 : i32
      %parallel_loop3A_360 = arith.cmpi ne, %parallel_loop3A_358, %parallel_loop3A_359 : i32
      %parallel_loop3A_361 = arith.constant 0 : i32
      %parallel_loop3A_362 = arith.cmpi slt, %parallel_loop3A_358, %parallel_loop3A_361 : i32
      %parallel_loop3A_363 = arith.constant 0 : i32
      %parallel_loop3A_364 = arith.cmpi slt, %parallel_loop3A_357, %parallel_loop3A_363 : i32
      %parallel_loop3A_365 = arith.xori %parallel_loop3A_362, %parallel_loop3A_364 : i1
      %parallel_loop3A_366 = arith.andi %parallel_loop3A_365, %parallel_loop3A_360 : i1
      %parallel_loop3A_367 = arith.addi %parallel_loop3A_358, %parallel_loop3A_357 : i32
      %parallel_loop3A_368 = arith.select %parallel_loop3A_366, %parallel_loop3A_367, %parallel_loop3A_358 : i32
      %parallel_loop3A_369 = arith.constant 16 : i32
      %parallel_loop3A_370 = arith.muli %parallel_loop3A_368, %parallel_loop3A_369 : i32
      %parallel_loop3A_371 = arith.index_cast %parallel_loop3A_352 : i32 to index
      %parallel_loop3A_372 = arith.index_cast %parallel_loop3A_370 : i32 to index
      %parallel_loop3A_373 = tpu.vector_load %arg6[%parallel_loop3A_371, %parallel_loop3A_372] {strides = array<i32>} : memref<8x1024xf32, #tpu.memory_space<vmem>>, vector<1x16xf32>,
      %parallel_loop3A_374 = vector.shape_cast %parallel_loop3A_373 : vector<1x16xf32> to vector<16xf32>
      %parallel_loop3A_375 = arith.constant 0 : i32
      %parallel_loop3A_376 = arith.index_cast %parallel_loop3A_375 : i32 to index
      %parallel_loop3A_377 = arith.index_cast %parallel_loop3A_352 : i32 to index
      %parallel_loop3A_378 = arith.index_cast %parallel_loop3A_370 : i32 to index
      %parallel_loop3A_379 = tpu.vector_load %arg7[%parallel_loop3A_376, %parallel_loop3A_377, %parallel_loop3A_378] {strides = array<i32>} : memref<4x8x1024xf32, #tpu.memory_space<vmem>>, vector<1x1x16xf32>,
      %parallel_loop3A_380 = vector.shape_cast %parallel_loop3A_379 : vector<1x1x16xf32> to vector<16xf32>
      %parallel_loop3A_381 = arith.addf %parallel_loop3A_380, %parallel_loop3A_374 : vector<16xf32>
      %parallel_loop3A_382 = arith.constant 0 : i32
      %parallel_loop3A_383 = arith.index_cast %parallel_loop3A_382 : i32 to index
      %parallel_loop3A_384 = arith.index_cast %parallel_loop3A_352 : i32 to index
      %parallel_loop3A_385 = arith.index_cast %parallel_loop3A_370 : i32 to index
      %parallel_loop3A_386 = tpu.vector_load %arg7[%parallel_loop3A_383, %parallel_loop3A_384, %parallel_loop3A_385] {strides = array<i32>} : memref<4x8x1024xf32, #tpu.memory_space<vmem>>, vector<1x1x16xf32>,
      %parallel_loop3A_387 = vector.shape_cast %parallel_loop3A_386 : vector<1x1x16xf32> to vector<16xf32>
      %parallel_loop3A_388 = vector.shape_cast %parallel_loop3A_381 : vector<16xf32> to vector<1x1x16xf32>
      tpu.vector_store %arg7[%parallel_loop3A_383, %parallel_loop3A_384, %parallel_loop3A_385], %parallel_loop3A_388 {strides = array<i32>} : memref<4x8x1024xf32, #tpu.memory_space<vmem>>, vector<1x1x16xf32>,
      %parallel_loop3A_389 = arith.constant 1 : i32
      %parallel_loop3A_390 = arith.index_cast %parallel_loop3A_389 : i32 to index
      %parallel_loop3A_391 = arith.index_cast %parallel_loop3A_352 : i32 to index
      %parallel_loop3A_392 = arith.index_cast %parallel_loop3A_370 : i32 to index
      %parallel_loop3A_393 = tpu.vector_load %arg7[%parallel_loop3A_390, %parallel_loop3A_391, %parallel_loop3A_392] {strides = array<i32>} : memref<4x8x1024xf32, #tpu.memory_space<vmem>>, vector<1x1x16xf32>,
      %parallel_loop3A_394 = vector.shape_cast %parallel_loop3A_393 : vector<1x1x16xf32> to vector<16xf32>
      %parallel_loop3A_395 = arith.addf %parallel_loop3A_394, %parallel_loop3A_374 : vector<16xf32>
      %parallel_loop3A_396 = arith.constant 1 : i32
      %parallel_loop3A_397 = arith.index_cast %parallel_loop3A_396 : i32 to index
      %parallel_loop3A_398 = arith.index_cast %parallel_loop3A_352 : i32 to index
      %parallel_loop3A_399 = arith.index_cast %parallel_loop3A_370 : i32 to index
      %parallel_loop3A_400 = tpu.vector_load %arg7[%parallel_loop3A_397, %parallel_loop3A_398, %parallel_loop3A_399] {strides = array<i32>} : memref<4x8x1024xf32, #tpu.memory_space<vmem>>, vector<1x1x16xf32>,
      %parallel_loop3A_401 = vector.shape_cast %parallel_loop3A_400 : vector<1x1x16xf32> to vector<16xf32>
      %parallel_loop3A_402 = vector.shape_cast %parallel_loop3A_395 : vector<16xf32> to vector<1x1x16xf32>
      tpu.vector_store %arg7[%parallel_loop3A_397, %parallel_loop3A_398, %parallel_loop3A_399], %parallel_loop3A_402 {strides = array<i32>} : memref<4x8x1024xf32, #tpu.memory_space<vmem>>, vector<1x1x16xf32>,
      %parallel_loop3A_403 = arith.constant 2 : i32
      %parallel_loop3A_404 = arith.index_cast %parallel_loop3A_403 : i32 to index
      %parallel_loop3A_405 = arith.index_cast %parallel_loop3A_352 : i32 to index
      %parallel_loop3A_406 = arith.index_cast %parallel_loop3A_370 : i32 to index
      %parallel_loop3A_407 = tpu.vector_load %arg7[%parallel_loop3A_404, %parallel_loop3A_405, %parallel_loop3A_406] {strides = array<i32>} : memref<4x8x1024xf32, #tpu.memory_space<vmem>>, vector<1x1x16xf32>,
      %parallel_loop3A_408 = vector.shape_cast %parallel_loop3A_407 : vector<1x1x16xf32> to vector<16xf32>
      %parallel_loop3A_409 = arith.addf %parallel_loop3A_408, %parallel_loop3A_374 : vector<16xf32>
      %parallel_loop3A_410 = arith.constant 2 : i32
      %parallel_loop3A_411 = arith.index_cast %parallel_loop3A_410 : i32 to index
      %parallel_loop3A_412 = arith.index_cast %parallel_loop3A_352 : i32 to index
      %parallel_loop3A_413 = arith.index_cast %parallel_loop3A_370 : i32 to index
      %parallel_loop3A_414 = tpu.vector_load %arg7[%parallel_loop3A_411, %parallel_loop3A_412, %parallel_loop3A_413] {strides = array<i32>} : memref<4x8x1024xf32, #tpu.memory_space<vmem>>, vector<1x1x16xf32>,
      %parallel_loop3A_415 = vector.shape_cast %parallel_loop3A_414 : vector<1x1x16xf32> to vector<16xf32>
      %parallel_loop3A_416 = vector.shape_cast %parallel_loop3A_409 : vector<16xf32> to vector<1x1x16xf32>
      tpu.vector_store %arg7[%parallel_loop3A_411, %parallel_loop3A_412, %parallel_loop3A_413], %parallel_loop3A_416 {strides = array<i32>} : memref<4x8x1024xf32, #tpu.memory_space<vmem>>, vector<1x1x16xf32>,
      %parallel_loop3A_417 = arith.constant 3 : i32
      %parallel_loop3A_418 = arith.index_cast %parallel_loop3A_417 : i32 to index
      %parallel_loop3A_419 = arith.index_cast %parallel_loop3A_352 : i32 to index
      %parallel_loop3A_420 = arith.index_cast %parallel_loop3A_370 : i32 to index
      %parallel_loop3A_421 = tpu.vector_load %arg7[%parallel_loop3A_418, %parallel_loop3A_419, %parallel_loop3A_420] {strides = array<i32>} : memref<4x8x1024xf32, #tpu.memory_space<vmem>>, vector<1x1x16xf32>,
      %parallel_loop3A_422 = vector.shape_cast %parallel_loop3A_421 : vector<1x1x16xf32> to vector<16xf32>
      %parallel_loop3A_423 = arith.addf %parallel_loop3A_422, %parallel_loop3A_374 : vector<16xf32>
      %parallel_loop3A_424 = arith.constant 3 : i32
      %parallel_loop3A_425 = arith.index_cast %parallel_loop3A_424 : i32 to index
      %parallel_loop3A_426 = arith.index_cast %parallel_loop3A_352 : i32 to index
      %parallel_loop3A_427 = arith.index_cast %parallel_loop3A_370 : i32 to index
      %parallel_loop3A_428 = tpu.vector_load %arg7[%parallel_loop3A_425, %parallel_loop3A_426, %parallel_loop3A_427] {strides = array<i32>} : memref<4x8x1024xf32, #tpu.memory_space<vmem>>, vector<1x1x16xf32>,
      %parallel_loop3A_429 = vector.shape_cast %parallel_loop3A_428 : vector<1x1x16xf32> to vector<16xf32>
      %parallel_loop3A_430 = vector.shape_cast %parallel_loop3A_423 : vector<16xf32> to vector<1x1x16xf32>
      tpu.vector_store %arg7[%parallel_loop3A_425, %parallel_loop3A_426, %parallel_loop3A_427], %parallel_loop3A_430 {strides = array<i32>} : memref<4x8x1024xf32, #tpu.memory_space<vmem>>, vector<1x1x16xf32>,
    } {sc.loop_unroll_factor = 8 : i64, sc.parallel_access}
    %add3A_158 = arith.constant 24 : i32
    %add3A_159 = arith.addi %mul3A_2, %add3A_158 : i32
    %dma_start3A_160 = arith.constant 0 : i32
    %dma_start3A_161 = arith.constant 0 : i32
    %dma_start3A_162 = tpu.memref_slice %arg4[%dma_start3A_160, %add3A_159, %dma_start3A_161] : memref<4x2048x1024xf32, #tpu.memory_space<hbm>> -> memref<4x8x1024xf32, #tpu.memory_space<hbm>>
    %dma_start3A_163 = arith.constant 0 : i32
    %dma_start3A_164 = arith.constant 0 : i32
    %dma_start3A_165 = tpu.memref_slice %arg4[%dma_start3A_163, %add3A_159, %dma_start3A_164] : memref<4x2048x1024xf32, #tpu.memory_space<hbm>> -> memref<4x8x1024xf32, #tpu.memory_space<hbm>>
    tpu.enqueue_dma source(%arg7 : memref<4x8x1024xf32, #tpu.memory_space<vmem>>) target(%dma_start3A_165 : memref<4x8x1024xf32, #tpu.memory_space<hbm>>) target_semaphore(%arg15 : memref<!tpu.dma_semaphore, #tpu.memory_space<semaphore_mem>>)
    %dma_wait3A_166 = arith.constant 0 : i32
    %dma_wait3A_167 = arith.constant 0 : i32
    %dma_wait3A_168 = tpu.memref_slice %arg4[%dma_wait3A_166, %add3A_118, %dma_wait3A_167] : memref<4x2048x1024xf32, #tpu.memory_space<hbm>> -> memref<4x8x1024xf32, #tpu.memory_space<hbm>>
    %dma_wait3A_169 = arith.constant 0 : i32
    %dma_wait3A_170 = arith.constant 0 : i32
    %dma_wait3A_171 = tpu.memref_slice %arg4[%dma_wait3A_169, %add3A_118, %dma_wait3A_170] : memref<4x2048x1024xf32, #tpu.memory_space<hbm>> -> memref<4x8x1024xf32, #tpu.memory_space<hbm>>
    tpu.wait_dma2 semaphore(%arg17 : memref<!tpu.dma_semaphore, #tpu.memory_space<semaphore_mem>>) src(%arg9 : memref<4x8x1024xf32, #tpu.memory_space<vmem>>) dst(%dma_wait3A_171 : memref<4x8x1024xf32, #tpu.memory_space<hbm>>)
    %add3A_172 = arith.constant 40 : i32
    %add3A_173 = arith.addi %mul3A_2, %add3A_172 : i32
    %dma_start3A_174 = arith.constant 0 : i32
    %dma_start3A_175 = arith.constant 0 : i32
    %dma_start3A_176 = tpu.memref_slice %arg2[%dma_start3A_174, %add3A_173, %dma_start3A_175] : memref<4x2048x1024xf32, #tpu.memory_space<hbm>> -> memref<4x8x1024xf32, #tpu.memory_space<hbm>>
    %dma_start3A_177 = arith.constant 0 : i32
    %dma_start3A_178 = arith.constant 0 : i32
    %dma_start3A_179 = tpu.memref_slice %arg2[%dma_start3A_177, %add3A_173, %dma_start3A_178] : memref<4x2048x1024xf32, #tpu.memory_space<hbm>> -> memref<4x8x1024xf32, #tpu.memory_space<hbm>>
    tpu.enqueue_dma source(%dma_start3A_179 : memref<4x8x1024xf32, #tpu.memory_space<hbm>>) target(%arg9 : memref<4x8x1024xf32, #tpu.memory_space<vmem>>) target_semaphore(%arg14 : memref<!tpu.dma_semaphore, #tpu.memory_space<semaphore_mem>>)
    %add3A_180 = arith.constant 40 : i32
    %add3A_181 = arith.addi %mul3A_2, %add3A_180 : i32
    %dma_start3A_182 = arith.constant 0 : i32
    %dma_start3A_183 = tpu.memref_slice %arg3[%add3A_181, %dma_start3A_182] : memref<2048x1024xf32, #tpu.memory_space<hbm>> -> memref<8x1024xf32, #tpu.memory_space<hbm>>
    %dma_start3A_184 = arith.constant 0 : i32
    %dma_start3A_185 = tpu.memref_slice %arg3[%add3A_181, %dma_start3A_184] : memref<2048x1024xf32, #tpu.memory_space<hbm>> -> memref<8x1024xf32, #tpu.memory_space<hbm>>
    tpu.enqueue_dma source(%dma_start3A_185 : memref<8x1024xf32, #tpu.memory_space<hbm>>) target(%arg6 : memref<8x1024xf32, #tpu.memory_space<vmem>>) target_semaphore(%arg11 : memref<!tpu.dma_semaphore, #tpu.memory_space<semaphore_mem>>)
    %dma_wait3A_186 = arith.constant 0 : i32
    %dma_wait3A_187 = arith.constant 0 : i32
    %dma_wait3A_188 = tpu.memref_slice %arg2[%dma_wait3A_186, %add3A_132, %dma_wait3A_187] : memref<4x2048x1024xf32, #tpu.memory_space<hbm>> -> memref<4x8x1024xf32, #tpu.memory_space<hbm>>
    %dma_wait3A_189 = arith.constant 0 : i32
    %dma_wait3A_190 = arith.constant 0 : i32
    %dma_wait3A_191 = tpu.memref_slice %arg2[%dma_wait3A_189, %add3A_132, %dma_wait3A_190] : memref<4x2048x1024xf32, #tpu.memory_space<hbm>> -> memref<4x8x1024xf32, #tpu.memory_space<hbm>>
    tpu.wait_dma2 semaphore(%arg13 : memref<!tpu.dma_semaphore, #tpu.memory_space<semaphore_mem>>) src(%dma_wait3A_191 : memref<4x8x1024xf32, #tpu.memory_space<hbm>>) dst(%arg8 : memref<4x8x1024xf32, #tpu.memory_space<vmem>>)
    %dma_wait3A_192 = arith.constant 0 : i32
    %dma_wait3A_193 = tpu.memref_slice %arg3[%add3A_140, %dma_wait3A_192] : memref<2048x1024xf32, #tpu.memory_space<hbm>> -> memref<8x1024xf32, #tpu.memory_space<hbm>>
    %dma_wait3A_194 = arith.constant 0 : i32
    %dma_wait3A_195 = tpu.memref_slice %arg3[%add3A_140, %dma_wait3A_194] : memref<2048x1024xf32, #tpu.memory_space<hbm>> -> memref<8x1024xf32, #tpu.memory_space<hbm>>
    tpu.wait_dma2 semaphore(%arg10 : memref<!tpu.dma_semaphore, #tpu.memory_space<semaphore_mem>>) src(%dma_wait3A_195 : memref<8x1024xf32, #tpu.memory_space<hbm>>) dst(%arg5 : memref<8x1024xf32, #tpu.memory_space<vmem>>)
    %parallel_loop3A_196 = arith.constant 0 : i32
    %parallel_loop3A_197 = arith.constant 512 : i32
    %parallel_loop3A_198 = arith.constant 1 : i32
    scf.for %parallel_loop3A_328 = %parallel_loop3A_196 to %parallel_loop3A_197 step %parallel_loop3A_198  : i32 {
      %parallel_loop3A_329 = arith.constant 64 : i32
      %parallel_loop3A_330 = arith.divsi %parallel_loop3A_328, %parallel_loop3A_329 : i32
      %parallel_loop3A_331 = arith.constant 0 : i32
      %parallel_loop3A_332 = arith.cmpi sgt, %parallel_loop3A_328, %parallel_loop3A_331 : i32
      %parallel_loop3A_333 = arith.extui %parallel_loop3A_332 : i1 to i32
      %parallel_loop3A_334 = arith.constant 0 : i32
      %parallel_loop3A_335 = arith.cmpi slt, %parallel_loop3A_328, %parallel_loop3A_334 : i32
      %parallel_loop3A_336 = arith.extui %parallel_loop3A_335 : i1 to i32
      %parallel_loop3A_337 = arith.subi %parallel_loop3A_333, %parallel_loop3A_336 : i32
      %parallel_loop3A_338 = arith.constant 0 : i32
      %parallel_loop3A_339 = arith.cmpi sgt, %parallel_loop3A_329, %parallel_loop3A_338 : i32
      %parallel_loop3A_340 = arith.extui %parallel_loop3A_339 : i1 to i32
      %parallel_loop3A_341 = arith.constant 0 : i32
      %parallel_loop3A_342 = arith.cmpi slt, %parallel_loop3A_329, %parallel_loop3A_341 : i32
      %parallel_loop3A_343 = arith.extui %parallel_loop3A_342 : i1 to i32
      %parallel_loop3A_344 = arith.subi %parallel_loop3A_340, %parallel_loop3A_343 : i32
      %parallel_loop3A_345 = arith.cmpi ne, %parallel_loop3A_337, %parallel_loop3A_344 : i32
      %parallel_loop3A_346 = arith.remsi %parallel_loop3A_328, %parallel_loop3A_329 : i32
      %parallel_loop3A_347 = arith.constant 0 : i32
      %parallel_loop3A_348 = arith.cmpi ne, %parallel_loop3A_346, %parallel_loop3A_347 : i32
      %parallel_loop3A_349 = arith.andi %parallel_loop3A_345, %parallel_loop3A_348 : i1
      %parallel_loop3A_350 = arith.constant 1 : i32
      %parallel_loop3A_351 = arith.subi %parallel_loop3A_330, %parallel_loop3A_350 : i32
      %parallel_loop3A_352 = arith.select %parallel_loop3A_349, %parallel_loop3A_351, %parallel_loop3A_330 : i32
      %parallel_loop3A_353 = arith.constant 64 : i32
      %parallel_loop3A_354 = arith.constant 0 : i32
      %parallel_loop3A_355 = arith.cmpi eq, %parallel_loop3A_353, %parallel_loop3A_354 : i32
      %parallel_loop3A_356 = arith.constant 1 : i32
      %parallel_loop3A_357 = arith.select %parallel_loop3A_355, %parallel_loop3A_356, %parallel_loop3A_353 : i32
      %parallel_loop3A_358 = arith.remsi %parallel_loop3A_328, %parallel_loop3A_357 : i32
      %parallel_loop3A_359 = arith.constant 0 : i32
      %parallel_loop3A_360 = arith.cmpi ne, %parallel_loop3A_358, %parallel_loop3A_359 : i32
      %parallel_loop3A_361 = arith.constant 0 : i32
      %parallel_loop3A_362 = arith.cmpi slt, %parallel_loop3A_358, %parallel_loop3A_361 : i32
      %parallel_loop3A_363 = arith.constant 0 : i32
      %parallel_loop3A_364 = arith.cmpi slt, %parallel_loop3A_357, %parallel_loop3A_363 : i32
      %parallel_loop3A_365 = arith.xori %parallel_loop3A_362, %parallel_loop3A_364 : i1
      %parallel_loop3A_366 = arith.andi %parallel_loop3A_365, %parallel_loop3A_360 : i1
      %parallel_loop3A_367 = arith.addi %parallel_loop3A_358, %parallel_loop3A_357 : i32
      %parallel_loop3A_368 = arith.select %parallel_loop3A_366, %parallel_loop3A_367, %parallel_loop3A_358 : i32
      %parallel_loop3A_369 = arith.constant 16 : i32
      %parallel_loop3A_370 = arith.muli %parallel_loop3A_368, %parallel_loop3A_369 : i32
      %parallel_loop3A_371 = arith.index_cast %parallel_loop3A_352 : i32 to index
      %parallel_loop3A_372 = arith.index_cast %parallel_loop3A_370 : i32 to index
      %parallel_loop3A_373 = tpu.vector_load %arg5[%parallel_loop3A_371, %parallel_loop3A_372] {strides = array<i32>} : memref<8x1024xf32, #tpu.memory_space<vmem>>, vector<1x16xf32>,
      %parallel_loop3A_374 = vector.shape_cast %parallel_loop3A_373 : vector<1x16xf32> to vector<16xf32>
      %parallel_loop3A_375 = arith.constant 0 : i32
      %parallel_loop3A_376 = arith.index_cast %parallel_loop3A_375 : i32 to index
      %parallel_loop3A_377 = arith.index_cast %parallel_loop3A_352 : i32 to index
      %parallel_loop3A_378 = arith.index_cast %parallel_loop3A_370 : i32 to index
      %parallel_loop3A_379 = tpu.vector_load %arg8[%parallel_loop3A_376, %parallel_loop3A_377, %parallel_loop3A_378] {strides = array<i32>} : memref<4x8x1024xf32, #tpu.memory_space<vmem>>, vector<1x1x16xf32>,
      %parallel_loop3A_380 = vector.shape_cast %parallel_loop3A_379 : vector<1x1x16xf32> to vector<16xf32>
      %parallel_loop3A_381 = arith.addf %parallel_loop3A_380, %parallel_loop3A_374 : vector<16xf32>
      %parallel_loop3A_382 = arith.constant 0 : i32
      %parallel_loop3A_383 = arith.index_cast %parallel_loop3A_382 : i32 to index
      %parallel_loop3A_384 = arith.index_cast %parallel_loop3A_352 : i32 to index
      %parallel_loop3A_385 = arith.index_cast %parallel_loop3A_370 : i32 to index
      %parallel_loop3A_386 = tpu.vector_load %arg8[%parallel_loop3A_383, %parallel_loop3A_384, %parallel_loop3A_385] {strides = array<i32>} : memref<4x8x1024xf32, #tpu.memory_space<vmem>>, vector<1x1x16xf32>,
      %parallel_loop3A_387 = vector.shape_cast %parallel_loop3A_386 : vector<1x1x16xf32> to vector<16xf32>
      %parallel_loop3A_388 = vector.shape_cast %parallel_loop3A_381 : vector<16xf32> to vector<1x1x16xf32>
      tpu.vector_store %arg8[%parallel_loop3A_383, %parallel_loop3A_384, %parallel_loop3A_385], %parallel_loop3A_388 {strides = array<i32>} : memref<4x8x1024xf32, #tpu.memory_space<vmem>>, vector<1x1x16xf32>,
      %parallel_loop3A_389 = arith.constant 1 : i32
      %parallel_loop3A_390 = arith.index_cast %parallel_loop3A_389 : i32 to index
      %parallel_loop3A_391 = arith.index_cast %parallel_loop3A_352 : i32 to index
      %parallel_loop3A_392 = arith.index_cast %parallel_loop3A_370 : i32 to index
      %parallel_loop3A_393 = tpu.vector_load %arg8[%parallel_loop3A_390, %parallel_loop3A_391, %parallel_loop3A_392] {strides = array<i32>} : memref<4x8x1024xf32, #tpu.memory_space<vmem>>, vector<1x1x16xf32>,
      %parallel_loop3A_394 = vector.shape_cast %parallel_loop3A_393 : vector<1x1x16xf32> to vector<16xf32>
      %parallel_loop3A_395 = arith.addf %parallel_loop3A_394, %parallel_loop3A_374 : vector<16xf32>
      %parallel_loop3A_396 = arith.constant 1 : i32
      %parallel_loop3A_397 = arith.index_cast %parallel_loop3A_396 : i32 to index
      %parallel_loop3A_398 = arith.index_cast %parallel_loop3A_352 : i32 to index
      %parallel_loop3A_399 = arith.index_cast %parallel_loop3A_370 : i32 to index
      %parallel_loop3A_400 = tpu.vector_load %arg8[%parallel_loop3A_397, %parallel_loop3A_398, %parallel_loop3A_399] {strides = array<i32>} : memref<4x8x1024xf32, #tpu.memory_space<vmem>>, vector<1x1x16xf32>,
      %parallel_loop3A_401 = vector.shape_cast %parallel_loop3A_400 : vector<1x1x16xf32> to vector<16xf32>
      %parallel_loop3A_402 = vector.shape_cast %parallel_loop3A_395 : vector<16xf32> to vector<1x1x16xf32>
      tpu.vector_store %arg8[%parallel_loop3A_397, %parallel_loop3A_398, %parallel_loop3A_399], %parallel_loop3A_402 {strides = array<i32>} : memref<4x8x1024xf32, #tpu.memory_space<vmem>>, vector<1x1x16xf32>,
      %parallel_loop3A_403 = arith.constant 2 : i32
      %parallel_loop3A_404 = arith.index_cast %parallel_loop3A_403 : i32 to index
      %parallel_loop3A_405 = arith.index_cast %parallel_loop3A_352 : i32 to index
      %parallel_loop3A_406 = arith.index_cast %parallel_loop3A_370 : i32 to index
      %parallel_loop3A_407 = tpu.vector_load %arg8[%parallel_loop3A_404, %parallel_loop3A_405, %parallel_loop3A_406] {strides = array<i32>} : memref<4x8x1024xf32, #tpu.memory_space<vmem>>, vector<1x1x16xf32>,
      %parallel_loop3A_408 = vector.shape_cast %parallel_loop3A_407 : vector<1x1x16xf32> to vector<16xf32>
      %parallel_loop3A_409 = arith.addf %parallel_loop3A_408, %parallel_loop3A_374 : vector<16xf32>
      %parallel_loop3A_410 = arith.constant 2 : i32
      %parallel_loop3A_411 = arith.index_cast %parallel_loop3A_410 : i32 to index
      %parallel_loop3A_412 = arith.index_cast %parallel_loop3A_352 : i32 to index
      %parallel_loop3A_413 = arith.index_cast %parallel_loop3A_370 : i32 to index
      %parallel_loop3A_414 = tpu.vector_load %arg8[%parallel_loop3A_411, %parallel_loop3A_412, %parallel_loop3A_413] {strides = array<i32>} : memref<4x8x1024xf32, #tpu.memory_space<vmem>>, vector<1x1x16xf32>,
      %parallel_loop3A_415 = vector.shape_cast %parallel_loop3A_414 : vector<1x1x16xf32> to vector<16xf32>
      %parallel_loop3A_416 = vector.shape_cast %parallel_loop3A_409 : vector<16xf32> to vector<1x1x16xf32>
      tpu.vector_store %arg8[%parallel_loop3A_411, %parallel_loop3A_412, %parallel_loop3A_413], %parallel_loop3A_416 {strides = array<i32>} : memref<4x8x1024xf32, #tpu.memory_space<vmem>>, vector<1x1x16xf32>,
      %parallel_loop3A_417 = arith.constant 3 : i32
      %parallel_loop3A_418 = arith.index_cast %parallel_loop3A_417 : i32 to index
      %parallel_loop3A_419 = arith.index_cast %parallel_loop3A_352 : i32 to index
      %parallel_loop3A_420 = arith.index_cast %parallel_loop3A_370 : i32 to index
      %parallel_loop3A_421 = tpu.vector_load %arg8[%parallel_loop3A_418, %parallel_loop3A_419, %parallel_loop3A_420] {strides = array<i32>} : memref<4x8x1024xf32, #tpu.memory_space<vmem>>, vector<1x1x16xf32>,
      %parallel_loop3A_422 = vector.shape_cast %parallel_loop3A_421 : vector<1x1x16xf32> to vector<16xf32>
      %parallel_loop3A_423 = arith.addf %parallel_loop3A_422, %parallel_loop3A_374 : vector<16xf32>
      %parallel_loop3A_424 = arith.constant 3 : i32
      %parallel_loop3A_425 = arith.index_cast %parallel_loop3A_424 : i32 to index
      %parallel_loop3A_426 = arith.index_cast %parallel_loop3A_352 : i32 to index
      %parallel_loop3A_427 = arith.index_cast %parallel_loop3A_370 : i32 to index
      %parallel_loop3A_428 = tpu.vector_load %arg8[%parallel_loop3A_425, %parallel_loop3A_426, %parallel_loop3A_427] {strides = array<i32>} : memref<4x8x1024xf32, #tpu.memory_space<vmem>>, vector<1x1x16xf32>,
      %parallel_loop3A_429 = vector.shape_cast %parallel_loop3A_428 : vector<1x1x16xf32> to vector<16xf32>
      %parallel_loop3A_430 = vector.shape_cast %parallel_loop3A_423 : vector<16xf32> to vector<1x1x16xf32>
      tpu.vector_store %arg8[%parallel_loop3A_425, %parallel_loop3A_426, %parallel_loop3A_427], %parallel_loop3A_430 {strides = array<i32>} : memref<4x8x1024xf32, #tpu.memory_space<vmem>>, vector<1x1x16xf32>,
    } {sc.loop_unroll_factor = 8 : i64, sc.parallel_access}
    %add3A_199 = arith.constant 32 : i32
    %add3A_200 = arith.addi %mul3A_2, %add3A_199 : i32
    %dma_start3A_201 = arith.constant 0 : i32
    %dma_start3A_202 = arith.constant 0 : i32
    %dma_start3A_203 = tpu.memref_slice %arg4[%dma_start3A_201, %add3A_200, %dma_start3A_202] : memref<4x2048x1024xf32, #tpu.memory_space<hbm>> -> memref<4x8x1024xf32, #tpu.memory_space<hbm>>
    %dma_start3A_204 = arith.constant 0 : i32
    %dma_start3A_205 = arith.constant 0 : i32
    %dma_start3A_206 = tpu.memref_slice %arg4[%dma_start3A_204, %add3A_200, %dma_start3A_205] : memref<4x2048x1024xf32, #tpu.memory_space<hbm>> -> memref<4x8x1024xf32, #tpu.memory_space<hbm>>
    tpu.enqueue_dma source(%arg8 : memref<4x8x1024xf32, #tpu.memory_space<vmem>>) target(%dma_start3A_206 : memref<4x8x1024xf32, #tpu.memory_space<hbm>>) target_semaphore(%arg16 : memref<!tpu.dma_semaphore, #tpu.memory_space<semaphore_mem>>)
    %dma_wait3A_207 = arith.constant 0 : i32
    %dma_wait3A_208 = arith.constant 0 : i32
    %dma_wait3A_209 = tpu.memref_slice %arg4[%dma_wait3A_207, %add3A_159, %dma_wait3A_208] : memref<4x2048x1024xf32, #tpu.memory_space<hbm>> -> memref<4x8x1024xf32, #tpu.memory_space<hbm>>
    %dma_wait3A_210 = arith.constant 0 : i32
    %dma_wait3A_211 = arith.constant 0 : i32
    %dma_wait3A_212 = tpu.memref_slice %arg4[%dma_wait3A_210, %add3A_159, %dma_wait3A_211] : memref<4x2048x1024xf32, #tpu.memory_space<hbm>> -> memref<4x8x1024xf32, #tpu.memory_space<hbm>>
    tpu.wait_dma2 semaphore(%arg15 : memref<!tpu.dma_semaphore, #tpu.memory_space<semaphore_mem>>) src(%arg7 : memref<4x8x1024xf32, #tpu.memory_space<vmem>>) dst(%dma_wait3A_212 : memref<4x8x1024xf32, #tpu.memory_space<hbm>>)
    %add3A_213 = arith.constant 48 : i32
    %add3A_214 = arith.addi %mul3A_2, %add3A_213 : i32
    %dma_start3A_215 = arith.constant 0 : i32
    %dma_start3A_216 = arith.constant 0 : i32
    %dma_start3A_217 = tpu.memref_slice %arg2[%dma_start3A_215, %add3A_214, %dma_start3A_216] : memref<4x2048x1024xf32, #tpu.memory_space<hbm>> -> memref<4x8x1024xf32, #tpu.memory_space<hbm>>
    %dma_start3A_218 = arith.constant 0 : i32
    %dma_start3A_219 = arith.constant 0 : i32
    %dma_start3A_220 = tpu.memref_slice %arg2[%dma_start3A_218, %add3A_214, %dma_start3A_219] : memref<4x2048x1024xf32, #tpu.memory_space<hbm>> -> memref<4x8x1024xf32, #tpu.memory_space<hbm>>
    tpu.enqueue_dma source(%dma_start3A_220 : memref<4x8x1024xf32, #tpu.memory_space<hbm>>) target(%arg7 : memref<4x8x1024xf32, #tpu.memory_space<vmem>>) target_semaphore(%arg12 : memref<!tpu.dma_semaphore, #tpu.memory_space<semaphore_mem>>)
    %add3A_221 = arith.constant 48 : i32
    %add3A_222 = arith.addi %mul3A_2, %add3A_221 : i32
    %dma_start3A_223 = arith.constant 0 : i32
    %dma_start3A_224 = tpu.memref_slice %arg3[%add3A_222, %dma_start3A_223] : memref<2048x1024xf32, #tpu.memory_space<hbm>> -> memref<8x1024xf32, #tpu.memory_space<hbm>>
    %dma_start3A_225 = arith.constant 0 : i32
    %dma_start3A_226 = tpu.memref_slice %arg3[%add3A_222, %dma_start3A_225] : memref<2048x1024xf32, #tpu.memory_space<hbm>> -> memref<8x1024xf32, #tpu.memory_space<hbm>>
    tpu.enqueue_dma source(%dma_start3A_226 : memref<8x1024xf32, #tpu.memory_space<hbm>>) target(%arg5 : memref<8x1024xf32, #tpu.memory_space<vmem>>) target_semaphore(%arg10 : memref<!tpu.dma_semaphore, #tpu.memory_space<semaphore_mem>>)
    %dma_wait3A_227 = arith.constant 0 : i32
    %dma_wait3A_228 = arith.constant 0 : i32
    %dma_wait3A_229 = tpu.memref_slice %arg2[%dma_wait3A_227, %add3A_173, %dma_wait3A_228] : memref<4x2048x1024xf32, #tpu.memory_space<hbm>> -> memref<4x8x1024xf32, #tpu.memory_space<hbm>>
    %dma_wait3A_230 = arith.constant 0 : i32
    %dma_wait3A_231 = arith.constant 0 : i32
    %dma_wait3A_232 = tpu.memref_slice %arg2[%dma_wait3A_230, %add3A_173, %dma_wait3A_231] : memref<4x2048x1024xf32, #tpu.memory_space<hbm>> -> memref<4x8x1024xf32, #tpu.memory_space<hbm>>
    tpu.wait_dma2 semaphore(%arg14 : memref<!tpu.dma_semaphore, #tpu.memory_space<semaphore_mem>>) src(%dma_wait3A_232 : memref<4x8x1024xf32, #tpu.memory_space<hbm>>) dst(%arg9 : memref<4x8x1024xf32, #tpu.memory_space<vmem>>)
    %dma_wait3A_233 = arith.constant 0 : i32
    %dma_wait3A_234 = tpu.memref_slice %arg3[%add3A_181, %dma_wait3A_233] : memref<2048x1024xf32, #tpu.memory_space<hbm>> -> memref<8x1024xf32, #tpu.memory_space<hbm>>
    %dma_wait3A_235 = arith.constant 0 : i32
    %dma_wait3A_236 = tpu.memref_slice %arg3[%add3A_181, %dma_wait3A_235] : memref<2048x1024xf32, #tpu.memory_space<hbm>> -> memref<8x1024xf32, #tpu.memory_space<hbm>>
    tpu.wait_dma2 semaphore(%arg11 : memref<!tpu.dma_semaphore, #tpu.memory_space<semaphore_mem>>) src(%dma_wait3A_236 : memref<8x1024xf32, #tpu.memory_space<hbm>>) dst(%arg6 : memref<8x1024xf32, #tpu.memory_space<vmem>>)
    %parallel_loop3A_237 = arith.constant 0 : i32
    %parallel_loop3A_238 = arith.constant 512 : i32
    %parallel_loop3A_239 = arith.constant 1 : i32
    scf.for %parallel_loop3A_328 = %parallel_loop3A_237 to %parallel_loop3A_238 step %parallel_loop3A_239  : i32 {
      %parallel_loop3A_329 = arith.constant 64 : i32
      %parallel_loop3A_330 = arith.divsi %parallel_loop3A_328, %parallel_loop3A_329 : i32
      %parallel_loop3A_331 = arith.constant 0 : i32
      %parallel_loop3A_332 = arith.cmpi sgt, %parallel_loop3A_328, %parallel_loop3A_331 : i32
      %parallel_loop3A_333 = arith.extui %parallel_loop3A_332 : i1 to i32
      %parallel_loop3A_334 = arith.constant 0 : i32
      %parallel_loop3A_335 = arith.cmpi slt, %parallel_loop3A_328, %parallel_loop3A_334 : i32
      %parallel_loop3A_336 = arith.extui %parallel_loop3A_335 : i1 to i32
      %parallel_loop3A_337 = arith.subi %parallel_loop3A_333, %parallel_loop3A_336 : i32
      %parallel_loop3A_338 = arith.constant 0 : i32
      %parallel_loop3A_339 = arith.cmpi sgt, %parallel_loop3A_329, %parallel_loop3A_338 : i32
      %parallel_loop3A_340 = arith.extui %parallel_loop3A_339 : i1 to i32
      %parallel_loop3A_341 = arith.constant 0 : i32
      %parallel_loop3A_342 = arith.cmpi slt, %parallel_loop3A_329, %parallel_loop3A_341 : i32
      %parallel_loop3A_343 = arith.extui %parallel_loop3A_342 : i1 to i32
      %parallel_loop3A_344 = arith.subi %parallel_loop3A_340, %parallel_loop3A_343 : i32
      %parallel_loop3A_345 = arith.cmpi ne, %parallel_loop3A_337, %parallel_loop3A_344 : i32
      %parallel_loop3A_346 = arith.remsi %parallel_loop3A_328, %parallel_loop3A_329 : i32
      %parallel_loop3A_347 = arith.constant 0 : i32
      %parallel_loop3A_348 = arith.cmpi ne, %parallel_loop3A_346, %parallel_loop3A_347 : i32
      %parallel_loop3A_349 = arith.andi %parallel_loop3A_345, %parallel_loop3A_348 : i1
      %parallel_loop3A_350 = arith.constant 1 : i32
      %parallel_loop3A_351 = arith.subi %parallel_loop3A_330, %parallel_loop3A_350 : i32
      %parallel_loop3A_352 = arith.select %parallel_loop3A_349, %parallel_loop3A_351, %parallel_loop3A_330 : i32
      %parallel_loop3A_353 = arith.constant 64 : i32
      %parallel_loop3A_354 = arith.constant 0 : i32
      %parallel_loop3A_355 = arith.cmpi eq, %parallel_loop3A_353, %parallel_loop3A_354 : i32
      %parallel_loop3A_356 = arith.constant 1 : i32
      %parallel_loop3A_357 = arith.select %parallel_loop3A_355, %parallel_loop3A_356, %parallel_loop3A_353 : i32
      %parallel_loop3A_358 = arith.remsi %parallel_loop3A_328, %parallel_loop3A_357 : i32
      %parallel_loop3A_359 = arith.constant 0 : i32
      %parallel_loop3A_360 = arith.cmpi ne, %parallel_loop3A_358, %parallel_loop3A_359 : i32
      %parallel_loop3A_361 = arith.constant 0 : i32
      %parallel_loop3A_362 = arith.cmpi slt, %parallel_loop3A_358, %parallel_loop3A_361 : i32
      %parallel_loop3A_363 = arith.constant 0 : i32
      %parallel_loop3A_364 = arith.cmpi slt, %parallel_loop3A_357, %parallel_loop3A_363 : i32
      %parallel_loop3A_365 = arith.xori %parallel_loop3A_362, %parallel_loop3A_364 : i1
      %parallel_loop3A_366 = arith.andi %parallel_loop3A_365, %parallel_loop3A_360 : i1
      %parallel_loop3A_367 = arith.addi %parallel_loop3A_358, %parallel_loop3A_357 : i32
      %parallel_loop3A_368 = arith.select %parallel_loop3A_366, %parallel_loop3A_367, %parallel_loop3A_358 : i32
      %parallel_loop3A_369 = arith.constant 16 : i32
      %parallel_loop3A_370 = arith.muli %parallel_loop3A_368, %parallel_loop3A_369 : i32
      %parallel_loop3A_371 = arith.index_cast %parallel_loop3A_352 : i32 to index
      %parallel_loop3A_372 = arith.index_cast %parallel_loop3A_370 : i32 to index
      %parallel_loop3A_373 = tpu.vector_load %arg6[%parallel_loop3A_371, %parallel_loop3A_372] {strides = array<i32>} : memref<8x1024xf32, #tpu.memory_space<vmem>>, vector<1x16xf32>,
      %parallel_loop3A_374 = vector.shape_cast %parallel_loop3A_373 : vector<1x16xf32> to vector<16xf32>
      %parallel_loop3A_375 = arith.constant 0 : i32
      %parallel_loop3A_376 = arith.index_cast %parallel_loop3A_375 : i32 to index
      %parallel_loop3A_377 = arith.index_cast %parallel_loop3A_352 : i32 to index
      %parallel_loop3A_378 = arith.index_cast %parallel_loop3A_370 : i32 to index
      %parallel_loop3A_379 = tpu.vector_load %arg9[%parallel_loop3A_376, %parallel_loop3A_377, %parallel_loop3A_378] {strides = array<i32>} : memref<4x8x1024xf32, #tpu.memory_space<vmem>>, vector<1x1x16xf32>,
      %parallel_loop3A_380 = vector.shape_cast %parallel_loop3A_379 : vector<1x1x16xf32> to vector<16xf32>
      %parallel_loop3A_381 = arith.addf %parallel_loop3A_380, %parallel_loop3A_374 : vector<16xf32>
      %parallel_loop3A_382 = arith.constant 0 : i32
      %parallel_loop3A_383 = arith.index_cast %parallel_loop3A_382 : i32 to index
      %parallel_loop3A_384 = arith.index_cast %parallel_loop3A_352 : i32 to index
      %parallel_loop3A_385 = arith.index_cast %parallel_loop3A_370 : i32 to index
      %parallel_loop3A_386 = tpu.vector_load %arg9[%parallel_loop3A_383, %parallel_loop3A_384, %parallel_loop3A_385] {strides = array<i32>} : memref<4x8x1024xf32, #tpu.memory_space<vmem>>, vector<1x1x16xf32>,
      %parallel_loop3A_387 = vector.shape_cast %parallel_loop3A_386 : vector<1x1x16xf32> to vector<16xf32>
      %parallel_loop3A_388 = vector.shape_cast %parallel_loop3A_381 : vector<16xf32> to vector<1x1x16xf32>
      tpu.vector_store %arg9[%parallel_loop3A_383, %parallel_loop3A_384, %parallel_loop3A_385], %parallel_loop3A_388 {strides = array<i32>} : memref<4x8x1024xf32, #tpu.memory_space<vmem>>, vector<1x1x16xf32>,
      %parallel_loop3A_389 = arith.constant 1 : i32
      %parallel_loop3A_390 = arith.index_cast %parallel_loop3A_389 : i32 to index
      %parallel_loop3A_391 = arith.index_cast %parallel_loop3A_352 : i32 to index
      %parallel_loop3A_392 = arith.index_cast %parallel_loop3A_370 : i32 to index
      %parallel_loop3A_393 = tpu.vector_load %arg9[%parallel_loop3A_390, %parallel_loop3A_391, %parallel_loop3A_392] {strides = array<i32>} : memref<4x8x1024xf32, #tpu.memory_space<vmem>>, vector<1x1x16xf32>,
      %parallel_loop3A_394 = vector.shape_cast %parallel_loop3A_393 : vector<1x1x16xf32> to vector<16xf32>
      %parallel_loop3A_395 = arith.addf %parallel_loop3A_394, %parallel_loop3A_374 : vector<16xf32>
      %parallel_loop3A_396 = arith.constant 1 : i32
      %parallel_loop3A_397 = arith.index_cast %parallel_loop3A_396 : i32 to index
      %parallel_loop3A_398 = arith.index_cast %parallel_loop3A_352 : i32 to index
      %parallel_loop3A_399 = arith.index_cast %parallel_loop3A_370 : i32 to index
      %parallel_loop3A_400 = tpu.vector_load %arg9[%parallel_loop3A_397, %parallel_loop3A_398, %parallel_loop3A_399] {strides = array<i32>} : memref<4x8x1024xf32, #tpu.memory_space<vmem>>, vector<1x1x16xf32>,
      %parallel_loop3A_401 = vector.shape_cast %parallel_loop3A_400 : vector<1x1x16xf32> to vector<16xf32>
      %parallel_loop3A_402 = vector.shape_cast %parallel_loop3A_395 : vector<16xf32> to vector<1x1x16xf32>
      tpu.vector_store %arg9[%parallel_loop3A_397, %parallel_loop3A_398, %parallel_loop3A_399], %parallel_loop3A_402 {strides = array<i32>} : memref<4x8x1024xf32, #tpu.memory_space<vmem>>, vector<1x1x16xf32>,
      %parallel_loop3A_403 = arith.constant 2 : i32
      %parallel_loop3A_404 = arith.index_cast %parallel_loop3A_403 : i32 to index
      %parallel_loop3A_405 = arith.index_cast %parallel_loop3A_352 : i32 to index
      %parallel_loop3A_406 = arith.index_cast %parallel_loop3A_370 : i32 to index
      %parallel_loop3A_407 = tpu.vector_load %arg9[%parallel_loop3A_404, %parallel_loop3A_405, %parallel_loop3A_406] {strides = array<i32>} : memref<4x8x1024xf32, #tpu.memory_space<vmem>>, vector<1x1x16xf32>,
      %parallel_loop3A_408 = vector.shape_cast %parallel_loop3A_407 : vector<1x1x16xf32> to vector<16xf32>
      %parallel_loop3A_409 = arith.addf %parallel_loop3A_408, %parallel_loop3A_374 : vector<16xf32>
      %parallel_loop3A_410 = arith.constant 2 : i32
      %parallel_loop3A_411 = arith.index_cast %parallel_loop3A_410 : i32 to index
      %parallel_loop3A_412 = arith.index_cast %parallel_loop3A_352 : i32 to index
      %parallel_loop3A_413 = arith.index_cast %parallel_loop3A_370 : i32 to index
      %parallel_loop3A_414 = tpu.vector_load %arg9[%parallel_loop3A_411, %parallel_loop3A_412, %parallel_loop3A_413] {strides = array<i32>} : memref<4x8x1024xf32, #tpu.memory_space<vmem>>, vector<1x1x16xf32>,
      %parallel_loop3A_415 = vector.shape_cast %parallel_loop3A_414 : vector<1x1x16xf32> to vector<16xf32>
      %parallel_loop3A_416 = vector.shape_cast %parallel_loop3A_409 : vector<16xf32> to vector<1x1x16xf32>
      tpu.vector_store %arg9[%parallel_loop3A_411, %parallel_loop3A_412, %parallel_loop3A_413], %parallel_loop3A_416 {strides = array<i32>} : memref<4x8x1024xf32, #tpu.memory_space<vmem>>, vector<1x1x16xf32>,
      %parallel_loop3A_417 = arith.constant 3 : i32
      %parallel_loop3A_418 = arith.index_cast %parallel_loop3A_417 : i32 to index
      %parallel_loop3A_419 = arith.index_cast %parallel_loop3A_352 : i32 to index
      %parallel_loop3A_420 = arith.index_cast %parallel_loop3A_370 : i32 to index
      %parallel_loop3A_421 = tpu.vector_load %arg9[%parallel_loop3A_418, %parallel_loop3A_419, %parallel_loop3A_420] {strides = array<i32>} : memref<4x8x1024xf32, #tpu.memory_space<vmem>>, vector<1x1x16xf32>,
      %parallel_loop3A_422 = vector.shape_cast %parallel_loop3A_421 : vector<1x1x16xf32> to vector<16xf32>
      %parallel_loop3A_423 = arith.addf %parallel_loop3A_422, %parallel_loop3A_374 : vector<16xf32>
      %parallel_loop3A_424 = arith.constant 3 : i32
      %parallel_loop3A_425 = arith.index_cast %parallel_loop3A_424 : i32 to index
      %parallel_loop3A_426 = arith.index_cast %parallel_loop3A_352 : i32 to index
      %parallel_loop3A_427 = arith.index_cast %parallel_loop3A_370 : i32 to index
      %parallel_loop3A_428 = tpu.vector_load %arg9[%parallel_loop3A_425, %parallel_loop3A_426, %parallel_loop3A_427] {strides = array<i32>} : memref<4x8x1024xf32, #tpu.memory_space<vmem>>, vector<1x1x16xf32>,
      %parallel_loop3A_429 = vector.shape_cast %parallel_loop3A_428 : vector<1x1x16xf32> to vector<16xf32>
      %parallel_loop3A_430 = vector.shape_cast %parallel_loop3A_423 : vector<16xf32> to vector<1x1x16xf32>
      tpu.vector_store %arg9[%parallel_loop3A_425, %parallel_loop3A_426, %parallel_loop3A_427], %parallel_loop3A_430 {strides = array<i32>} : memref<4x8x1024xf32, #tpu.memory_space<vmem>>, vector<1x1x16xf32>,
    } {sc.loop_unroll_factor = 8 : i64, sc.parallel_access}
    %add3A_240 = arith.constant 40 : i32
    %add3A_241 = arith.addi %mul3A_2, %add3A_240 : i32
    %dma_start3A_242 = arith.constant 0 : i32
    %dma_start3A_243 = arith.constant 0 : i32
    %dma_start3A_244 = tpu.memref_slice %arg4[%dma_start3A_242, %add3A_241, %dma_start3A_243] : memref<4x2048x1024xf32, #tpu.memory_space<hbm>> -> memref<4x8x1024xf32, #tpu.memory_space<hbm>>
    %dma_start3A_245 = arith.constant 0 : i32
    %dma_start3A_246 = arith.constant 0 : i32
    %dma_start3A_247 = tpu.memref_slice %arg4[%dma_start3A_245, %add3A_241, %dma_start3A_246] : memref<4x2048x1024xf32, #tpu.memory_space<hbm>> -> memref<4x8x1024xf32, #tpu.memory_space<hbm>>
    tpu.enqueue_dma source(%arg9 : memref<4x8x1024xf32, #tpu.memory_space<vmem>>) target(%dma_start3A_247 : memref<4x8x1024xf32, #tpu.memory_space<hbm>>) target_semaphore(%arg17 : memref<!tpu.dma_semaphore, #tpu.memory_space<semaphore_mem>>)
    %dma_wait3A_248 = arith.constant 0 : i32
    %dma_wait3A_249 = arith.constant 0 : i32
    %dma_wait3A_250 = tpu.memref_slice %arg4[%dma_wait3A_248, %add3A_200, %dma_wait3A_249] : memref<4x2048x1024xf32, #tpu.memory_space<hbm>> -> memref<4x8x1024xf32, #tpu.memory_space<hbm>>
    %dma_wait3A_251 = arith.constant 0 : i32
    %dma_wait3A_252 = arith.constant 0 : i32
    %dma_wait3A_253 = tpu.memref_slice %arg4[%dma_wait3A_251, %add3A_200, %dma_wait3A_252] : memref<4x2048x1024xf32, #tpu.memory_space<hbm>> -> memref<4x8x1024xf32, #tpu.memory_space<hbm>>
    tpu.wait_dma2 semaphore(%arg16 : memref<!tpu.dma_semaphore, #tpu.memory_space<semaphore_mem>>) src(%arg8 : memref<4x8x1024xf32, #tpu.memory_space<vmem>>) dst(%dma_wait3A_253 : memref<4x8x1024xf32, #tpu.memory_space<hbm>>)
    %add3A_254 = arith.constant 56 : i32
    %add3A_255 = arith.addi %mul3A_2, %add3A_254 : i32
    %dma_start3A_256 = arith.constant 0 : i32
    %dma_start3A_257 = arith.constant 0 : i32
    %dma_start3A_258 = tpu.memref_slice %arg2[%dma_start3A_256, %add3A_255, %dma_start3A_257] : memref<4x2048x1024xf32, #tpu.memory_space<hbm>> -> memref<4x8x1024xf32, #tpu.memory_space<hbm>>
    %dma_start3A_259 = arith.constant 0 : i32
    %dma_start3A_260 = arith.constant 0 : i32
    %dma_start3A_261 = tpu.memref_slice %arg2[%dma_start3A_259, %add3A_255, %dma_start3A_260] : memref<4x2048x1024xf32, #tpu.memory_space<hbm>> -> memref<4x8x1024xf32, #tpu.memory_space<hbm>>
    tpu.enqueue_dma source(%dma_start3A_261 : memref<4x8x1024xf32, #tpu.memory_space<hbm>>) target(%arg8 : memref<4x8x1024xf32, #tpu.memory_space<vmem>>) target_semaphore(%arg13 : memref<!tpu.dma_semaphore, #tpu.memory_space<semaphore_mem>>)
    %add3A_262 = arith.constant 56 : i32
    %add3A_263 = arith.addi %mul3A_2, %add3A_262 : i32
    %dma_start3A_264 = arith.constant 0 : i32
    %dma_start3A_265 = tpu.memref_slice %arg3[%add3A_263, %dma_start3A_264] : memref<2048x1024xf32, #tpu.memory_space<hbm>> -> memref<8x1024xf32, #tpu.memory_space<hbm>>
    %dma_start3A_266 = arith.constant 0 : i32
    %dma_start3A_267 = tpu.memref_slice %arg3[%add3A_263, %dma_start3A_266] : memref<2048x1024xf32, #tpu.memory_space<hbm>> -> memref<8x1024xf32, #tpu.memory_space<hbm>>
    tpu.enqueue_dma source(%dma_start3A_267 : memref<8x1024xf32, #tpu.memory_space<hbm>>) target(%arg6 : memref<8x1024xf32, #tpu.memory_space<vmem>>) target_semaphore(%arg11 : memref<!tpu.dma_semaphore, #tpu.memory_space<semaphore_mem>>)
    %dma_wait3A_268 = arith.constant 0 : i32
    %dma_wait3A_269 = arith.constant 0 : i32
    %dma_wait3A_270 = tpu.memref_slice %arg2[%dma_wait3A_268, %add3A_214, %dma_wait3A_269] : memref<4x2048x1024xf32, #tpu.memory_space<hbm>> -> memref<4x8x1024xf32, #tpu.memory_space<hbm>>
    %dma_wait3A_271 = arith.constant 0 : i32
    %dma_wait3A_272 = arith.constant 0 : i32
    %dma_wait3A_273 = tpu.memref_slice %arg2[%dma_wait3A_271, %add3A_214, %dma_wait3A_272] : memref<4x2048x1024xf32, #tpu.memory_space<hbm>> -> memref<4x8x1024xf32, #tpu.memory_space<hbm>>
    tpu.wait_dma2 semaphore(%arg12 : memref<!tpu.dma_semaphore, #tpu.memory_space<semaphore_mem>>) src(%dma_wait3A_273 : memref<4x8x1024xf32, #tpu.memory_space<hbm>>) dst(%arg7 : memref<4x8x1024xf32, #tpu.memory_space<vmem>>)
    %dma_wait3A_274 = arith.constant 0 : i32
    %dma_wait3A_275 = tpu.memref_slice %arg3[%add3A_222, %dma_wait3A_274] : memref<2048x1024xf32, #tpu.memory_space<hbm>> -> memref<8x1024xf32, #tpu.memory_space<hbm>>
    %dma_wait3A_276 = arith.constant 0 : i32
    %dma_wait3A_277 = tpu.memref_slice %arg3[%add3A_222, %dma_wait3A_276] : memref<2048x1024xf32, #tpu.memory_space<hbm>> -> memref<8x1024xf32, #tpu.memory_space<hbm>>
    tpu.wait_dma2 semaphore(%arg10 : memref<!tpu.dma_semaphore, #tpu.memory_space<semaphore_mem>>) src(%dma_wait3A_277 : memref<8x1024xf32, #tpu.memory_space<hbm>>) dst(%arg5 : memref<8x1024xf32, #tpu.memory_space<vmem>>)
    %parallel_loop3A_278 = arith.constant 0 : i32
    %parallel_loop3A_279 = arith.constant 512 : i32
    %parallel_loop3A_280 = arith.constant 1 : i32
    scf.for %parallel_loop3A_328 = %parallel_loop3A_278 to %parallel_loop3A_279 step %parallel_loop3A_280  : i32 {
      %parallel_loop3A_329 = arith.constant 64 : i32
      %parallel_loop3A_330 = arith.divsi %parallel_loop3A_328, %parallel_loop3A_329 : i32
      %parallel_loop3A_331 = arith.constant 0 : i32
      %parallel_loop3A_332 = arith.cmpi sgt, %parallel_loop3A_328, %parallel_loop3A_331 : i32
      %parallel_loop3A_333 = arith.extui %parallel_loop3A_332 : i1 to i32
      %parallel_loop3A_334 = arith.constant 0 : i32
      %parallel_loop3A_335 = arith.cmpi slt, %parallel_loop3A_328, %parallel_loop3A_334 : i32
      %parallel_loop3A_336 = arith.extui %parallel_loop3A_335 : i1 to i32
      %parallel_loop3A_337 = arith.subi %parallel_loop3A_333, %parallel_loop3A_336 : i32
      %parallel_loop3A_338 = arith.constant 0 : i32
      %parallel_loop3A_339 = arith.cmpi sgt, %parallel_loop3A_329, %parallel_loop3A_338 : i32
      %parallel_loop3A_340 = arith.extui %parallel_loop3A_339 : i1 to i32
      %parallel_loop3A_341 = arith.constant 0 : i32
      %parallel_loop3A_342 = arith.cmpi slt, %parallel_loop3A_329, %parallel_loop3A_341 : i32
      %parallel_loop3A_343 = arith.extui %parallel_loop3A_342 : i1 to i32
      %parallel_loop3A_344 = arith.subi %parallel_loop3A_340, %parallel_loop3A_343 : i32
      %parallel_loop3A_345 = arith.cmpi ne, %parallel_loop3A_337, %parallel_loop3A_344 : i32
      %parallel_loop3A_346 = arith.remsi %parallel_loop3A_328, %parallel_loop3A_329 : i32
      %parallel_loop3A_347 = arith.constant 0 : i32
      %parallel_loop3A_348 = arith.cmpi ne, %parallel_loop3A_346, %parallel_loop3A_347 : i32
      %parallel_loop3A_349 = arith.andi %parallel_loop3A_345, %parallel_loop3A_348 : i1
      %parallel_loop3A_350 = arith.constant 1 : i32
      %parallel_loop3A_351 = arith.subi %parallel_loop3A_330, %parallel_loop3A_350 : i32
      %parallel_loop3A_352 = arith.select %parallel_loop3A_349, %parallel_loop3A_351, %parallel_loop3A_330 : i32
      %parallel_loop3A_353 = arith.constant 64 : i32
      %parallel_loop3A_354 = arith.constant 0 : i32
      %parallel_loop3A_355 = arith.cmpi eq, %parallel_loop3A_353, %parallel_loop3A_354 : i32
      %parallel_loop3A_356 = arith.constant 1 : i32
      %parallel_loop3A_357 = arith.select %parallel_loop3A_355, %parallel_loop3A_356, %parallel_loop3A_353 : i32
      %parallel_loop3A_358 = arith.remsi %parallel_loop3A_328, %parallel_loop3A_357 : i32
      %parallel_loop3A_359 = arith.constant 0 : i32
      %parallel_loop3A_360 = arith.cmpi ne, %parallel_loop3A_358, %parallel_loop3A_359 : i32
      %parallel_loop3A_361 = arith.constant 0 : i32
      %parallel_loop3A_362 = arith.cmpi slt, %parallel_loop3A_358, %parallel_loop3A_361 : i32
      %parallel_loop3A_363 = arith.constant 0 : i32
      %parallel_loop3A_364 = arith.cmpi slt, %parallel_loop3A_357, %parallel_loop3A_363 : i32
      %parallel_loop3A_365 = arith.xori %parallel_loop3A_362, %parallel_loop3A_364 : i1
      %parallel_loop3A_366 = arith.andi %parallel_loop3A_365, %parallel_loop3A_360 : i1
      %parallel_loop3A_367 = arith.addi %parallel_loop3A_358, %parallel_loop3A_357 : i32
      %parallel_loop3A_368 = arith.select %parallel_loop3A_366, %parallel_loop3A_367, %parallel_loop3A_358 : i32
      %parallel_loop3A_369 = arith.constant 16 : i32
      %parallel_loop3A_370 = arith.muli %parallel_loop3A_368, %parallel_loop3A_369 : i32
      %parallel_loop3A_371 = arith.index_cast %parallel_loop3A_352 : i32 to index
      %parallel_loop3A_372 = arith.index_cast %parallel_loop3A_370 : i32 to index
      %parallel_loop3A_373 = tpu.vector_load %arg5[%parallel_loop3A_371, %parallel_loop3A_372] {strides = array<i32>} : memref<8x1024xf32, #tpu.memory_space<vmem>>, vector<1x16xf32>,
      %parallel_loop3A_374 = vector.shape_cast %parallel_loop3A_373 : vector<1x16xf32> to vector<16xf32>
      %parallel_loop3A_375 = arith.constant 0 : i32
      %parallel_loop3A_376 = arith.index_cast %parallel_loop3A_375 : i32 to index
      %parallel_loop3A_377 = arith.index_cast %parallel_loop3A_352 : i32 to index
      %parallel_loop3A_378 = arith.index_cast %parallel_loop3A_370 : i32 to index
      %parallel_loop3A_379 = tpu.vector_load %arg7[%parallel_loop3A_376, %parallel_loop3A_377, %parallel_loop3A_378] {strides = array<i32>} : memref<4x8x1024xf32, #tpu.memory_space<vmem>>, vector<1x1x16xf32>,
      %parallel_loop3A_380 = vector.shape_cast %parallel_loop3A_379 : vector<1x1x16xf32> to vector<16xf32>
      %parallel_loop3A_381 = arith.addf %parallel_loop3A_380, %parallel_loop3A_374 : vector<16xf32>
      %parallel_loop3A_382 = arith.constant 0 : i32
      %parallel_loop3A_383 = arith.index_cast %parallel_loop3A_382 : i32 to index
      %parallel_loop3A_384 = arith.index_cast %parallel_loop3A_352 : i32 to index
      %parallel_loop3A_385 = arith.index_cast %parallel_loop3A_370 : i32 to index
      %parallel_loop3A_386 = tpu.vector_load %arg7[%parallel_loop3A_383, %parallel_loop3A_384, %parallel_loop3A_385] {strides = array<i32>} : memref<4x8x1024xf32, #tpu.memory_space<vmem>>, vector<1x1x16xf32>,
      %parallel_loop3A_387 = vector.shape_cast %parallel_loop3A_386 : vector<1x1x16xf32> to vector<16xf32>
      %parallel_loop3A_388 = vector.shape_cast %parallel_loop3A_381 : vector<16xf32> to vector<1x1x16xf32>
      tpu.vector_store %arg7[%parallel_loop3A_383, %parallel_loop3A_384, %parallel_loop3A_385], %parallel_loop3A_388 {strides = array<i32>} : memref<4x8x1024xf32, #tpu.memory_space<vmem>>, vector<1x1x16xf32>,
      %parallel_loop3A_389 = arith.constant 1 : i32
      %parallel_loop3A_390 = arith.index_cast %parallel_loop3A_389 : i32 to index
      %parallel_loop3A_391 = arith.index_cast %parallel_loop3A_352 : i32 to index
      %parallel_loop3A_392 = arith.index_cast %parallel_loop3A_370 : i32 to index
      %parallel_loop3A_393 = tpu.vector_load %arg7[%parallel_loop3A_390, %parallel_loop3A_391, %parallel_loop3A_392] {strides = array<i32>} : memref<4x8x1024xf32, #tpu.memory_space<vmem>>, vector<1x1x16xf32>,
      %parallel_loop3A_394 = vector.shape_cast %parallel_loop3A_393 : vector<1x1x16xf32> to vector<16xf32>
      %parallel_loop3A_395 = arith.addf %parallel_loop3A_394, %parallel_loop3A_374 : vector<16xf32>
      %parallel_loop3A_396 = arith.constant 1 : i32
      %parallel_loop3A_397 = arith.index_cast %parallel_loop3A_396 : i32 to index
      %parallel_loop3A_398 = arith.index_cast %parallel_loop3A_352 : i32 to index
      %parallel_loop3A_399 = arith.index_cast %parallel_loop3A_370 : i32 to index
      %parallel_loop3A_400 = tpu.vector_load %arg7[%parallel_loop3A_397, %parallel_loop3A_398, %parallel_loop3A_399] {strides = array<i32>} : memref<4x8x1024xf32, #tpu.memory_space<vmem>>, vector<1x1x16xf32>,
      %parallel_loop3A_401 = vector.shape_cast %parallel_loop3A_400 : vector<1x1x16xf32> to vector<16xf32>
      %parallel_loop3A_402 = vector.shape_cast %parallel_loop3A_395 : vector<16xf32> to vector<1x1x16xf32>
      tpu.vector_store %arg7[%parallel_loop3A_397, %parallel_loop3A_398, %parallel_loop3A_399], %parallel_loop3A_402 {strides = array<i32>} : memref<4x8x1024xf32, #tpu.memory_space<vmem>>, vector<1x1x16xf32>,
      %parallel_loop3A_403 = arith.constant 2 : i32
      %parallel_loop3A_404 = arith.index_cast %parallel_loop3A_403 : i32 to index
      %parallel_loop3A_405 = arith.index_cast %parallel_loop3A_352 : i32 to index
      %parallel_loop3A_406 = arith.index_cast %parallel_loop3A_370 : i32 to index
      %parallel_loop3A_407 = tpu.vector_load %arg7[%parallel_loop3A_404, %parallel_loop3A_405, %parallel_loop3A_406] {strides = array<i32>} : memref<4x8x1024xf32, #tpu.memory_space<vmem>>, vector<1x1x16xf32>,
      %parallel_loop3A_408 = vector.shape_cast %parallel_loop3A_407 : vector<1x1x16xf32> to vector<16xf32>
      %parallel_loop3A_409 = arith.addf %parallel_loop3A_408, %parallel_loop3A_374 : vector<16xf32>
      %parallel_loop3A_410 = arith.constant 2 : i32
      %parallel_loop3A_411 = arith.index_cast %parallel_loop3A_410 : i32 to index
      %parallel_loop3A_412 = arith.index_cast %parallel_loop3A_352 : i32 to index
      %parallel_loop3A_413 = arith.index_cast %parallel_loop3A_370 : i32 to index
      %parallel_loop3A_414 = tpu.vector_load %arg7[%parallel_loop3A_411, %parallel_loop3A_412, %parallel_loop3A_413] {strides = array<i32>} : memref<4x8x1024xf32, #tpu.memory_space<vmem>>, vector<1x1x16xf32>,
      %parallel_loop3A_415 = vector.shape_cast %parallel_loop3A_414 : vector<1x1x16xf32> to vector<16xf32>
      %parallel_loop3A_416 = vector.shape_cast %parallel_loop3A_409 : vector<16xf32> to vector<1x1x16xf32>
      tpu.vector_store %arg7[%parallel_loop3A_411, %parallel_loop3A_412, %parallel_loop3A_413], %parallel_loop3A_416 {strides = array<i32>} : memref<4x8x1024xf32, #tpu.memory_space<vmem>>, vector<1x1x16xf32>,
      %parallel_loop3A_417 = arith.constant 3 : i32
      %parallel_loop3A_418 = arith.index_cast %parallel_loop3A_417 : i32 to index
      %parallel_loop3A_419 = arith.index_cast %parallel_loop3A_352 : i32 to index
      %parallel_loop3A_420 = arith.index_cast %parallel_loop3A_370 : i32 to index
      %parallel_loop3A_421 = tpu.vector_load %arg7[%parallel_loop3A_418, %parallel_loop3A_419, %parallel_loop3A_420] {strides = array<i32>} : memref<4x8x1024xf32, #tpu.memory_space<vmem>>, vector<1x1x16xf32>,
      %parallel_loop3A_422 = vector.shape_cast %parallel_loop3A_421 : vector<1x1x16xf32> to vector<16xf32>
      %parallel_loop3A_423 = arith.addf %parallel_loop3A_422, %parallel_loop3A_374 : vector<16xf32>
      %parallel_loop3A_424 = arith.constant 3 : i32
      %parallel_loop3A_425 = arith.index_cast %parallel_loop3A_424 : i32 to index
      %parallel_loop3A_426 = arith.index_cast %parallel_loop3A_352 : i32 to index
      %parallel_loop3A_427 = arith.index_cast %parallel_loop3A_370 : i32 to index
      %parallel_loop3A_428 = tpu.vector_load %arg7[%parallel_loop3A_425, %parallel_loop3A_426, %parallel_loop3A_427] {strides = array<i32>} : memref<4x8x1024xf32, #tpu.memory_space<vmem>>, vector<1x1x16xf32>,
      %parallel_loop3A_429 = vector.shape_cast %parallel_loop3A_428 : vector<1x1x16xf32> to vector<16xf32>
      %parallel_loop3A_430 = vector.shape_cast %parallel_loop3A_423 : vector<16xf32> to vector<1x1x16xf32>
      tpu.vector_store %arg7[%parallel_loop3A_425, %parallel_loop3A_426, %parallel_loop3A_427], %parallel_loop3A_430 {strides = array<i32>} : memref<4x8x1024xf32, #tpu.memory_space<vmem>>, vector<1x1x16xf32>,
    } {sc.loop_unroll_factor = 8 : i64, sc.parallel_access}
    %add3A_281 = arith.constant 48 : i32
    %add3A_282 = arith.addi %mul3A_2, %add3A_281 : i32
    %dma_start3A_283 = arith.constant 0 : i32
    %dma_start3A_284 = arith.constant 0 : i32
    %dma_start3A_285 = tpu.memref_slice %arg4[%dma_start3A_283, %add3A_282, %dma_start3A_284] : memref<4x2048x1024xf32, #tpu.memory_space<hbm>> -> memref<4x8x1024xf32, #tpu.memory_space<hbm>>
    %dma_start3A_286 = arith.constant 0 : i32
    %dma_start3A_287 = arith.constant 0 : i32
    %dma_start3A_288 = tpu.memref_slice %arg4[%dma_start3A_286, %add3A_282, %dma_start3A_287] : memref<4x2048x1024xf32, #tpu.memory_space<hbm>> -> memref<4x8x1024xf32, #tpu.memory_space<hbm>>
    tpu.enqueue_dma source(%arg7 : memref<4x8x1024xf32, #tpu.memory_space<vmem>>) target(%dma_start3A_288 : memref<4x8x1024xf32, #tpu.memory_space<hbm>>) target_semaphore(%arg15 : memref<!tpu.dma_semaphore, #tpu.memory_space<semaphore_mem>>)
    %dma_wait3A_289 = arith.constant 0 : i32
    %dma_wait3A_290 = arith.constant 0 : i32
    %dma_wait3A_291 = tpu.memref_slice %arg2[%dma_wait3A_289, %add3A_255, %dma_wait3A_290] : memref<4x2048x1024xf32, #tpu.memory_space<hbm>> -> memref<4x8x1024xf32, #tpu.memory_space<hbm>>
    %dma_wait3A_292 = arith.constant 0 : i32
    %dma_wait3A_293 = arith.constant 0 : i32
    %dma_wait3A_294 = tpu.memref_slice %arg2[%dma_wait3A_292, %add3A_255, %dma_wait3A_293] : memref<4x2048x1024xf32, #tpu.memory_space<hbm>> -> memref<4x8x1024xf32, #tpu.memory_space<hbm>>
    tpu.wait_dma2 semaphore(%arg13 : memref<!tpu.dma_semaphore, #tpu.memory_space<semaphore_mem>>) src(%dma_wait3A_294 : memref<4x8x1024xf32, #tpu.memory_space<hbm>>) dst(%arg8 : memref<4x8x1024xf32, #tpu.memory_space<vmem>>)
    %dma_wait3A_295 = arith.constant 0 : i32
    %dma_wait3A_296 = tpu.memref_slice %arg3[%add3A_263, %dma_wait3A_295] : memref<2048x1024xf32, #tpu.memory_space<hbm>> -> memref<8x1024xf32, #tpu.memory_space<hbm>>
    %dma_wait3A_297 = arith.constant 0 : i32
    %dma_wait3A_298 = tpu.memref_slice %arg3[%add3A_263, %dma_wait3A_297] : memref<2048x1024xf32, #tpu.memory_space<hbm>> -> memref<8x1024xf32, #tpu.memory_space<hbm>>
    tpu.wait_dma2 semaphore(%arg11 : memref<!tpu.dma_semaphore, #tpu.memory_space<semaphore_mem>>) src(%dma_wait3A_298 : memref<8x1024xf32, #tpu.memory_space<hbm>>) dst(%arg6 : memref<8x1024xf32, #tpu.memory_space<vmem>>)
    %parallel_loop3A_299 = arith.constant 0 : i32
    %parallel_loop3A_300 = arith.constant 512 : i32
    %parallel_loop3A_301 = arith.constant 1 : i32
    scf.for %parallel_loop3A_328 = %parallel_loop3A_299 to %parallel_loop3A_300 step %parallel_loop3A_301  : i32 {
      %parallel_loop3A_329 = arith.constant 64 : i32
      %parallel_loop3A_330 = arith.divsi %parallel_loop3A_328, %parallel_loop3A_329 : i32
      %parallel_loop3A_331 = arith.constant 0 : i32
      %parallel_loop3A_332 = arith.cmpi sgt, %parallel_loop3A_328, %parallel_loop3A_331 : i32
      %parallel_loop3A_333 = arith.extui %parallel_loop3A_332 : i1 to i32
      %parallel_loop3A_334 = arith.constant 0 : i32
      %parallel_loop3A_335 = arith.cmpi slt, %parallel_loop3A_328, %parallel_loop3A_334 : i32
      %parallel_loop3A_336 = arith.extui %parallel_loop3A_335 : i1 to i32
      %parallel_loop3A_337 = arith.subi %parallel_loop3A_333, %parallel_loop3A_336 : i32
      %parallel_loop3A_338 = arith.constant 0 : i32
      %parallel_loop3A_339 = arith.cmpi sgt, %parallel_loop3A_329, %parallel_loop3A_338 : i32
      %parallel_loop3A_340 = arith.extui %parallel_loop3A_339 : i1 to i32
      %parallel_loop3A_341 = arith.constant 0 : i32
      %parallel_loop3A_342 = arith.cmpi slt, %parallel_loop3A_329, %parallel_loop3A_341 : i32
      %parallel_loop3A_343 = arith.extui %parallel_loop3A_342 : i1 to i32
      %parallel_loop3A_344 = arith.subi %parallel_loop3A_340, %parallel_loop3A_343 : i32
      %parallel_loop3A_345 = arith.cmpi ne, %parallel_loop3A_337, %parallel_loop3A_344 : i32
      %parallel_loop3A_346 = arith.remsi %parallel_loop3A_328, %parallel_loop3A_329 : i32
      %parallel_loop3A_347 = arith.constant 0 : i32
      %parallel_loop3A_348 = arith.cmpi ne, %parallel_loop3A_346, %parallel_loop3A_347 : i32
      %parallel_loop3A_349 = arith.andi %parallel_loop3A_345, %parallel_loop3A_348 : i1
      %parallel_loop3A_350 = arith.constant 1 : i32
      %parallel_loop3A_351 = arith.subi %parallel_loop3A_330, %parallel_loop3A_350 : i32
      %parallel_loop3A_352 = arith.select %parallel_loop3A_349, %parallel_loop3A_351, %parallel_loop3A_330 : i32
      %parallel_loop3A_353 = arith.constant 64 : i32
      %parallel_loop3A_354 = arith.constant 0 : i32
      %parallel_loop3A_355 = arith.cmpi eq, %parallel_loop3A_353, %parallel_loop3A_354 : i32
      %parallel_loop3A_356 = arith.constant 1 : i32
      %parallel_loop3A_357 = arith.select %parallel_loop3A_355, %parallel_loop3A_356, %parallel_loop3A_353 : i32
      %parallel_loop3A_358 = arith.remsi %parallel_loop3A_328, %parallel_loop3A_357 : i32
      %parallel_loop3A_359 = arith.constant 0 : i32
      %parallel_loop3A_360 = arith.cmpi ne, %parallel_loop3A_358, %parallel_loop3A_359 : i32
      %parallel_loop3A_361 = arith.constant 0 : i32
      %parallel_loop3A_362 = arith.cmpi slt, %parallel_loop3A_358, %parallel_loop3A_361 : i32
      %parallel_loop3A_363 = arith.constant 0 : i32
      %parallel_loop3A_364 = arith.cmpi slt, %parallel_loop3A_357, %parallel_loop3A_363 : i32
      %parallel_loop3A_365 = arith.xori %parallel_loop3A_362, %parallel_loop3A_364 : i1
      %parallel_loop3A_366 = arith.andi %parallel_loop3A_365, %parallel_loop3A_360 : i1
      %parallel_loop3A_367 = arith.addi %parallel_loop3A_358, %parallel_loop3A_357 : i32
      %parallel_loop3A_368 = arith.select %parallel_loop3A_366, %parallel_loop3A_367, %parallel_loop3A_358 : i32
      %parallel_loop3A_369 = arith.constant 16 : i32
      %parallel_loop3A_370 = arith.muli %parallel_loop3A_368, %parallel_loop3A_369 : i32
      %parallel_loop3A_371 = arith.index_cast %parallel_loop3A_352 : i32 to index
      %parallel_loop3A_372 = arith.index_cast %parallel_loop3A_370 : i32 to index
      %parallel_loop3A_373 = tpu.vector_load %arg6[%parallel_loop3A_371, %parallel_loop3A_372] {strides = array<i32>} : memref<8x1024xf32, #tpu.memory_space<vmem>>, vector<1x16xf32>,
      %parallel_loop3A_374 = vector.shape_cast %parallel_loop3A_373 : vector<1x16xf32> to vector<16xf32>
      %parallel_loop3A_375 = arith.constant 0 : i32
      %parallel_loop3A_376 = arith.index_cast %parallel_loop3A_375 : i32 to index
      %parallel_loop3A_377 = arith.index_cast %parallel_loop3A_352 : i32 to index
      %parallel_loop3A_378 = arith.index_cast %parallel_loop3A_370 : i32 to index
      %parallel_loop3A_379 = tpu.vector_load %arg8[%parallel_loop3A_376, %parallel_loop3A_377, %parallel_loop3A_378] {strides = array<i32>} : memref<4x8x1024xf32, #tpu.memory_space<vmem>>, vector<1x1x16xf32>,
      %parallel_loop3A_380 = vector.shape_cast %parallel_loop3A_379 : vector<1x1x16xf32> to vector<16xf32>
      %parallel_loop3A_381 = arith.addf %parallel_loop3A_380, %parallel_loop3A_374 : vector<16xf32>
      %parallel_loop3A_382 = arith.constant 0 : i32
      %parallel_loop3A_383 = arith.index_cast %parallel_loop3A_382 : i32 to index
      %parallel_loop3A_384 = arith.index_cast %parallel_loop3A_352 : i32 to index
      %parallel_loop3A_385 = arith.index_cast %parallel_loop3A_370 : i32 to index
      %parallel_loop3A_386 = tpu.vector_load %arg8[%parallel_loop3A_383, %parallel_loop3A_384, %parallel_loop3A_385] {strides = array<i32>} : memref<4x8x1024xf32, #tpu.memory_space<vmem>>, vector<1x1x16xf32>,
      %parallel_loop3A_387 = vector.shape_cast %parallel_loop3A_386 : vector<1x1x16xf32> to vector<16xf32>
      %parallel_loop3A_388 = vector.shape_cast %parallel_loop3A_381 : vector<16xf32> to vector<1x1x16xf32>
      tpu.vector_store %arg8[%parallel_loop3A_383, %parallel_loop3A_384, %parallel_loop3A_385], %parallel_loop3A_388 {strides = array<i32>} : memref<4x8x1024xf32, #tpu.memory_space<vmem>>, vector<1x1x16xf32>,
      %parallel_loop3A_389 = arith.constant 1 : i32
      %parallel_loop3A_390 = arith.index_cast %parallel_loop3A_389 : i32 to index
      %parallel_loop3A_391 = arith.index_cast %parallel_loop3A_352 : i32 to index
      %parallel_loop3A_392 = arith.index_cast %parallel_loop3A_370 : i32 to index
      %parallel_loop3A_393 = tpu.vector_load %arg8[%parallel_loop3A_390, %parallel_loop3A_391, %parallel_loop3A_392] {strides = array<i32>} : memref<4x8x1024xf32, #tpu.memory_space<vmem>>, vector<1x1x16xf32>,
      %parallel_loop3A_394 = vector.shape_cast %parallel_loop3A_393 : vector<1x1x16xf32> to vector<16xf32>
      %parallel_loop3A_395 = arith.addf %parallel_loop3A_394, %parallel_loop3A_374 : vector<16xf32>
      %parallel_loop3A_396 = arith.constant 1 : i32
      %parallel_loop3A_397 = arith.index_cast %parallel_loop3A_396 : i32 to index
      %parallel_loop3A_398 = arith.index_cast %parallel_loop3A_352 : i32 to index
      %parallel_loop3A_399 = arith.index_cast %parallel_loop3A_370 : i32 to index
      %parallel_loop3A_400 = tpu.vector_load %arg8[%parallel_loop3A_397, %parallel_loop3A_398, %parallel_loop3A_399] {strides = array<i32>} : memref<4x8x1024xf32, #tpu.memory_space<vmem>>, vector<1x1x16xf32>,
      %parallel_loop3A_401 = vector.shape_cast %parallel_loop3A_400 : vector<1x1x16xf32> to vector<16xf32>
      %parallel_loop3A_402 = vector.shape_cast %parallel_loop3A_395 : vector<16xf32> to vector<1x1x16xf32>
      tpu.vector_store %arg8[%parallel_loop3A_397, %parallel_loop3A_398, %parallel_loop3A_399], %parallel_loop3A_402 {strides = array<i32>} : memref<4x8x1024xf32, #tpu.memory_space<vmem>>, vector<1x1x16xf32>,
      %parallel_loop3A_403 = arith.constant 2 : i32
      %parallel_loop3A_404 = arith.index_cast %parallel_loop3A_403 : i32 to index
      %parallel_loop3A_405 = arith.index_cast %parallel_loop3A_352 : i32 to index
      %parallel_loop3A_406 = arith.index_cast %parallel_loop3A_370 : i32 to index
      %parallel_loop3A_407 = tpu.vector_load %arg8[%parallel_loop3A_404, %parallel_loop3A_405, %parallel_loop3A_406] {strides = array<i32>} : memref<4x8x1024xf32, #tpu.memory_space<vmem>>, vector<1x1x16xf32>,
      %parallel_loop3A_408 = vector.shape_cast %parallel_loop3A_407 : vector<1x1x16xf32> to vector<16xf32>
      %parallel_loop3A_409 = arith.addf %parallel_loop3A_408, %parallel_loop3A_374 : vector<16xf32>
      %parallel_loop3A_410 = arith.constant 2 : i32
      %parallel_loop3A_411 = arith.index_cast %parallel_loop3A_410 : i32 to index
      %parallel_loop3A_412 = arith.index_cast %parallel_loop3A_352 : i32 to index
      %parallel_loop3A_413 = arith.index_cast %parallel_loop3A_370 : i32 to index
      %parallel_loop3A_414 = tpu.vector_load %arg8[%parallel_loop3A_411, %parallel_loop3A_412, %parallel_loop3A_413] {strides = array<i32>} : memref<4x8x1024xf32, #tpu.memory_space<vmem>>, vector<1x1x16xf32>,
      %parallel_loop3A_415 = vector.shape_cast %parallel_loop3A_414 : vector<1x1x16xf32> to vector<16xf32>
      %parallel_loop3A_416 = vector.shape_cast %parallel_loop3A_409 : vector<16xf32> to vector<1x1x16xf32>
      tpu.vector_store %arg8[%parallel_loop3A_411, %parallel_loop3A_412, %parallel_loop3A_413], %parallel_loop3A_416 {strides = array<i32>} : memref<4x8x1024xf32, #tpu.memory_space<vmem>>, vector<1x1x16xf32>,
      %parallel_loop3A_417 = arith.constant 3 : i32
      %parallel_loop3A_418 = arith.index_cast %parallel_loop3A_417 : i32 to index
      %parallel_loop3A_419 = arith.index_cast %parallel_loop3A_352 : i32 to index
      %parallel_loop3A_420 = arith.index_cast %parallel_loop3A_370 : i32 to index
      %parallel_loop3A_421 = tpu.vector_load %arg8[%parallel_loop3A_418, %parallel_loop3A_419, %parallel_loop3A_420] {strides = array<i32>} : memref<4x8x1024xf32, #tpu.memory_space<vmem>>, vector<1x1x16xf32>,
      %parallel_loop3A_422 = vector.shape_cast %parallel_loop3A_421 : vector<1x1x16xf32> to vector<16xf32>
      %parallel_loop3A_423 = arith.addf %parallel_loop3A_422, %parallel_loop3A_374 : vector<16xf32>
      %parallel_loop3A_424 = arith.constant 3 : i32
      %parallel_loop3A_425 = arith.index_cast %parallel_loop3A_424 : i32 to index
      %parallel_loop3A_426 = arith.index_cast %parallel_loop3A_352 : i32 to index
      %parallel_loop3A_427 = arith.index_cast %parallel_loop3A_370 : i32 to index
      %parallel_loop3A_428 = tpu.vector_load %arg8[%parallel_loop3A_425, %parallel_loop3A_426, %parallel_loop3A_427] {strides = array<i32>} : memref<4x8x1024xf32, #tpu.memory_space<vmem>>, vector<1x1x16xf32>,
      %parallel_loop3A_429 = vector.shape_cast %parallel_loop3A_428 : vector<1x1x16xf32> to vector<16xf32>
      %parallel_loop3A_430 = vector.shape_cast %parallel_loop3A_423 : vector<16xf32> to vector<1x1x16xf32>
      tpu.vector_store %arg8[%parallel_loop3A_425, %parallel_loop3A_426, %parallel_loop3A_427], %parallel_loop3A_430 {strides = array<i32>} : memref<4x8x1024xf32, #tpu.memory_space<vmem>>, vector<1x1x16xf32>,
    } {sc.loop_unroll_factor = 8 : i64, sc.parallel_access}
    %add3A_302 = arith.constant 56 : i32
    %add3A_303 = arith.addi %mul3A_2, %add3A_302 : i32
    %dma_start3A_304 = arith.constant 0 : i32
    %dma_start3A_305 = arith.constant 0 : i32
    %dma_start3A_306 = tpu.memref_slice %arg4[%dma_start3A_304, %add3A_303, %dma_start3A_305] : memref<4x2048x1024xf32, #tpu.memory_space<hbm>> -> memref<4x8x1024xf32, #tpu.memory_space<hbm>>
    %dma_start3A_307 = arith.constant 0 : i32
    %dma_start3A_308 = arith.constant 0 : i32
    %dma_start3A_309 = tpu.memref_slice %arg4[%dma_start3A_307, %add3A_303, %dma_start3A_308] : memref<4x2048x1024xf32, #tpu.memory_space<hbm>> -> memref<4x8x1024xf32, #tpu.memory_space<hbm>>
    tpu.enqueue_dma source(%arg8 : memref<4x8x1024xf32, #tpu.memory_space<vmem>>) target(%dma_start3A_309 : memref<4x8x1024xf32, #tpu.memory_space<hbm>>) target_semaphore(%arg16 : memref<!tpu.dma_semaphore, #tpu.memory_space<semaphore_mem>>)
    %dma_wait3A_310 = arith.constant 0 : i32
    %dma_wait3A_311 = arith.constant 0 : i32
    %dma_wait3A_312 = tpu.memref_slice %arg4[%dma_wait3A_310, %add3A_241, %dma_wait3A_311] : memref<4x2048x1024xf32, #tpu.memory_space<hbm>> -> memref<4x8x1024xf32, #tpu.memory_space<hbm>>
    %dma_wait3A_313 = arith.constant 0 : i32
    %dma_wait3A_314 = arith.constant 0 : i32
    %dma_wait3A_315 = tpu.memref_slice %arg4[%dma_wait3A_313, %add3A_241, %dma_wait3A_314] : memref<4x2048x1024xf32, #tpu.memory_space<hbm>> -> memref<4x8x1024xf32, #tpu.memory_space<hbm>>
    tpu.wait_dma2 semaphore(%arg17 : memref<!tpu.dma_semaphore, #tpu.memory_space<semaphore_mem>>) src(%arg9 : memref<4x8x1024xf32, #tpu.memory_space<vmem>>) dst(%dma_wait3A_315 : memref<4x8x1024xf32, #tpu.memory_space<hbm>>)
    %dma_wait3A_316 = arith.constant 0 : i32
    %dma_wait3A_317 = arith.constant 0 : i32
    %dma_wait3A_318 = tpu.memref_slice %arg4[%dma_wait3A_316, %add3A_282, %dma_wait3A_317] : memref<4x2048x1024xf32, #tpu.memory_space<hbm>> -> memref<4x8x1024xf32, #tpu.memory_space<hbm>>
    %dma_wait3A_319 = arith.constant 0 : i32
    %dma_wait3A_320 = arith.constant 0 : i32
    %dma_wait3A_321 = tpu.memref_slice %arg4[%dma_wait3A_319, %add3A_282, %dma_wait3A_320] : memref<4x2048x1024xf32, #tpu.memory_space<hbm>> -> memref<4x8x1024xf32, #tpu.memory_space<hbm>>
    tpu.wait_dma2 semaphore(%arg15 : memref<!tpu.dma_semaphore, #tpu.memory_space<semaphore_mem>>) src(%arg7 : memref<4x8x1024xf32, #tpu.memory_space<vmem>>) dst(%dma_wait3A_321 : memref<4x8x1024xf32, #tpu.memory_space<hbm>>)
    %dma_wait3A_322 = arith.constant 0 : i32
    %dma_wait3A_323 = arith.constant 0 : i32
    %dma_wait3A_324 = tpu.memref_slice %arg4[%dma_wait3A_322, %add3A_303, %dma_wait3A_323] : memref<4x2048x1024xf32, #tpu.memory_space<hbm>> -> memref<4x8x1024xf32, #tpu.memory_space<hbm>>
    %dma_wait3A_325 = arith.constant 0 : i32
    %dma_wait3A_326 = arith.constant 0 : i32
    %dma_wait3A_327 = tpu.memref_slice %arg4[%dma_wait3A_325, %add3A_303, %dma_wait3A_326] : memref<4x2048x1024xf32, #tpu.memory_space<hbm>> -> memref<4x8x1024xf32, #tpu.memory_space<hbm>>
    tpu.wait_dma2 semaphore(%arg16 : memref<!tpu.dma_semaphore, #tpu.memory_space<semaphore_mem>>) src(%arg8 : memref<4x8x1024xf32, #tpu.memory_space<vmem>>) dst(%dma_wait3A_327 : memref<4x8x1024xf32, #tpu.memory_space<hbm>>)
    return
  }
}

</mosaic_0001>

<sc_bundles>
// kernel: _pos_add.3.cloned.1.call-start
scs
__scs_entry_jumppad:
0x0: {  	(pc) =	sbr.rel $0x88, $3  }
0x1: {  	(tag) =	ssettag $0x0;
	lr =	simm.s32 $0x1  }
0x2: {  	[smem:$0x3F9F] =	sst lr;
	_ =	strace $0xD0000000  }
0x3: {  	_ = 	snop  }
0x4: {  	_ = 	snop  }
0x5: {  	_ = 	snop  }
0x6: {  	_ = 	snop  }
0x7: {  	_ = 	snop  }
__scs_overlays_trampoline_lowered:
0x8: {  	[smem:$0x3FAE] =	sst s0  }
0x9: {  	[smem:$0x3FAF] =	sst s1  }
0xa: {  	[smem:$0x3FB0] =	sst s2  }
0xb: {  	[smem:$0x3FB1] =	sst s3  }
0xc: {  	[smem:$0x3FB2] =	sst s4  }
0xd: {  	[smem:$0x3FB3] =	sst s5  }
0xe: {  	[smem:$0x3FB4] =	sst s6  }
0xf: {  	[smem:$0x3FB5] =	sst s7  }
0x10: {  	[smem:$0x3FB6] =	sst s8  }
0x11: {  	[smem:$0x3FB7] =	sst s9;
	s0 =	simm.s32 @!p0 $0x0  }
0x12: {  	s1 =	sld [smem:$0x3F9D];
	s0 =	simm.s32 @p0 $0x1  }
0x13: {  	[smem:$0x3FB8] =	sst s0;
	s0 =	simm.s32 @!p1 $0x0  }
0x14: {  	s2 =	sld [smem:$0x3F9C];
	s0 =	simm.s32 @p1 $0x1  }
0x15: {  	[smem:$0x3FB9] =	sst s0;
	s0 =	simm.s32 @!p2 $0x0  }
0x16: {  	s3 =	sld [smem:$0x3FDB];
	s0 =	simm.s32 @p2 $0x1  }
0x17: {  	s4 =	simm.s32 $0x1BF5;
	[smem:$0x3FBB] =	sst s0  }
0x18: {  	s0 =	sld [smem:$0x3F9E];
	_ =	swait.ge [sflag:s4], $0x0  }
0x19: {  	s7 =	sld [smem:$0x3F9F]  }
0x1a: {  	s8 =	sadd.s32 $0xFFFFE003, lr  }
0x1b: {  	s9 =	sadd.s32 $0xFFFFFEF7, lr;
	s5 =	simm.s32 $0xFFFFFFFF;
	p2 =	slt.u32 s8, $0xFFFFF086  }
0x1c: {  	p1 =	slt.u32 s9, $0xF7A;
	s5 =	simm.s32 @!p2 $0x0  }
0x1d: {  	s5 =	simm.s32 @p1 $0x1;
	p0 =	seq.s32 s7, s2  }
0x1e: {  	s7 =	smul.u32 @!p0 $0xF7A, s2;
	p2 =	seq.s32 @!p0 s5, $0x0  }
0x1f: {  	s9 =	smul.u32 $0xF7A, s1;
	s8 =	simm.s32 @!p0 $0x1BF5;
	p2 =	por !p2, p0  }
0x20: {  	[sflag:s8] =	ssyncset.s32 @!p0 $0xFFFFF086;
	s6 =	sadd.s32 @!p0 s3, s7;
	s7 =	simm.s32 @!p0 $0x108  }
0x21: {  	s3 =	sadd.s32 s3, s9;
	s6 =	sadd.s32 @!p0 $0x88, s6;
	s7 =	simm.s32 @p2 $0x1082  }
0x22: {  	[simem:s7], [sflag:s8] =	dma.local @!p0 [hbm:s6], $0xF7A  }
0x23: {  	s9 =	sor.u32 $0xD0000000, s2;
	s6 =	simm.s32 $0x108;
	_ =	swait.ge @!p0 [sflag:s8], $0x0  }
0x24: {  	s3 =	sadd.s32 $0x88, s3;
	s6 =	simm.s32 @!p1 $0x1082;
	[sflag:s4] =	ssyncset.s32 $0xFFFFF086  }
0x25: {  	[simem:s6], [sflag:s4] =	dma.local [hbm:s3], $0xF7A  }
0x26: {  	[smem:$0x3F9F] =	sst s1;
	(tag) =	ssettag s2;
	_ =	strace s9  }
0x27: {  	s1 =	sld [smem:$0x3FAF]  }
0x28: {  	s2 =	sld [smem:$0x3FB0]  }
0x29: {  	s4 =	sld [smem:$0x3FB2]  }
0x2a: {  	p0 =	seq.s32 s5, $0x0;
	s5 =	sld [smem:$0x3FB3]  }
0x2b: {  	s6 =	sld [smem:$0x3FB4]  }
0x2c: {  	s7 =	sld [smem:$0x3FB5]  }
0x2d: {  	s3 =	simm.s32 $0x108;
	s8 =	sld [smem:$0x3FB6]  }
0x2e: {  	s3 =	simm.s32 @!p0 $0x1082;
	s9 =	sld [smem:$0x3FB7]  }
0x2f: {  	lr =	sadd.s32 s0, s3;
	s0 =	sld [smem:$0x3FAE]  }
0x30: {  	s3 =	sld [smem:$0x3FB1]  }
0x31: {  	[smem:$0x3FBA] =	sst s10  }
0x32: {  	s10 =	sld [smem:$0x3FB8];
	_ =	sdelay $0x3  }
0x33: {  	p0 =	seq.s32 s10, $0x1;
	s10 =	sld [smem:$0x3FBA];
	_ =	sdelay $0x3  }
0x34: {  	[smem:$0x3FBA] =	sst s10  }
0x35: {  	s10 =	sld [smem:$0x3FB9];
	_ =	sdelay $0x3  }
0x36: {  	p1 =	seq.s32 s10, $0x1;
	s10 =	sld [smem:$0x3FBA];
	_ =	sdelay $0x3  }
0x37: {  	[smem:$0x3FBA] =	sst s10  }
0x38: {  	s10 =	sld [smem:$0x3FBB]  }
0x39: {  	_ = 	snop;
	(pc) =	sbr.ind lr, $3  }
0x3a: {  	_ = 	snop  }
0x3b: {  	_ = 	snop  }
0x3c: {  	p2 =	seq.s32 s10, $0x1;
	s10 =	sld [smem:$0x3FBA]  }
0x3d: {  	_ =	shalt  }
0x3e: {  	_ =	shalt  }
0x3f: {  	_ =	shalt  }
0x40: {  	_ =	shalt  }
0x41: {  	_ =	shalt  }
0x42: {  	_ =	shalt  }
0x43: {  	_ =	shalt  }
0x44: {  	_ =	shalt  }
0x45: {  	_ =	shalt  }
0x46: {  	_ =	shalt  }
0x47: {  	_ =	shalt  }
0x48: {  	_ =	shalt  }
0x49: {  	_ =	shalt  }
0x4a: {  	_ =	shalt  }
0x4b: {  	_ =	shalt  }
0x4c: {  	_ =	shalt  }
0x4d: {  	_ =	shalt  }
0x4e: {  	_ =	shalt  }
0x4f: {  	_ =	shalt  }
0x50: {  	_ =	shalt  }
0x51: {  	_ =	shalt  }
0x52: {  	_ =	shalt  }
0x53: {  	_ =	shalt  }
0x54: {  	_ =	shalt  }
0x55: {  	_ =	shalt  }
0x56: {  	_ =	shalt  }
0x57: {  	_ =	shalt  }
0x58: {  	_ =	shalt  }
0x59: {  	_ =	shalt  }
0x5a: {  	_ =	shalt  }
0x5b: {  	_ =	shalt  }
0x5c: {  	_ =	shalt  }
0x5d: {  	_ =	shalt  }
0x5e: {  	_ =	shalt  }
0x5f: {  	_ =	shalt  }
0x60: {  	_ =	shalt  }
0x61: {  	_ =	shalt  }
0x62: {  	_ =	shalt  }
0x63: {  	_ =	shalt  }
0x64: {  	_ =	shalt  }
0x65: {  	_ =	shalt  }
0x66: {  	_ =	shalt  }
0x67: {  	_ =	shalt  }
0x68: {  	_ =	shalt  }
0x69: {  	_ =	shalt  }
0x6a: {  	_ =	shalt  }
0x6b: {  	_ =	shalt  }
0x6c: {  	_ =	shalt  }
0x6d: {  	_ =	shalt  }
0x6e: {  	_ =	shalt  }
0x6f: {  	_ =	shalt  }
0x70: {  	_ =	shalt  }
0x71: {  	_ =	shalt  }
0x72: {  	_ =	shalt  }
0x73: {  	_ =	shalt  }
0x74: {  	_ =	shalt  }
0x75: {  	_ =	shalt  }
0x76: {  	_ =	shalt  }
0x77: {  	_ =	shalt  }
0x78: {  	_ =	shalt  }
0x79: {  	_ =	shalt  }
0x7a: {  	_ =	shalt  }
0x7b: {  	_ =	shalt  }
0x7c: {  	_ =	shalt  }
0x7d: {  	_ =	shalt  }
0x7e: {  	_ =	shalt  }
0x7f: {  	_ =	shalt  }
0x80: {  	_ =	shalt  }
0x81: {  	_ =	shalt  }
0x82: {  	_ =	shalt  }
0x83: {  	_ =	shalt  }
0x84: {  	_ =	shalt  }
0x85: {  	_ =	shalt  }
0x86: {  	_ =	shalt  }
0x87: {  	_ =	shalt  }
.Lfunc_end0:
.L_simem_size_0:
called_computation_lowered:
.L_overlay_start_0:
0x88: {  	s2 =	sld [smem:$0x3FD9]  }
0x89: {  	s3 =	sld [smem:$0x3FFE];
	_ =	sdelay $0x1  }
0x8a: {  	s1 =	srdreg.scid  }
0x8b: {  	s0 =	sand.u32 $0x1, s1  }
0x8c: {  	s18 =	sshll.u32 s0, $0xA;
	s2 =	sadd.s32 s3, s2  }
0x8d: {  	s2 =	sadd.s32 s2, s18  }
0x8e: {  	[smem:$0x3FC6] =	sst s2  }
0x8f: {  	_ = 	snop  }
0x90: {  	s2 =	sld [smem:$0x3FC9]  }
0x91: {  	s19 =	sld [smem:$0x3FC8]  }
0x92: {  	s4 =	sld [smem:$0x3FD0];
	(tm) =	ssettm $0x1  }
0x93: {  	s5 =	sld [smem:$0x3FFB];
	_ =	sdelay $0x3  }
0x94: {  	_ =	strace s5  }
0x95: {  	s5 =	sld [smem:$0x3FFC];
	_ =	sdelay $0x3  }
0x96: {  	_ =	strace s5  }
0x97: {  	s5 =	sld [smem:$0x3FFD];
	_ =	sdelay $0x3  }
0x98: {  	_ =	strace s5  }
0x99: {  	_ =	strace $0x8FFFFFFF  }
0x9a: {  	s20 =	sld [smem:$0x3FDB];
	_ =	sdelay $0x1  }
0x9b: {  	s6 =	simm.s32 $_scs_section_size  }
0x9c: {  	s7 =	simm.s32 $_size__tile_overlayer_lowered;
	s8 =	simm.s32 $_tile_overlayer_lowered  }
0x9d: {  	s23 =	simm.s32 $0x1BFF;
	s22 =	sshll.u32 s8, $0x1;
	s5 =	sadd.s32 s6, s20  }
0x9e: {  	s9 =	simm.s32 $0x0;
	s21 =	sshll.u32 s7, $0x1;
	s7 =	sadd.s32 s22, s5  }
0x9f: {  	[timem:s9], [sflag:s23] =	dma.local [hbm:s7], s21  }
0xa0: {  	_ =	swait.ge [sflag:s23], s21  }
0xa1: {  	s6 =	ssub.s32 $0x0, s21;
	[sflag:s23] =	ssyncset.done $0x0  }
0xa2: {  	[sflag:s23] =	ssyncadd.s32 s6;
	_ =	sdelay $0x1  }
0xa3: {  	s24 =	simm.s32 $0x1B8B  }
0xa4: {  	_ =	swait.ge [sflag:s24], $0x1  }
0xa5: {  	[sflag:s24] =	ssyncset.done $0x0  }
0xa6: {  	s25 =	simm.s32 $0x1B8E;
	[sflag:s24] =	ssyncadd.s32 $0xFFFFFFFF  }
0xa7: {  	s26 =	simm.s32 $execute0_lowered;
	[smem:$0x3FD2] =	sst s25  }
0xa8: {  	s6 =	sshll.u32 s26, $0x1;
	_ =	strace $0x80000046;
	[dreg:$0x1] =	wrdreg $0xFFFFFFFF  }
0xa9: {  	s28 =	simm.s32 $_size_execute0_lowered;
	s5 =	sadd.s32 s5, s6;
	[dreg:$0x0] =	wrdreg $0x0  }
0xaa: {  	s6 =	sshll.u32 s28, $0x1;
	[dreg:$0x2] =	wrdreg s5  }
0xab: {  	[dreg:$0x3] =	wrdreg s6  }
0xac: {  	[dreg:$0x4] =	wrdreg $0xC0  }
0xad: {  	_ =	task [dreg:s9], $0x5FFFF  }
0xae: {  	[dreg:$0x1] =	wrdreg $0xFFFFFFFF  }
0xaf: {  	[dreg:$0x0] =	wrdreg $0x60  }
0xb0: {  	[dreg:$0x2] =	wrdreg s2  }
0xb1: {  	[dreg:$0x3] =	wrdreg s19  }
0xb2: {  	[dreg:$0x4] =	wrdreg s4  }
0xb3: {  	[dreg:$0x5] =	wrdreg $0x9  }
0xb4: {  	_ =	task.clear_ibuf [dreg:s9], $0x6FFFF;
	_ =	strace $0x90000046  }
0xb5: {  	s29 =	simm.s32 $0x9;
	_ =	strace $0x80000048  }
0xb6: {  	_ =	swait.ge [sflag:s29], $0x1  }
0xb7: {  	[sflag:s29] =	ssyncadd.s32 $0xFFFFFFFF  }
0xb8: {  	_ =	strace $0x90000048  }
0xb9: {  	_ =	sfence  }
0xba: {  	s30 =	sld [smem:$0x0];
	_ =	sdelay $0x2  }
0xbb: {  	s31 =	sshll.u32 s1, $0xD;
	s1 =	sshrl.u32 s1, $0x2  }
0xbc: {  	s3 =	sand.u32 $0x4000, s31;
	s1 =	sadd.s32 s1, s30  }
0xbd: {  	s0 =	sor.u32 s3, s0;
	s1 =	sshll.u32 s1, $0x11  }
0xbe: {  	s0 =	sor.u32 s1, s0  }
0xbf: {  	s0 =	sadd.s32 $0x8F2B, s0  }
0xc0: {  	[sflag:s0] =	ssyncadd.remote.s32 $0x1  }
0xc1: {  	_ =	sfence.sel $0xFFFF  }
0xc2: {  	[dreg:$0x0] =	wrdreg $0xFFFFFFFF;
	(pc) =	sbr.abs _section_cstart, $3  }
0xc3: {  	[dreg:$0x1] =	wrdreg $0xFFFFFFFF  }
0xc4: {  	_ =	task.clear_ibuf [dreg:s9], $0x2FFFF;
	_ =	strace $0x9FFFFFFF  }
0xc5: {  	(tm) =	ssettm $0x7FFFFFFF  }
tec
execute0_lowered:
.L_overlay_start_1:
0x0: {  	(tag) =	ssettag $0x1  }
0x1: {  	s1 =	srdreg.scid  }
0x2: {  	s0 =	rddreg [dreg:$0x0];
	s5 =	stileid.u32;
	s3 =	sand.u32 $0x1, s1  }
0x3: {  	s2 =	rddreg [dreg:$0x1];
	s5 =	sshll.u32 s5, $0xE;
	s6 =	sshll.u32 s3, $0xD  }
0x4: {  	s4 =	rddreg [dreg:$0x2];
	s1 =	simm.s32 $0x0;
	s5 =	sor.u32 s6, s5  }
0x5: {  	[smem:$0x7FF] =	sst s1;
	s11 =	sadd.s32 s2, s5  }
0x6: {  	s13 =	sadd.s32 s0, s5;
	[dreg:$0x4] =	wrdreg s11  }
0x7: {  	s7 =	sor.u32 $0x400, s5;
	s8 =	sadd.s32 s4, s5;
	[dreg:$0x6] =	wrdreg s13  }
0x8: {  	s29 =	simm.s32 $0x2000;
	s12 =	sadd.s32 s2, s7;
	[dreg:$0x8] =	wrdreg s8  }
0x9: {  	s15 =	sor.u32 $0x800, s5;
	s14 =	sadd.s32 s0, s7;
	[dreg:$0x5] =	wrdreg s12  }
0xa: {  	s30 =	simm.s32 $0x200000;
	s16 =	sadd.s32 s0, s15;
	[dreg:$0x7] =	wrdreg s14  }
0xb: {  	s31 =	simm.s32 $0x4000;
	s9 =	sadd.s32 s2, s15;
	[dreg:$0x9] =	wrdreg s16  }
0xc: {  	s17 =	sor.u32 $0xC00, s5;
	s7 =	sadd.s32 s4, s7;
	[dreg:$0xa] =	wrdreg s9  }
0xd: {  	s3 =	ssub.s32 $0x2, s3;
	s18 =	sadd.s32 s0, s17;
	[dreg:$0xb] =	wrdreg s7  }
0xe: {  	s10 =	sshrl.u32 s3, $0x1;
	s19 =	sadd.s32 s2, s17;
	[dreg:$0xc] =	wrdreg s18  }
0xf: {  	s20 =	sor.u32 $0x1000, s5;
	s6 =	sadd.s32 s4, s15;
	[dreg:$0xd] =	wrdreg s19  }
0x10: {  	s3 =	ssub.s32 s3, s10;
	s21 =	sadd.s32 s0, s20;
	[dreg:$0xe] =	wrdreg s6  }
0x11: {  	s23 =	sor.u32 $0x1400, s5;
	s22 =	sadd.s32 s2, s20;
	[dreg:$0xf] =	wrdreg s21  }
0x12: {  	s26 =	sor.u32 $0x1800, s5;
	s8 =	sadd.s32 s4, s17;
	[dreg:$0x10] =	wrdreg s22  }
0x13: {  	s5 =	sor.u32 $0x1C00, s5;
	s24 =	sadd.s32 s0, s23;
	[dreg:$0x11] =	wrdreg s8  }
0x14: {  	s10 =	simm.s32 $0x0;
	s25 =	sadd.s32 s2, s23;
	[dreg:$0x12] =	wrdreg s24  }
0x15: {  	s28 =	smax.u32 s3, $0x1;
	s3 =	simm.s32 $0x14000;
	[dreg:$0x13] =	wrdreg s25  }
0x16: {  	s18 =	sadd.s32 s4, s20;
	s20 =	sadd.s32 s4, s23;
	s21 =	sadd.s32 s0, s26  }
0x17: {  	s22 =	sadd.s32 s0, s5;
	s23 =	sadd.s32 s2, s26;
	s24 =	sadd.s32 s2, s5  }
0x18: {  	s25 =	sadd.s32 s4, s26;
	s26 =	sadd.s32 s4, s5;
	s19 =	simm.s32 $0xC000  }
0x19: {  	s0 =	simm.s32 $0x3;
	s2 =	simm.s32 $0x1;
	s4 =	simm.s32 $0x4  }
0x1a: {  	s5 =	simm.s32 $0x2;
	s6 =	simm.s32 $0x6;
	s7 =	simm.s32 $0x5  }
0x1b: {  	s8 =	simm.s32 $0x7;
	s9 =	simm.s32 $0x8;
	_ =	strace $0x80000047  }
.LBB2_1:
0x1c: {  	s11 =	rddreg [dreg:$0x4]  }
0x1d: {  	[tilespmem:s1], [sflag:$0x1] =	stream.linear.gather [hbm4b:s11+s1], $0x2000, $0x38;
	[tilespmem:$0x1C000] =	vst v63  }
0x1e: {  	s14 =	rddreg [dreg:$0x5]  }
0x1f: {  	[tilespmem:s29], [sflag:$0x2] =	stream.linear.gather [hbm4b:s14+s1], $0x2000, $0x38;
	[tilespmem:$0x1C000] =	vst v63  }
0x20: {  	s15 =	rddreg [dreg:$0x6]  }
0x21: {  	[tilespmem:s31], [sflag:$0x3] =	stream.strided.gather [hbm4b:s15+s29], $0x8000, s30, s29, $0x38;
	[tilespmem:$0x1C000] =	vst v63  }
0x22: {  	s16 =	rddreg [dreg:$0x7]  }
0x23: {  	[tilespmem:s19], [sflag:$0x4] =	stream.strided.gather [hbm4b:s16+s29], $0x8000, s30, s29, $0x38;
	[tilespmem:$0x1C000] =	vst v63  }
0x24: {  	_ =	swait.ge [sflag:s0], $0x8000  }
0x25: {  	[sflag:s0] =	ssyncset.done $0x0  }
0x26: {  	[sflag:s0] =	ssyncadd.s32 $0xFFFF8000  }
0x27: {  	s17 =	sand.u32 $0x1C00, s1;
	_ =	swait.ge [sflag:s2], $0x2000  }
0x28: {  	s12 =	sor.u32 s17, s1;
	[sflag:s2] =	ssyncset.done $0x0  }
0x29: {  	s12 =	sor.u32 $0x70, s12;
	[sflag:s2] =	ssyncadd.s32 $0xFFFFE000  }
0x2a: {  	v0 =	vld [tilespmem:s12+$0x0]  }
0x2b: {  	v1 =	vld [tilespmem:s12+$0x4000];
	_ =	sdelay $0x1  }
0x2c: {  	s13 =	sand.u32 $0x380, s1  }
0x2d: {  	s11 =	sor.u32 s13, s17  }
0x2e: {  	v4 =	vld [tilespmem:s11+$0x0]  }
0x2f: {  	v5 =	vld [tilespmem:s11+$0x4000];
	v1 =	vadd.f32 v1, v0  }
0x30: {  	v6 =	vld [tilespmem:s11+$0x6000]  }
0x31: {  	v7 =	vld [tilespmem:s11+$0x8000];
	[tilespmem:s12+$0x4000] =	vst v1  }
0x32: {  	v1 =	vld [tilespmem:s11+$0xA070]  }
0x33: {  	v2 =	vld [tilespmem:s11+$0x6070]  }
0x34: {  	v3 =	vld [tilespmem:s11+$0x8070]  }
0x35: {  	v8 =	vld [tilespmem:s11+$0xA000]  }
0x36: {  	v9 =	vld [tilespmem:s11+$0x10]  }
0x37: {  	v10 =	vld [tilespmem:s11+$0x4010];
	v1 =	vadd.f32 v1, v0  }
0x38: {  	v11 =	vld [tilespmem:s11+$0x6010];
	v2 =	vadd.f32 v2, v0  }
0x39: {  	v63 =	vld [tilespmem:s11+$0x30];
	v0 =	vadd.f32 v3, v0;
	[tilespmem:s11+$0xA070] =	vst v1  }
0x3a: {  	v3 =	vld [tilespmem:s11+$0xA010];
	[tilespmem:s11+$0x6070] =	vst v2;
	v2 =	vadd.f32 v5, v4  }
0x3b: {  	v1 =	vld [tilespmem:s11+$0x8010];
	[tilespmem:s11+$0x8070] =	vst v0;
	v0 =	vadd.f32 v6, v4  }
0x3c: {  	v5 =	vld [tilespmem:s11+$0x20];
	[tilespmem:s11+$0x4000] =	vst v2;
	v2 =	vadd.f32 v7, v4  }
0x3d: {  	v6 =	vld [tilespmem:s11+$0x4020];
	[tilespmem:s11+$0x6000] =	vst v0;
	v0 =	vadd.f32 v8, v4  }
0x3e: {  	v4 =	vld [tilespmem:s11+$0x6020];
	[tilespmem:s11+$0x8000] =	vst v2;
	v2 =	vadd.f32 v10, v9  }
0x3f: {  	v7 =	vld [tilespmem:s11+$0x8020];
	[tilespmem:s11+$0xA000] =	vst v0;
	v0 =	vadd.f32 v11, v9  }
0x40: {  	v8 =	vld [tilespmem:s11+$0xA020];
	v1 =	vadd.f32 v1, v9;
	[tilespmem:s11+$0x4010] =	vst v2  }
0x41: {  	[tilespmem:s11+$0x6010] =	vst v0;
	v0 =	vadd.f32 v3, v9;
	v2 =	vld [tilespmem:s11+$0x4030]  }
0x42: {  	v3 =	vld [tilespmem:s11+$0x6030];
	[tilespmem:s11+$0x8010] =	vst v1;
	v1 =	vadd.f32 v6, v5  }
0x43: {  	v6 =	vld [tilespmem:s11+$0x8030];
	[tilespmem:s11+$0xA010] =	vst v0;
	v0 =	vadd.f32 v4, v5  }
0x44: {  	[tilespmem:s11+$0x4020] =	vst v1;
	v1 =	vadd.f32 v7, v5;
	v7 =	vld [tilespmem:s11+$0xA030]  }
0x45: {  	v4 =	vld [tilespmem:s11+$0x4040];
	v5 =	vadd.f32 v8, v5;
	[tilespmem:s11+$0x6020] =	vst v0  }
0x46: {  	v0 =	vld [tilespmem:s11+$0x40];
	[tilespmem:s11+$0x8020] =	vst v1;
	v1 =	vadd.f32 v2, v63  }
0x47: {  	[tilespmem:s11+$0xA020] =	vst v5;
	v3 =	vadd.f32 v3, v63;
	v2 =	vld [tilespmem:s11+$0x6040]  }
0x48: {  	v6 =	vadd.f32 v6, v63;
	[tilespmem:s11+$0x4030] =	vst v1;
	v1 =	vld [tilespmem:s11+$0x8040]  }
0x49: {  	s13 =	simm.s32 $0x400;
	s14 =	simm.s32 $0x0;
	s12 =	simm.s32 $0x0;
	[tilespmem:s11+$0x6030] =	vst v3;
	v3 =	vld [tilespmem:s11+$0xA040];
	v5 =	vadd.f32 v7, v63  }
.LBB2_2:
0x4a: {  	s15 =	sand.u32 $0x1C00, s13;
	[tilespmem:s11+$0x8030] =	vst v6;
	v6 =	vld [tilespmem:s11+$0x50];
	s14 =	sadd.s32 $0x10, s14  }
0x4b: {  	s12 =	sadd.s32 $0x8, s12;
	s16 =	sor.u32 s15, s14;
	[tilespmem:s11+$0xA030] =	vst v5;
	v4 =	vadd.f32 v4, v0;
	v5 =	vld [tilespmem:s11+$0x4050]  }
0x4c: {  	p0 =	slt.u32 s12, $0x1F8;
	s16 =	sor.u32 $0x70, s16;
	v2 =	vadd.f32 v2, v0;
	v7 =	vld [tilespmem:s11+$0x6050]  }
0x4d: {  	v8 =	vld [tilespmem:s16+$0x0];
	[tilespmem:s11+$0x4040] =	vst v4;
	v1 =	vadd.f32 v1, v0  }
0x4e: {  	v4 =	vld [tilespmem:s16+$0x4000];
	[tilespmem:s11+$0x6040] =	vst v2;
	v0 =	vadd.f32 v3, v0  }
0x4f: {  	[tilespmem:s11+$0x8040] =	vst v1;
	v1 =	vld [tilespmem:s11+$0x8050]  }
0x50: {  	[tilespmem:s11+$0xA040] =	vst v0;
	v0 =	vadd.f32 v5, v6;
	v2 =	vld [tilespmem:s11+$0xA050]  }
0x51: {  	v3 =	vadd.f32 v7, v6;
	v5 =	vld [tilespmem:s11+$0x60]  }
0x52: {  	[tilespmem:s11+$0x4050] =	vst v0;
	v0 =	vld [tilespmem:s11+$0x4060]  }
0x53: {  	v4 =	vadd.f32 v4, v8;
	[tilespmem:s11+$0x6050] =	vst v3;
	v3 =	vld [tilespmem:s11+$0x6060]  }
0x54: {  	s17 =	sand.u32 $0x380, s14;
	v1 =	vadd.f32 v1, v6;
	v7 =	vld [tilespmem:s11+$0x8060]  }
0x55: {  	s15 =	sor.u32 s17, s15;
	[tilespmem:s16+$0x4000] =	vst v4;
	v2 =	vadd.f32 v2, v6;
	v4 =	vld [tilespmem:s11+$0xA060]  }
0x56: {  	v6 =	vld [tilespmem:s15+$0xA070];
	[tilespmem:s11+$0x8050] =	vst v1  }
0x57: {  	v1 =	vld [tilespmem:s15+$0x6070];
	[tilespmem:s11+$0xA050] =	vst v2;
	v0 =	vadd.f32 v0, v5  }
0x58: {  	v2 =	vld [tilespmem:s15+$0x8070];
	v3 =	vadd.f32 v3, v5  }
0x59: {  	v9 =	vld [tilespmem:s15+$0x0];
	[tilespmem:s11+$0x4060] =	vst v0;
	v0 =	vadd.f32 v7, v5  }
0x5a: {  	v7 =	vld [tilespmem:s15+$0x4000];
	[tilespmem:s11+$0x6060] =	vst v3;
	v3 =	vadd.f32 v4, v5  }
0x5b: {  	v4 =	vld [tilespmem:s15+$0x6000];
	v5 =	vadd.f32 v6, v8;
	[tilespmem:s11+$0x8060] =	vst v0  }
0x5c: {  	v0 =	vld [tilespmem:s15+$0x8000];
	v1 =	vadd.f32 v1, v8;
	[tilespmem:s11+$0xA060] =	vst v3;
	s11 =	smov.u32 s15  }
0x5d: {  	v3 =	vld [tilespmem:s11+$0xA000];
	v2 =	vadd.f32 v2, v8;
	[tilespmem:s11+$0xA070] =	vst v5  }
0x5e: {  	v5 =	vld [tilespmem:s11+$0x10];
	[tilespmem:s11+$0x6070] =	vst v1  }
0x5f: {  	v1 =	vadd.f32 v7, v9;
	v6 =	vld [tilespmem:s11+$0x4010];
	[tilespmem:s11+$0x8070] =	vst v2  }
0x60: {  	v2 =	vadd.f32 v4, v9;
	v4 =	vld [tilespmem:s11+$0x6010]  }
0x61: {  	[tilespmem:s11+$0x4000] =	vst v1;
	v0 =	vadd.f32 v0, v9;
	v1 =	vld [tilespmem:s11+$0x8010]  }
0x62: {  	[tilespmem:s11+$0x6000] =	vst v2;
	v2 =	vadd.f32 v3, v9;
	v3 =	vld [tilespmem:s11+$0xA010]  }
0x63: {  	[tilespmem:s11+$0x8000] =	vst v0;
	v0 =	vld [tilespmem:s11+$0x20]  }
0x64: {  	[tilespmem:s11+$0xA000] =	vst v2;
	v2 =	vadd.f32 v6, v5;
	v6 =	vld [tilespmem:s11+$0x4020]  }
0x65: {  	v4 =	vadd.f32 v4, v5;
	v7 =	vld [tilespmem:s11+$0x6020]  }
0x66: {  	[tilespmem:s11+$0x4010] =	vst v2;
	v1 =	vadd.f32 v1, v5;
	v2 =	vld [tilespmem:s11+$0x8020]  }
0x67: {  	[tilespmem:s11+$0x6010] =	vst v4;
	v3 =	vadd.f32 v3, v5;
	v4 =	vld [tilespmem:s11+$0xA020]  }
0x68: {  	[tilespmem:s11+$0x8010] =	vst v1;
	v5 =	vld [tilespmem:s11+$0x30]  }
0x69: {  	[tilespmem:s11+$0xA010] =	vst v3;
	v1 =	vadd.f32 v6, v0;
	v3 =	vld [tilespmem:s11+$0x4030]  }
0x6a: {  	v6 =	vadd.f32 v7, v0;
	v7 =	vld [tilespmem:s11+$0x6030]  }
0x6b: {  	[tilespmem:s11+$0x4020] =	vst v1;
	v1 =	vadd.f32 v2, v0;
	v8 =	vld [tilespmem:s11+$0x8030]  }
0x6c: {  	[tilespmem:s11+$0x6020] =	vst v6;
	v2 =	vadd.f32 v4, v0;
	v9 =	vld [tilespmem:s11+$0xA030]  }
.Ltmp0:
0x6d: {  	[tilespmem:s11+$0x8020] =	vst v1;
	v0 =	vld [tilespmem:s11+$0x40];
	(pc) =	sbr.rel @p0 .LBB2_2-.Ltmp0, $4  }
0x6e: {  	[tilespmem:s11+$0xA020] =	vst v2;
	v1 =	vadd.f32 v3, v5;
	v4 =	vld [tilespmem:s11+$0x4040]  }
0x6f: {  	v3 =	vadd.f32 v7, v5;
	v2 =	vld [tilespmem:s11+$0x6040]  }
0x70: {  	[tilespmem:s11+$0x4030] =	vst v1;
	v6 =	vadd.f32 v8, v5;
	v1 =	vld [tilespmem:s11+$0x8040]  }
0x71: {  	s13 =	sadd.s32 $0x400, s13;
	[tilespmem:s11+$0x6030] =	vst v3;
	v5 =	vadd.f32 v9, v5;
	v3 =	vld [tilespmem:s11+$0xA040]  }
0x72: {  	v7 =	vld [tilespmem:s11+$0x50]  }
0x73: {  	v8 =	vld [tilespmem:s11+$0x4050]  }
0x74: {  	v9 =	vld [tilespmem:s11+$0x6050]  }
0x75: {  	[tilespmem:s11+$0x8030] =	vst v6;
	v6 =	vld [tilespmem:s11+$0x8050];
	v4 =	vadd.f32 v4, v0  }
0x76: {  	[tilespmem:s11+$0xA030] =	vst v5;
	v5 =	vld [tilespmem:s11+$0xA050];
	v2 =	vadd.f32 v2, v0  }
0x77: {  	[tilespmem:s11+$0x4040] =	vst v4;
	v1 =	vadd.f32 v1, v0;
	v4 =	vld [tilespmem:s11+$0x60]  }
0x78: {  	[tilespmem:s11+$0x6040] =	vst v2;
	v0 =	vadd.f32 v3, v0;
	v2 =	vld [tilespmem:s11+$0x4060]  }
0x79: {  	v3 =	vld [tilespmem:s11+$0x6060];
	[tilespmem:s11+$0x8040] =	vst v1;
	v1 =	vadd.f32 v8, v7  }
0x7a: {  	v8 =	vld [tilespmem:s11+$0x8060];
	[tilespmem:s11+$0xA040] =	vst v0;
	v0 =	vadd.f32 v9, v7  }
0x7b: {  	[tilespmem:s11+$0x4050] =	vst v1;
	v1 =	vadd.f32 v6, v7;
	v6 =	vld [tilespmem:s11+$0xA060]  }
0x7c: {  	[tilespmem:s11+$0x6050] =	vst v0;
	v0 =	vadd.f32 v5, v7  }
0x7d: {  	[tilespmem:s11+$0x8050] =	vst v1;
	v1 =	vadd.f32 v2, v4  }
0x7e: {  	[tilespmem:s11+$0xA050] =	vst v0;
	v0 =	vadd.f32 v3, v4  }
0x7f: {  	[tilespmem:s11+$0x4060] =	vst v1;
	v1 =	vadd.f32 v8, v4  }
0x80: {  	[tilespmem:s11+$0x6060] =	vst v0;
	v0 =	vadd.f32 v6, v4  }
0x81: {  	[tilespmem:s11+$0x8060] =	vst v1  }
0x82: {  	[tilespmem:s11+$0xA060] =	vst v0  }
0x83: {  	s11 =	rddreg [dreg:$0x8]  }
0x84: {  	[hbm4b:s11+s29] =	stream.strided.scatter [tilespmem:s31], [sflag:$0x6], $0x8000, s30, s29, $0x38;
	[tilespmem:$0x1C000] =	vst v63  }
0x85: {  	s15 =	rddreg [dreg:$0x9]  }
0x86: {  	[tilespmem:s3], [sflag:$0x5] =	stream.strided.gather [hbm4b:s15+s29], $0x8000, s30, s29, $0x38;
	[tilespmem:$0x1C000] =	vst v63  }
0x87: {  	s12 =	simm.s32 $0x0;
	s16 =	rddreg [dreg:$0xa]  }
0x88: {  	[tilespmem:s12], [sflag:$0x1] =	stream.linear.gather [hbm4b:s16+s12], $0x2000, $0x38;
	[tilespmem:$0x1C000] =	vst v63  }
0x89: {  	_ =	swait.ge [sflag:s4], $0x8000  }
0x8a: {  	[sflag:s4] =	ssyncset.done $0x0  }
0x8b: {  	[sflag:s4] =	ssyncadd.s32 $0xFFFF8000  }
0x8c: {  	s17 =	sand.u32 $0x1C00, s12;
	_ =	swait.ge [sflag:s5], $0x2000  }
0x8d: {  	s13 =	sor.u32 s17, s12;
	[sflag:s5] =	ssyncset.done $0x0  }
0x8e: {  	s13 =	sor.u32 $0x70, s13;
	[sflag:s5] =	ssyncadd.s32 $0xFFFFE000  }
0x8f: {  	v0 =	vld [tilespmem:s13+$0x2000]  }
0x90: {  	v1 =	vld [tilespmem:s13+$0xC000];
	_ =	sdelay $0x1  }
0x91: {  	s14 =	sand.u32 $0x380, s12  }
0x92: {  	s11 =	sor.u32 s14, s17  }
0x93: {  	v4 =	vld [tilespmem:s11+$0x2000]  }
0x94: {  	v5 =	vld [tilespmem:s11+$0xC000];
	v1 =	vadd.f32 v1, v0  }
0x95: {  	v6 =	vld [tilespmem:s11+$0xE000]  }
0x96: {  	v7 =	vld [tilespmem:s11+$0x10000];
	[tilespmem:s13+$0xC000] =	vst v1  }
0x97: {  	v1 =	vld [tilespmem:s11+$0x12070]  }
0x98: {  	v2 =	vld [tilespmem:s11+$0xE070]  }
0x99: {  	v3 =	vld [tilespmem:s11+$0x10070]  }
0x9a: {  	v8 =	vld [tilespmem:s11+$0x12000]  }
0x9b: {  	v62 =	vld [tilespmem:s11+$0x2010]  }
0x9c: {  	v10 =	vld [tilespmem:s11+$0xC010];
	v1 =	vadd.f32 v1, v0  }
0x9d: {  	v11 =	vld [tilespmem:s11+$0xE010];
	v2 =	vadd.f32 v2, v0  }
0x9e: {  	v63 =	vld [tilespmem:s11+$0x2030];
	v0 =	vadd.f32 v3, v0;
	[tilespmem:s11+$0x12070] =	vst v1  }
0x9f: {  	v3 =	vld [tilespmem:s11+$0x12010];
	[tilespmem:s11+$0xE070] =	vst v2;
	v2 =	vadd.f32 v5, v4  }
0xa0: {  	v1 =	vld [tilespmem:s11+$0x10010];
	[tilespmem:s11+$0x10070] =	vst v0;
	v0 =	vadd.f32 v6, v4  }
0xa1: {  	v5 =	vld [tilespmem:s11+$0x2020];
	[tilespmem:s11+$0xC000] =	vst v2;
	v2 =	vadd.f32 v7, v4  }
0xa2: {  	v6 =	vld [tilespmem:s11+$0xC020];
	[tilespmem:s11+$0xE000] =	vst v0;
	v0 =	vadd.f32 v8, v4  }
0xa3: {  	v4 =	vld [tilespmem:s11+$0xE020];
	[tilespmem:s11+$0x10000] =	vst v2;
	v2 =	vadd.f32 v10, v62  }
0xa4: {  	v7 =	vld [tilespmem:s11+$0x10020];
	[tilespmem:s11+$0x12000] =	vst v0;
	v0 =	vadd.f32 v11, v62  }
0xa5: {  	v8 =	vld [tilespmem:s11+$0x12020];
	v1 =	vadd.f32 v1, v62;
	[tilespmem:s11+$0xC010] =	vst v2  }
0xa6: {  	[tilespmem:s11+$0xE010] =	vst v0;
	v0 =	vadd.f32 v3, v62;
	v2 =	vld [tilespmem:s11+$0xC030]  }
0xa7: {  	v3 =	vld [tilespmem:s11+$0xE030];
	[tilespmem:s11+$0x10010] =	vst v1;
	v1 =	vadd.f32 v6, v5  }
0xa8: {  	v6 =	vld [tilespmem:s11+$0x10030];
	[tilespmem:s11+$0x12010] =	vst v0;
	v0 =	vadd.f32 v4, v5  }
0xa9: {  	[tilespmem:s11+$0xC020] =	vst v1;
	v1 =	vadd.f32 v7, v5;
	v7 =	vld [tilespmem:s11+$0x12030]  }
0xaa: {  	v4 =	vld [tilespmem:s11+$0xC040];
	v5 =	vadd.f32 v8, v5;
	[tilespmem:s11+$0xE020] =	vst v0  }
0xab: {  	v0 =	vld [tilespmem:s11+$0x2040];
	[tilespmem:s11+$0x10020] =	vst v1;
	v1 =	vadd.f32 v2, v63  }
0xac: {  	[tilespmem:s11+$0x12020] =	vst v5;
	v3 =	vadd.f32 v3, v63;
	v2 =	vld [tilespmem:s11+$0xE040]  }
0xad: {  	v6 =	vadd.f32 v6, v63;
	[tilespmem:s11+$0xC030] =	vst v1;
	v1 =	vld [tilespmem:s11+$0x10040]  }
0xae: {  	s14 =	simm.s32 $0x400;
	s13 =	simm.s32 $0x0;
	[tilespmem:s11+$0xE030] =	vst v3;
	v3 =	vld [tilespmem:s11+$0x12040];
	v5 =	vadd.f32 v7, v63  }
.LBB2_4:
0xaf: {  	s15 =	sand.u32 $0x1C00, s14;
	[tilespmem:s11+$0x10030] =	vst v6;
	v6 =	vld [tilespmem:s11+$0x2050];
	s12 =	sadd.s32 $0x10, s12  }
0xb0: {  	s13 =	sadd.s32 $0x8, s13;
	s16 =	sor.u32 s15, s12;
	[tilespmem:s11+$0x12030] =	vst v5;
	v4 =	vadd.f32 v4, v0;
	v5 =	vld [tilespmem:s11+$0xC050]  }
0xb1: {  	p0 =	slt.u32 s13, $0x1F8;
	s16 =	sor.u32 $0x70, s16;
	v2 =	vadd.f32 v2, v0;
	v7 =	vld [tilespmem:s11+$0xE050]  }
0xb2: {  	v8 =	vld [tilespmem:s16+$0x2000];
	[tilespmem:s11+$0xC040] =	vst v4;
	v1 =	vadd.f32 v1, v0  }
0xb3: {  	v4 =	vld [tilespmem:s16+$0xC000];
	[tilespmem:s11+$0xE040] =	vst v2;
	v0 =	vadd.f32 v3, v0  }
0xb4: {  	[tilespmem:s11+$0x10040] =	vst v1;
	v1 =	vld [tilespmem:s11+$0x10050]  }
0xb5: {  	[tilespmem:s11+$0x12040] =	vst v0;
	v0 =	vadd.f32 v5, v6;
	v2 =	vld [tilespmem:s11+$0x12050]  }
0xb6: {  	v3 =	vadd.f32 v7, v6;
	v5 =	vld [tilespmem:s11+$0x2060]  }
0xb7: {  	[tilespmem:s11+$0xC050] =	vst v0;
	v0 =	vld [tilespmem:s11+$0xC060]  }
0xb8: {  	v4 =	vadd.f32 v4, v8;
	[tilespmem:s11+$0xE050] =	vst v3;
	v3 =	vld [tilespmem:s11+$0xE060]  }
0xb9: {  	s17 =	sand.u32 $0x380, s12;
	v1 =	vadd.f32 v1, v6;
	v7 =	vld [tilespmem:s11+$0x10060]  }
0xba: {  	s15 =	sor.u32 s17, s15;
	[tilespmem:s16+$0xC000] =	vst v4;
	v2 =	vadd.f32 v2, v6;
	v4 =	vld [tilespmem:s11+$0x12060]  }
0xbb: {  	v6 =	vld [tilespmem:s15+$0x12070];
	[tilespmem:s11+$0x10050] =	vst v1  }
0xbc: {  	v1 =	vld [tilespmem:s15+$0xE070];
	[tilespmem:s11+$0x12050] =	vst v2;
	v0 =	vadd.f32 v0, v5  }
0xbd: {  	v2 =	vld [tilespmem:s15+$0x10070];
	v3 =	vadd.f32 v3, v5  }
0xbe: {  	v9 =	vld [tilespmem:s15+$0x2000];
	[tilespmem:s11+$0xC060] =	vst v0;
	v0 =	vadd.f32 v7, v5  }
0xbf: {  	v7 =	vld [tilespmem:s15+$0xC000];
	[tilespmem:s11+$0xE060] =	vst v3;
	v3 =	vadd.f32 v4, v5  }
0xc0: {  	v4 =	vld [tilespmem:s15+$0xE000];
	v5 =	vadd.f32 v6, v8;
	[tilespmem:s11+$0x10060] =	vst v0  }
0xc1: {  	v0 =	vld [tilespmem:s15+$0x10000];
	v1 =	vadd.f32 v1, v8;
	[tilespmem:s11+$0x12060] =	vst v3;
	s11 =	smov.u32 s15  }
0xc2: {  	v3 =	vld [tilespmem:s11+$0x12000];
	v2 =	vadd.f32 v2, v8;
	[tilespmem:s11+$0x12070] =	vst v5  }
0xc3: {  	v5 =	vld [tilespmem:s11+$0x2010];
	[tilespmem:s11+$0xE070] =	vst v1  }
0xc4: {  	v1 =	vadd.f32 v7, v9;
	v6 =	vld [tilespmem:s11+$0xC010];
	[tilespmem:s11+$0x10070] =	vst v2  }
0xc5: {  	v2 =	vadd.f32 v4, v9;
	v4 =	vld [tilespmem:s11+$0xE010]  }
0xc6: {  	[tilespmem:s11+$0xC000] =	vst v1;
	v0 =	vadd.f32 v0, v9;
	v1 =	vld [tilespmem:s11+$0x10010]  }
0xc7: {  	[tilespmem:s11+$0xE000] =	vst v2;
	v2 =	vadd.f32 v3, v9;
	v3 =	vld [tilespmem:s11+$0x12010]  }
0xc8: {  	[tilespmem:s11+$0x10000] =	vst v0;
	v0 =	vld [tilespmem:s11+$0x2020]  }
0xc9: {  	[tilespmem:s11+$0x12000] =	vst v2;
	v2 =	vadd.f32 v6, v5;
	v6 =	vld [tilespmem:s11+$0xC020]  }
0xca: {  	v4 =	vadd.f32 v4, v5;
	v7 =	vld [tilespmem:s11+$0xE020]  }
0xcb: {  	[tilespmem:s11+$0xC010] =	vst v2;
	v1 =	vadd.f32 v1, v5;
	v2 =	vld [tilespmem:s11+$0x10020]  }
0xcc: {  	[tilespmem:s11+$0xE010] =	vst v4;
	v3 =	vadd.f32 v3, v5;
	v4 =	vld [tilespmem:s11+$0x12020]  }
0xcd: {  	[tilespmem:s11+$0x10010] =	vst v1;
	v5 =	vld [tilespmem:s11+$0x2030]  }
0xce: {  	[tilespmem:s11+$0x12010] =	vst v3;
	v1 =	vadd.f32 v6, v0;
	v3 =	vld [tilespmem:s11+$0xC030]  }
0xcf: {  	v6 =	vadd.f32 v7, v0;
	v7 =	vld [tilespmem:s11+$0xE030]  }
0xd0: {  	[tilespmem:s11+$0xC020] =	vst v1;
	v1 =	vadd.f32 v2, v0;
	v8 =	vld [tilespmem:s11+$0x10030]  }
0xd1: {  	[tilespmem:s11+$0xE020] =	vst v6;
	v2 =	vadd.f32 v4, v0;
	v9 =	vld [tilespmem:s11+$0x12030]  }
.Ltmp1:
0xd2: {  	[tilespmem:s11+$0x10020] =	vst v1;
	v0 =	vld [tilespmem:s11+$0x2040];
	(pc) =	sbr.rel @p0 .LBB2_4-.Ltmp1, $4  }
0xd3: {  	[tilespmem:s11+$0x12020] =	vst v2;
	v1 =	vadd.f32 v3, v5;
	v4 =	vld [tilespmem:s11+$0xC040]  }
0xd4: {  	v3 =	vadd.f32 v7, v5;
	v2 =	vld [tilespmem:s11+$0xE040]  }
0xd5: {  	[tilespmem:s11+$0xC030] =	vst v1;
	v6 =	vadd.f32 v8, v5;
	v1 =	vld [tilespmem:s11+$0x10040]  }
0xd6: {  	s14 =	sadd.s32 $0x400, s14;
	[tilespmem:s11+$0xE030] =	vst v3;
	v5 =	vadd.f32 v9, v5;
	v3 =	vld [tilespmem:s11+$0x12040]  }
0xd7: {  	v7 =	vld [tilespmem:s11+$0x2050]  }
0xd8: {  	v8 =	vld [tilespmem:s11+$0xC050]  }
0xd9: {  	v9 =	vld [tilespmem:s11+$0xE050]  }
0xda: {  	[tilespmem:s11+$0x10030] =	vst v6;
	v6 =	vld [tilespmem:s11+$0x10050];
	v4 =	vadd.f32 v4, v0  }
0xdb: {  	[tilespmem:s11+$0x12030] =	vst v5;
	v5 =	vld [tilespmem:s11+$0x12050];
	v2 =	vadd.f32 v2, v0  }
0xdc: {  	[tilespmem:s11+$0xC040] =	vst v4;
	v1 =	vadd.f32 v1, v0;
	v4 =	vld [tilespmem:s11+$0x2060]  }
0xdd: {  	[tilespmem:s11+$0xE040] =	vst v2;
	v0 =	vadd.f32 v3, v0;
	v2 =	vld [tilespmem:s11+$0xC060]  }
0xde: {  	v3 =	vld [tilespmem:s11+$0xE060];
	[tilespmem:s11+$0x10040] =	vst v1;
	v1 =	vadd.f32 v8, v7  }
0xdf: {  	v8 =	vld [tilespmem:s11+$0x10060];
	[tilespmem:s11+$0x12040] =	vst v0;
	v0 =	vadd.f32 v9, v7  }
0xe0: {  	[tilespmem:s11+$0xC050] =	vst v1;
	v1 =	vadd.f32 v6, v7;
	v6 =	vld [tilespmem:s11+$0x12060]  }
0xe1: {  	[tilespmem:s11+$0xE050] =	vst v0;
	v0 =	vadd.f32 v5, v7  }
0xe2: {  	[tilespmem:s11+$0x10050] =	vst v1;
	v1 =	vadd.f32 v2, v4  }
0xe3: {  	[tilespmem:s11+$0x12050] =	vst v0;
	v0 =	vadd.f32 v3, v4  }
0xe4: {  	[tilespmem:s11+$0xC060] =	vst v1;
	v1 =	vadd.f32 v8, v4  }
0xe5: {  	[tilespmem:s11+$0xE060] =	vst v0;
	v0 =	vadd.f32 v6, v4  }
0xe6: {  	[tilespmem:s11+$0x10060] =	vst v1  }
0xe7: {  	[tilespmem:s11+$0x12060] =	vst v0  }
0xe8: {  	s11 =	rddreg [dreg:$0xb]  }
0xe9: {  	[hbm4b:s11+s29] =	stream.strided.scatter [tilespmem:s19], [sflag:$0x7], $0x8000, s30, s29, $0x38;
	[tilespmem:$0x1C000] =	vst v63  }
0xea: {  	_ =	swait.ge [sflag:s6], $0x8000  }
0xeb: {  	[sflag:s6] =	ssyncset.done $0x0  }
0xec: {  	s15 =	rddreg [dreg:$0xc];
	[sflag:s6] =	ssyncadd.s32 $0xFFFF8000  }
0xed: {  	[tilespmem:s31], [sflag:$0x3] =	stream.strided.gather [hbm4b:s15+s29], $0x8000, s30, s29, $0x38;
	[tilespmem:$0x1C000] =	vst v63  }
0xee: {  	s12 =	simm.s32 $0x0;
	s16 =	rddreg [dreg:$0xd]  }
0xef: {  	[tilespmem:s29], [sflag:$0x2] =	stream.linear.gather [hbm4b:s16+s12], $0x2000, $0x38;
	[tilespmem:$0x1C000] =	vst v63  }
0xf0: {  	_ =	swait.ge [sflag:s7], $0x8000  }
0xf1: {  	[sflag:s7] =	ssyncset.done $0x0  }
0xf2: {  	[sflag:s7] =	ssyncadd.s32 $0xFFFF8000  }
0xf3: {  	s17 =	sand.u32 $0x1C00, s12;
	_ =	swait.ge [sflag:s2], $0x2000  }
0xf4: {  	s13 =	sor.u32 s17, s12;
	[sflag:s2] =	ssyncset.done $0x0  }
0xf5: {  	s13 =	sor.u32 $0x70, s13;
	[sflag:s2] =	ssyncadd.s32 $0xFFFFE000  }
0xf6: {  	v0 =	vld [tilespmem:s13+$0x0]  }
0xf7: {  	v1 =	vld [tilespmem:s13+$0x14000];
	_ =	sdelay $0x1  }
0xf8: {  	s14 =	sand.u32 $0x380, s12  }
0xf9: {  	s11 =	sor.u32 s14, s17  }
0xfa: {  	v4 =	vld [tilespmem:s11+$0x0]  }
0xfb: {  	v5 =	vld [tilespmem:s11+$0x14000];
	v1 =	vadd.f32 v1, v0  }
0xfc: {  	v6 =	vld [tilespmem:s11+$0x16000]  }
0xfd: {  	v7 =	vld [tilespmem:s11+$0x18000];
	[tilespmem:s13+$0x14000] =	vst v1  }
0xfe: {  	v1 =	vld [tilespmem:s11+$0x1A070]  }
0xff: {  	v2 =	vld [tilespmem:s11+$0x16070]  }
0x100: {  	v3 =	vld [tilespmem:s11+$0x18070]  }
0x101: {  	v8 =	vld [tilespmem:s11+$0x1A000]  }
0x102: {  	v62 =	vld [tilespmem:s11+$0x10]  }
0x103: {  	v10 =	vld [tilespmem:s11+$0x14010];
	v1 =	vadd.f32 v1, v0  }
0x104: {  	v11 =	vld [tilespmem:s11+$0x16010];
	v2 =	vadd.f32 v2, v0  }
0x105: {  	v63 =	vld [tilespmem:s11+$0x30];
	v0 =	vadd.f32 v3, v0;
	[tilespmem:s11+$0x1A070] =	vst v1  }
0x106: {  	v3 =	vld [tilespmem:s11+$0x1A010];
	[tilespmem:s11+$0x16070] =	vst v2;
	v2 =	vadd.f32 v5, v4  }
0x107: {  	v1 =	vld [tilespmem:s11+$0x18010];
	[tilespmem:s11+$0x18070] =	vst v0;
	v0 =	vadd.f32 v6, v4  }
0x108: {  	v5 =	vld [tilespmem:s11+$0x20];
	[tilespmem:s11+$0x14000] =	vst v2;
	v2 =	vadd.f32 v7, v4  }
0x109: {  	v6 =	vld [tilespmem:s11+$0x14020];
	[tilespmem:s11+$0x16000] =	vst v0;
	v0 =	vadd.f32 v8, v4  }
0x10a: {  	v4 =	vld [tilespmem:s11+$0x16020];
	[tilespmem:s11+$0x18000] =	vst v2;
	v2 =	vadd.f32 v10, v62  }
0x10b: {  	v7 =	vld [tilespmem:s11+$0x18020];
	[tilespmem:s11+$0x1A000] =	vst v0;
	v0 =	vadd.f32 v11, v62  }
0x10c: {  	v8 =	vld [tilespmem:s11+$0x1A020];
	v1 =	vadd.f32 v1, v62;
	[tilespmem:s11+$0x14010] =	vst v2  }
0x10d: {  	[tilespmem:s11+$0x16010] =	vst v0;
	v0 =	vadd.f32 v3, v62;
	v2 =	vld [tilespmem:s11+$0x14030]  }
0x10e: {  	v3 =	vld [tilespmem:s11+$0x16030];
	[tilespmem:s11+$0x18010] =	vst v1;
	v1 =	vadd.f32 v6, v5  }
0x10f: {  	v6 =	vld [tilespmem:s11+$0x18030];
	[tilespmem:s11+$0x1A010] =	vst v0;
	v0 =	vadd.f32 v4, v5  }
0x110: {  	[tilespmem:s11+$0x14020] =	vst v1;
	v1 =	vadd.f32 v7, v5;
	v7 =	vld [tilespmem:s11+$0x1A030]  }
0x111: {  	v4 =	vld [tilespmem:s11+$0x14040];
	v5 =	vadd.f32 v8, v5;
	[tilespmem:s11+$0x16020] =	vst v0  }
0x112: {  	v0 =	vld [tilespmem:s11+$0x40];
	[tilespmem:s11+$0x18020] =	vst v1;
	v1 =	vadd.f32 v2, v63  }
0x113: {  	[tilespmem:s11+$0x1A020] =	vst v5;
	v3 =	vadd.f32 v3, v63;
	v2 =	vld [tilespmem:s11+$0x16040]  }
0x114: {  	v6 =	vadd.f32 v6, v63;
	[tilespmem:s11+$0x14030] =	vst v1;
	v1 =	vld [tilespmem:s11+$0x18040]  }
0x115: {  	s14 =	simm.s32 $0x400;
	s13 =	simm.s32 $0x0;
	[tilespmem:s11+$0x16030] =	vst v3;
	v3 =	vld [tilespmem:s11+$0x1A040];
	v5 =	vadd.f32 v7, v63  }
.LBB2_6:
0x116: {  	s15 =	sand.u32 $0x1C00, s14;
	[tilespmem:s11+$0x18030] =	vst v6;
	v6 =	vld [tilespmem:s11+$0x50];
	s12 =	sadd.s32 $0x10, s12  }
0x117: {  	s13 =	sadd.s32 $0x8, s13;
	s16 =	sor.u32 s15, s12;
	[tilespmem:s11+$0x1A030] =	vst v5;
	v4 =	vadd.f32 v4, v0;
	v5 =	vld [tilespmem:s11+$0x14050]  }
0x118: {  	p0 =	slt.u32 s13, $0x1F8;
	s16 =	sor.u32 $0x70, s16;
	v2 =	vadd.f32 v2, v0;
	v7 =	vld [tilespmem:s11+$0x16050]  }
0x119: {  	v8 =	vld [tilespmem:s16+$0x0];
	[tilespmem:s11+$0x14040] =	vst v4;
	v1 =	vadd.f32 v1, v0  }
0x11a: {  	v4 =	vld [tilespmem:s16+$0x14000];
	[tilespmem:s11+$0x16040] =	vst v2;
	v0 =	vadd.f32 v3, v0  }
0x11b: {  	[tilespmem:s11+$0x18040] =	vst v1;
	v1 =	vld [tilespmem:s11+$0x18050]  }
0x11c: {  	[tilespmem:s11+$0x1A040] =	vst v0;
	v0 =	vadd.f32 v5, v6;
	v2 =	vld [tilespmem:s11+$0x1A050]  }
0x11d: {  	v3 =	vadd.f32 v7, v6;
	v5 =	vld [tilespmem:s11+$0x60]  }
0x11e: {  	[tilespmem:s11+$0x14050] =	vst v0;
	v0 =	vld [tilespmem:s11+$0x14060]  }
0x11f: {  	v4 =	vadd.f32 v4, v8;
	[tilespmem:s11+$0x16050] =	vst v3;
	v3 =	vld [tilespmem:s11+$0x16060]  }
0x120: {  	s17 =	sand.u32 $0x380, s12;
	v1 =	vadd.f32 v1, v6;
	v7 =	vld [tilespmem:s11+$0x18060]  }
0x121: {  	s15 =	sor.u32 s17, s15;
	[tilespmem:s16+$0x14000] =	vst v4;
	v2 =	vadd.f32 v2, v6;
	v4 =	vld [tilespmem:s11+$0x1A060]  }
0x122: {  	v6 =	vld [tilespmem:s15+$0x1A070];
	[tilespmem:s11+$0x18050] =	vst v1  }
0x123: {  	v1 =	vld [tilespmem:s15+$0x16070];
	[tilespmem:s11+$0x1A050] =	vst v2;
	v0 =	vadd.f32 v0, v5  }
0x124: {  	v2 =	vld [tilespmem:s15+$0x18070];
	v3 =	vadd.f32 v3, v5  }
0x125: {  	v9 =	vld [tilespmem:s15+$0x0];
	[tilespmem:s11+$0x14060] =	vst v0;
	v0 =	vadd.f32 v7, v5  }
0x126: {  	v7 =	vld [tilespmem:s15+$0x14000];
	[tilespmem:s11+$0x16060] =	vst v3;
	v3 =	vadd.f32 v4, v5  }
0x127: {  	v4 =	vld [tilespmem:s15+$0x16000];
	v5 =	vadd.f32 v6, v8;
	[tilespmem:s11+$0x18060] =	vst v0  }
0x128: {  	v0 =	vld [tilespmem:s15+$0x18000];
	v1 =	vadd.f32 v1, v8;
	[tilespmem:s11+$0x1A060] =	vst v3;
	s11 =	smov.u32 s15  }
0x129: {  	v3 =	vld [tilespmem:s11+$0x1A000];
	v2 =	vadd.f32 v2, v8;
	[tilespmem:s11+$0x1A070] =	vst v5  }
0x12a: {  	v5 =	vld [tilespmem:s11+$0x10];
	[tilespmem:s11+$0x16070] =	vst v1  }
0x12b: {  	v1 =	vadd.f32 v7, v9;
	v6 =	vld [tilespmem:s11+$0x14010];
	[tilespmem:s11+$0x18070] =	vst v2  }
0x12c: {  	v2 =	vadd.f32 v4, v9;
	v4 =	vld [tilespmem:s11+$0x16010]  }
0x12d: {  	[tilespmem:s11+$0x14000] =	vst v1;
	v0 =	vadd.f32 v0, v9;
	v1 =	vld [tilespmem:s11+$0x18010]  }
0x12e: {  	[tilespmem:s11+$0x16000] =	vst v2;
	v2 =	vadd.f32 v3, v9;
	v3 =	vld [tilespmem:s11+$0x1A010]  }
0x12f: {  	[tilespmem:s11+$0x18000] =	vst v0;
	v0 =	vld [tilespmem:s11+$0x20]  }
0x130: {  	[tilespmem:s11+$0x1A000] =	vst v2;
	v2 =	vadd.f32 v6, v5;
	v6 =	vld [tilespmem:s11+$0x14020]  }
0x131: {  	v4 =	vadd.f32 v4, v5;
	v7 =	vld [tilespmem:s11+$0x16020]  }
0x132: {  	[tilespmem:s11+$0x14010] =	vst v2;
	v1 =	vadd.f32 v1, v5;
	v2 =	vld [tilespmem:s11+$0x18020]  }
0x133: {  	[tilespmem:s11+$0x16010] =	vst v4;
	v3 =	vadd.f32 v3, v5;
	v4 =	vld [tilespmem:s11+$0x1A020]  }
0x134: {  	[tilespmem:s11+$0x18010] =	vst v1;
	v5 =	vld [tilespmem:s11+$0x30]  }
0x135: {  	[tilespmem:s11+$0x1A010] =	vst v3;
	v1 =	vadd.f32 v6, v0;
	v3 =	vld [tilespmem:s11+$0x14030]  }
0x136: {  	v6 =	vadd.f32 v7, v0;
	v7 =	vld [tilespmem:s11+$0x16030]  }
0x137: {  	[tilespmem:s11+$0x14020] =	vst v1;
	v1 =	vadd.f32 v2, v0;
	v8 =	vld [tilespmem:s11+$0x18030]  }
0x138: {  	[tilespmem:s11+$0x16020] =	vst v6;
	v2 =	vadd.f32 v4, v0;
	v9 =	vld [tilespmem:s11+$0x1A030]  }
.Ltmp2:
0x139: {  	[tilespmem:s11+$0x18020] =	vst v1;
	v0 =	vld [tilespmem:s11+$0x40];
	(pc) =	sbr.rel @p0 .LBB2_6-.Ltmp2, $4  }
0x13a: {  	[tilespmem:s11+$0x1A020] =	vst v2;
	v1 =	vadd.f32 v3, v5;
	v4 =	vld [tilespmem:s11+$0x14040]  }
0x13b: {  	v3 =	vadd.f32 v7, v5;
	v2 =	vld [tilespmem:s11+$0x16040]  }
0x13c: {  	[tilespmem:s11+$0x14030] =	vst v1;
	v6 =	vadd.f32 v8, v5;
	v1 =	vld [tilespmem:s11+$0x18040]  }
0x13d: {  	s14 =	sadd.s32 $0x400, s14;
	[tilespmem:s11+$0x16030] =	vst v3;
	v5 =	vadd.f32 v9, v5;
	v3 =	vld [tilespmem:s11+$0x1A040]  }
0x13e: {  	v7 =	vld [tilespmem:s11+$0x50]  }
0x13f: {  	v8 =	vld [tilespmem:s11+$0x14050]  }
0x140: {  	v9 =	vld [tilespmem:s11+$0x16050]  }
0x141: {  	[tilespmem:s11+$0x18030] =	vst v6;
	v6 =	vld [tilespmem:s11+$0x18050];
	v4 =	vadd.f32 v4, v0  }
0x142: {  	[tilespmem:s11+$0x1A030] =	vst v5;
	v5 =	vld [tilespmem:s11+$0x1A050];
	v2 =	vadd.f32 v2, v0  }
0x143: {  	[tilespmem:s11+$0x14040] =	vst v4;
	v1 =	vadd.f32 v1, v0;
	v4 =	vld [tilespmem:s11+$0x60]  }
0x144: {  	[tilespmem:s11+$0x16040] =	vst v2;
	v0 =	vadd.f32 v3, v0;
	v2 =	vld [tilespmem:s11+$0x14060]  }
0x145: {  	v3 =	vld [tilespmem:s11+$0x16060];
	[tilespmem:s11+$0x18040] =	vst v1;
	v1 =	vadd.f32 v8, v7  }
0x146: {  	v8 =	vld [tilespmem:s11+$0x18060];
	[tilespmem:s11+$0x1A040] =	vst v0;
	v0 =	vadd.f32 v9, v7  }
0x147: {  	[tilespmem:s11+$0x14050] =	vst v1;
	v1 =	vadd.f32 v6, v7;
	v6 =	vld [tilespmem:s11+$0x1A060]  }
0x148: {  	[tilespmem:s11+$0x16050] =	vst v0;
	v0 =	vadd.f32 v5, v7  }
0x149: {  	[tilespmem:s11+$0x18050] =	vst v1;
	v1 =	vadd.f32 v2, v4  }
0x14a: {  	[tilespmem:s11+$0x1A050] =	vst v0;
	v0 =	vadd.f32 v3, v4  }
0x14b: {  	[tilespmem:s11+$0x14060] =	vst v1;
	v1 =	vadd.f32 v8, v4  }
0x14c: {  	[tilespmem:s11+$0x16060] =	vst v0;
	v0 =	vadd.f32 v6, v4  }
0x14d: {  	[tilespmem:s11+$0x18060] =	vst v1  }
0x14e: {  	[tilespmem:s11+$0x1A060] =	vst v0  }
0x14f: {  	s11 =	rddreg [dreg:$0xe]  }
0x150: {  	[hbm4b:s11+s29] =	stream.strided.scatter [tilespmem:s3], [sflag:$0x8], $0x8000, s30, s29, $0x38;
	[tilespmem:$0x1C000] =	vst v63  }
0x151: {  	_ =	swait.ge [sflag:s8], $0x8000  }
0x152: {  	[sflag:s8] =	ssyncset.done $0x0  }
0x153: {  	s15 =	rddreg [dreg:$0xf];
	[sflag:s8] =	ssyncadd.s32 $0xFFFF8000  }
0x154: {  	[tilespmem:s19], [sflag:$0x4] =	stream.strided.gather [hbm4b:s15+s29], $0x8000, s30, s29, $0x38;
	[tilespmem:$0x1C000] =	vst v63  }
0x155: {  	s12 =	simm.s32 $0x0;
	s16 =	rddreg [dreg:$0x10]  }
0x156: {  	[tilespmem:s12], [sflag:$0x1] =	stream.linear.gather [hbm4b:s16+s12], $0x2000, $0x38;
	[tilespmem:$0x1C000] =	vst v63  }
0x157: {  	_ =	swait.ge [sflag:s0], $0x8000  }
0x158: {  	[sflag:s0] =	ssyncset.done $0x0  }
0x159: {  	[sflag:s0] =	ssyncadd.s32 $0xFFFF8000  }
0x15a: {  	s17 =	sand.u32 $0x1C00, s12;
	_ =	swait.ge [sflag:s5], $0x2000  }
0x15b: {  	s13 =	sor.u32 s17, s12;
	[sflag:s5] =	ssyncset.done $0x0  }
0x15c: {  	s13 =	sor.u32 $0x70, s13;
	[sflag:s5] =	ssyncadd.s32 $0xFFFFE000  }
0x15d: {  	v0 =	vld [tilespmem:s13+$0x2000]  }
0x15e: {  	v1 =	vld [tilespmem:s13+$0x4000];
	_ =	sdelay $0x1  }
0x15f: {  	s14 =	sand.u32 $0x380, s12  }
0x160: {  	s11 =	sor.u32 s14, s17  }
0x161: {  	v4 =	vld [tilespmem:s11+$0x2000]  }
0x162: {  	v5 =	vld [tilespmem:s11+$0x4000];
	v1 =	vadd.f32 v1, v0  }
0x163: {  	v6 =	vld [tilespmem:s11+$0x6000]  }
0x164: {  	v7 =	vld [tilespmem:s11+$0x8000];
	[tilespmem:s13+$0x4000] =	vst v1  }
0x165: {  	v1 =	vld [tilespmem:s11+$0xA070]  }
0x166: {  	v2 =	vld [tilespmem:s11+$0x6070]  }
0x167: {  	v3 =	vld [tilespmem:s11+$0x8070]  }
0x168: {  	v8 =	vld [tilespmem:s11+$0xA000]  }
0x169: {  	v62 =	vld [tilespmem:s11+$0x2010]  }
0x16a: {  	v10 =	vld [tilespmem:s11+$0x4010];
	v1 =	vadd.f32 v1, v0  }
0x16b: {  	v11 =	vld [tilespmem:s11+$0x6010];
	v2 =	vadd.f32 v2, v0  }
0x16c: {  	v63 =	vld [tilespmem:s11+$0x2030];
	v0 =	vadd.f32 v3, v0;
	[tilespmem:s11+$0xA070] =	vst v1  }
0x16d: {  	v3 =	vld [tilespmem:s11+$0xA010];
	[tilespmem:s11+$0x6070] =	vst v2;
	v2 =	vadd.f32 v5, v4  }
0x16e: {  	v1 =	vld [tilespmem:s11+$0x8010];
	[tilespmem:s11+$0x8070] =	vst v0;
	v0 =	vadd.f32 v6, v4  }
0x16f: {  	v5 =	vld [tilespmem:s11+$0x2020];
	[tilespmem:s11+$0x4000] =	vst v2;
	v2 =	vadd.f32 v7, v4  }
0x170: {  	v6 =	vld [tilespmem:s11+$0x4020];
	[tilespmem:s11+$0x6000] =	vst v0;
	v0 =	vadd.f32 v8, v4  }
0x171: {  	v4 =	vld [tilespmem:s11+$0x6020];
	[tilespmem:s11+$0x8000] =	vst v2;
	v2 =	vadd.f32 v10, v62  }
0x172: {  	v7 =	vld [tilespmem:s11+$0x8020];
	[tilespmem:s11+$0xA000] =	vst v0;
	v0 =	vadd.f32 v11, v62  }
0x173: {  	v8 =	vld [tilespmem:s11+$0xA020];
	v1 =	vadd.f32 v1, v62;
	[tilespmem:s11+$0x4010] =	vst v2  }
0x174: {  	[tilespmem:s11+$0x6010] =	vst v0;
	v0 =	vadd.f32 v3, v62;
	v2 =	vld [tilespmem:s11+$0x4030]  }
0x175: {  	v3 =	vld [tilespmem:s11+$0x6030];
	[tilespmem:s11+$0x8010] =	vst v1;
	v1 =	vadd.f32 v6, v5  }
0x176: {  	v6 =	vld [tilespmem:s11+$0x8030];
	[tilespmem:s11+$0xA010] =	vst v0;
	v0 =	vadd.f32 v4, v5  }
0x177: {  	[tilespmem:s11+$0x4020] =	vst v1;
	v1 =	vadd.f32 v7, v5;
	v7 =	vld [tilespmem:s11+$0xA030]  }
0x178: {  	v4 =	vld [tilespmem:s11+$0x4040];
	v5 =	vadd.f32 v8, v5;
	[tilespmem:s11+$0x6020] =	vst v0  }
0x179: {  	v0 =	vld [tilespmem:s11+$0x2040];
	[tilespmem:s11+$0x8020] =	vst v1;
	v1 =	vadd.f32 v2, v63  }
0x17a: {  	[tilespmem:s11+$0xA020] =	vst v5;
	v3 =	vadd.f32 v3, v63;
	v2 =	vld [tilespmem:s11+$0x6040]  }
0x17b: {  	v6 =	vadd.f32 v6, v63;
	[tilespmem:s11+$0x4030] =	vst v1;
	v1 =	vld [tilespmem:s11+$0x8040]  }
0x17c: {  	s14 =	simm.s32 $0x400;
	s13 =	simm.s32 $0x0;
	[tilespmem:s11+$0x6030] =	vst v3;
	v3 =	vld [tilespmem:s11+$0xA040];
	v5 =	vadd.f32 v7, v63  }
.LBB2_8:
0x17d: {  	s15 =	sand.u32 $0x1C00, s14;
	[tilespmem:s11+$0x8030] =	vst v6;
	v6 =	vld [tilespmem:s11+$0x2050];
	s12 =	sadd.s32 $0x10, s12  }
0x17e: {  	s13 =	sadd.s32 $0x8, s13;
	s16 =	sor.u32 s15, s12;
	[tilespmem:s11+$0xA030] =	vst v5;
	v4 =	vadd.f32 v4, v0;
	v5 =	vld [tilespmem:s11+$0x4050]  }
0x17f: {  	p0 =	slt.u32 s13, $0x1F8;
	s16 =	sor.u32 $0x70, s16;
	v2 =	vadd.f32 v2, v0;
	v7 =	vld [tilespmem:s11+$0x6050]  }
0x180: {  	v8 =	vld [tilespmem:s16+$0x2000];
	[tilespmem:s11+$0x4040] =	vst v4;
	v1 =	vadd.f32 v1, v0  }
0x181: {  	v4 =	vld [tilespmem:s16+$0x4000];
	[tilespmem:s11+$0x6040] =	vst v2;
	v0 =	vadd.f32 v3, v0  }
0x182: {  	[tilespmem:s11+$0x8040] =	vst v1;
	v1 =	vld [tilespmem:s11+$0x8050]  }
0x183: {  	[tilespmem:s11+$0xA040] =	vst v0;
	v0 =	vadd.f32 v5, v6;
	v2 =	vld [tilespmem:s11+$0xA050]  }
0x184: {  	v3 =	vadd.f32 v7, v6;
	v5 =	vld [tilespmem:s11+$0x2060]  }
0x185: {  	[tilespmem:s11+$0x4050] =	vst v0;
	v0 =	vld [tilespmem:s11+$0x4060]  }
0x186: {  	v4 =	vadd.f32 v4, v8;
	[tilespmem:s11+$0x6050] =	vst v3;
	v3 =	vld [tilespmem:s11+$0x6060]  }
0x187: {  	s17 =	sand.u32 $0x380, s12;
	v1 =	vadd.f32 v1, v6;
	v7 =	vld [tilespmem:s11+$0x8060]  }
0x188: {  	s15 =	sor.u32 s17, s15;
	[tilespmem:s16+$0x4000] =	vst v4;
	v2 =	vadd.f32 v2, v6;
	v4 =	vld [tilespmem:s11+$0xA060]  }
0x189: {  	v6 =	vld [tilespmem:s15+$0xA070];
	[tilespmem:s11+$0x8050] =	vst v1  }
0x18a: {  	v1 =	vld [tilespmem:s15+$0x6070];
	[tilespmem:s11+$0xA050] =	vst v2;
	v0 =	vadd.f32 v0, v5  }
0x18b: {  	v2 =	vld [tilespmem:s15+$0x8070];
	v3 =	vadd.f32 v3, v5  }
0x18c: {  	v9 =	vld [tilespmem:s15+$0x2000];
	[tilespmem:s11+$0x4060] =	vst v0;
	v0 =	vadd.f32 v7, v5  }
0x18d: {  	v7 =	vld [tilespmem:s15+$0x4000];
	[tilespmem:s11+$0x6060] =	vst v3;
	v3 =	vadd.f32 v4, v5  }
0x18e: {  	v4 =	vld [tilespmem:s15+$0x6000];
	v5 =	vadd.f32 v6, v8;
	[tilespmem:s11+$0x8060] =	vst v0  }
0x18f: {  	v0 =	vld [tilespmem:s15+$0x8000];
	v1 =	vadd.f32 v1, v8;
	[tilespmem:s11+$0xA060] =	vst v3;
	s11 =	smov.u32 s15  }
0x190: {  	v3 =	vld [tilespmem:s11+$0xA000];
	v2 =	vadd.f32 v2, v8;
	[tilespmem:s11+$0xA070] =	vst v5  }
0x191: {  	v5 =	vld [tilespmem:s11+$0x2010];
	[tilespmem:s11+$0x6070] =	vst v1  }
0x192: {  	v1 =	vadd.f32 v7, v9;
	v6 =	vld [tilespmem:s11+$0x4010];
	[tilespmem:s11+$0x8070] =	vst v2  }
0x193: {  	v2 =	vadd.f32 v4, v9;
	v4 =	vld [tilespmem:s11+$0x6010]  }
0x194: {  	[tilespmem:s11+$0x4000] =	vst v1;
	v0 =	vadd.f32 v0, v9;
	v1 =	vld [tilespmem:s11+$0x8010]  }
0x195: {  	[tilespmem:s11+$0x6000] =	vst v2;
	v2 =	vadd.f32 v3, v9;
	v3 =	vld [tilespmem:s11+$0xA010]  }
0x196: {  	[tilespmem:s11+$0x8000] =	vst v0;
	v0 =	vld [tilespmem:s11+$0x2020]  }
0x197: {  	[tilespmem:s11+$0xA000] =	vst v2;
	v2 =	vadd.f32 v6, v5;
	v6 =	vld [tilespmem:s11+$0x4020]  }
0x198: {  	v4 =	vadd.f32 v4, v5;
	v7 =	vld [tilespmem:s11+$0x6020]  }
0x199: {  	[tilespmem:s11+$0x4010] =	vst v2;
	v1 =	vadd.f32 v1, v5;
	v2 =	vld [tilespmem:s11+$0x8020]  }
0x19a: {  	[tilespmem:s11+$0x6010] =	vst v4;
	v3 =	vadd.f32 v3, v5;
	v4 =	vld [tilespmem:s11+$0xA020]  }
0x19b: {  	[tilespmem:s11+$0x8010] =	vst v1;
	v5 =	vld [tilespmem:s11+$0x2030]  }
0x19c: {  	[tilespmem:s11+$0xA010] =	vst v3;
	v1 =	vadd.f32 v6, v0;
	v3 =	vld [tilespmem:s11+$0x4030]  }
0x19d: {  	v6 =	vadd.f32 v7, v0;
	v7 =	vld [tilespmem:s11+$0x6030]  }
0x19e: {  	[tilespmem:s11+$0x4020] =	vst v1;
	v1 =	vadd.f32 v2, v0;
	v8 =	vld [tilespmem:s11+$0x8030]  }
0x19f: {  	[tilespmem:s11+$0x6020] =	vst v6;
	v2 =	vadd.f32 v4, v0;
	v9 =	vld [tilespmem:s11+$0xA030]  }
.Ltmp3:
0x1a0: {  	[tilespmem:s11+$0x8020] =	vst v1;
	v0 =	vld [tilespmem:s11+$0x2040];
	(pc) =	sbr.rel @p0 .LBB2_8-.Ltmp3, $4  }
0x1a1: {  	[tilespmem:s11+$0xA020] =	vst v2;
	v1 =	vadd.f32 v3, v5;
	v4 =	vld [tilespmem:s11+$0x4040]  }
0x1a2: {  	v3 =	vadd.f32 v7, v5;
	v2 =	vld [tilespmem:s11+$0x6040]  }
0x1a3: {  	[tilespmem:s11+$0x4030] =	vst v1;
	v6 =	vadd.f32 v8, v5;
	v1 =	vld [tilespmem:s11+$0x8040]  }
0x1a4: {  	s14 =	sadd.s32 $0x400, s14;
	[tilespmem:s11+$0x6030] =	vst v3;
	v5 =	vadd.f32 v9, v5;
	v3 =	vld [tilespmem:s11+$0xA040]  }
0x1a5: {  	v7 =	vld [tilespmem:s11+$0x2050]  }
0x1a6: {  	v8 =	vld [tilespmem:s11+$0x4050]  }
0x1a7: {  	v9 =	vld [tilespmem:s11+$0x6050]  }
0x1a8: {  	[tilespmem:s11+$0x8030] =	vst v6;
	v6 =	vld [tilespmem:s11+$0x8050];
	v4 =	vadd.f32 v4, v0  }
0x1a9: {  	[tilespmem:s11+$0xA030] =	vst v5;
	v5 =	vld [tilespmem:s11+$0xA050];
	v2 =	vadd.f32 v2, v0  }
0x1aa: {  	[tilespmem:s11+$0x4040] =	vst v4;
	v1 =	vadd.f32 v1, v0;
	v4 =	vld [tilespmem:s11+$0x2060]  }
0x1ab: {  	[tilespmem:s11+$0x6040] =	vst v2;
	v0 =	vadd.f32 v3, v0;
	v2 =	vld [tilespmem:s11+$0x4060]  }
0x1ac: {  	v3 =	vld [tilespmem:s11+$0x6060];
	[tilespmem:s11+$0x8040] =	vst v1;
	v1 =	vadd.f32 v8, v7  }
0x1ad: {  	v8 =	vld [tilespmem:s11+$0x8060];
	[tilespmem:s11+$0xA040] =	vst v0;
	v0 =	vadd.f32 v9, v7  }
0x1ae: {  	[tilespmem:s11+$0x4050] =	vst v1;
	v1 =	vadd.f32 v6, v7;
	v6 =	vld [tilespmem:s11+$0xA060]  }
0x1af: {  	[tilespmem:s11+$0x6050] =	vst v0;
	v0 =	vadd.f32 v5, v7  }
0x1b0: {  	[tilespmem:s11+$0x8050] =	vst v1;
	v1 =	vadd.f32 v2, v4  }
0x1b1: {  	[tilespmem:s11+$0xA050] =	vst v0;
	v0 =	vadd.f32 v3, v4  }
0x1b2: {  	[tilespmem:s11+$0x4060] =	vst v1;
	v1 =	vadd.f32 v8, v4  }
0x1b3: {  	[tilespmem:s11+$0x6060] =	vst v0;
	v0 =	vadd.f32 v6, v4  }
0x1b4: {  	[tilespmem:s11+$0x8060] =	vst v1  }
0x1b5: {  	[tilespmem:s11+$0xA060] =	vst v0  }
0x1b6: {  	s11 =	rddreg [dreg:$0x11]  }
0x1b7: {  	[hbm4b:s11+s29] =	stream.strided.scatter [tilespmem:s31], [sflag:$0x6], $0x8000, s30, s29, $0x38;
	[tilespmem:$0x1C000] =	vst v63  }
0x1b8: {  	_ =	swait.ge [sflag:s9], $0x8000  }
0x1b9: {  	[sflag:s9] =	ssyncset.done $0x0  }
0x1ba: {  	s15 =	rddreg [dreg:$0x12];
	[sflag:s9] =	ssyncadd.s32 $0xFFFF8000  }
0x1bb: {  	[tilespmem:s3], [sflag:$0x5] =	stream.strided.gather [hbm4b:s15+s29], $0x8000, s30, s29, $0x38;
	[tilespmem:$0x1C000] =	vst v63  }
0x1bc: {  	s12 =	simm.s32 $0x0;
	s16 =	rddreg [dreg:$0x13]  }
0x1bd: {  	[tilespmem:s29], [sflag:$0x2] =	stream.linear.gather [hbm4b:s16+s12], $0x2000, $0x38;
	[tilespmem:$0x1C000] =	vst v63  }
0x1be: {  	_ =	swait.ge [sflag:s4], $0x8000  }
0x1bf: {  	[sflag:s4] =	ssyncset.done $0x0  }
0x1c0: {  	[sflag:s4] =	ssyncadd.s32 $0xFFFF8000  }
0x1c1: {  	s17 =	sand.u32 $0x1C00, s12;
	_ =	swait.ge [sflag:s2], $0x2000  }
0x1c2: {  	s13 =	sor.u32 s17, s12;
	[sflag:s2] =	ssyncset.done $0x0  }
0x1c3: {  	s13 =	sor.u32 $0x70, s13;
	[sflag:s2] =	ssyncadd.s32 $0xFFFFE000  }
0x1c4: {  	v0 =	vld [tilespmem:s13+$0x0]  }
0x1c5: {  	v1 =	vld [tilespmem:s13+$0xC000];
	_ =	sdelay $0x1  }
0x1c6: {  	s14 =	sand.u32 $0x380, s12  }
0x1c7: {  	s11 =	sor.u32 s14, s17  }
0x1c8: {  	v4 =	vld [tilespmem:s11+$0x0]  }
0x1c9: {  	v5 =	vld [tilespmem:s11+$0xC000];
	v1 =	vadd.f32 v1, v0  }
0x1ca: {  	v6 =	vld [tilespmem:s11+$0xE000]  }
0x1cb: {  	v7 =	vld [tilespmem:s11+$0x10000];
	[tilespmem:s13+$0xC000] =	vst v1  }
0x1cc: {  	v1 =	vld [tilespmem:s11+$0x12070]  }
0x1cd: {  	v2 =	vld [tilespmem:s11+$0xE070]  }
0x1ce: {  	v3 =	vld [tilespmem:s11+$0x10070]  }
0x1cf: {  	v8 =	vld [tilespmem:s11+$0x12000]  }
0x1d0: {  	v62 =	vld [tilespmem:s11+$0x10]  }
0x1d1: {  	v10 =	vld [tilespmem:s11+$0xC010];
	v1 =	vadd.f32 v1, v0  }
0x1d2: {  	v11 =	vld [tilespmem:s11+$0xE010];
	v2 =	vadd.f32 v2, v0  }
0x1d3: {  	v63 =	vld [tilespmem:s11+$0x30];
	v0 =	vadd.f32 v3, v0;
	[tilespmem:s11+$0x12070] =	vst v1  }
0x1d4: {  	v3 =	vld [tilespmem:s11+$0x12010];
	[tilespmem:s11+$0xE070] =	vst v2;
	v2 =	vadd.f32 v5, v4  }
0x1d5: {  	v1 =	vld [tilespmem:s11+$0x10010];
	[tilespmem:s11+$0x10070] =	vst v0;
	v0 =	vadd.f32 v6, v4  }
0x1d6: {  	v5 =	vld [tilespmem:s11+$0x20];
	[tilespmem:s11+$0xC000] =	vst v2;
	v2 =	vadd.f32 v7, v4  }
0x1d7: {  	v6 =	vld [tilespmem:s11+$0xC020];
	[tilespmem:s11+$0xE000] =	vst v0;
	v0 =	vadd.f32 v8, v4  }
0x1d8: {  	v4 =	vld [tilespmem:s11+$0xE020];
	[tilespmem:s11+$0x10000] =	vst v2;
	v2 =	vadd.f32 v10, v62  }
0x1d9: {  	v7 =	vld [tilespmem:s11+$0x10020];
	[tilespmem:s11+$0x12000] =	vst v0;
	v0 =	vadd.f32 v11, v62  }
0x1da: {  	v8 =	vld [tilespmem:s11+$0x12020];
	v1 =	vadd.f32 v1, v62;
	[tilespmem:s11+$0xC010] =	vst v2  }
0x1db: {  	[tilespmem:s11+$0xE010] =	vst v0;
	v0 =	vadd.f32 v3, v62;
	v2 =	vld [tilespmem:s11+$0xC030]  }
0x1dc: {  	v3 =	vld [tilespmem:s11+$0xE030];
	[tilespmem:s11+$0x10010] =	vst v1;
	v1 =	vadd.f32 v6, v5  }
0x1dd: {  	v6 =	vld [tilespmem:s11+$0x10030];
	[tilespmem:s11+$0x12010] =	vst v0;
	v0 =	vadd.f32 v4, v5  }
0x1de: {  	[tilespmem:s11+$0xC020] =	vst v1;
	v1 =	vadd.f32 v7, v5;
	v7 =	vld [tilespmem:s11+$0x12030]  }
0x1df: {  	v4 =	vld [tilespmem:s11+$0xC040];
	v5 =	vadd.f32 v8, v5;
	[tilespmem:s11+$0xE020] =	vst v0  }
0x1e0: {  	v0 =	vld [tilespmem:s11+$0x40];
	[tilespmem:s11+$0x10020] =	vst v1;
	v1 =	vadd.f32 v2, v63  }
0x1e1: {  	[tilespmem:s11+$0x12020] =	vst v5;
	v3 =	vadd.f32 v3, v63;
	v2 =	vld [tilespmem:s11+$0xE040]  }
0x1e2: {  	v6 =	vadd.f32 v6, v63;
	[tilespmem:s11+$0xC030] =	vst v1;
	v1 =	vld [tilespmem:s11+$0x10040]  }
0x1e3: {  	s14 =	simm.s32 $0x400;
	s13 =	simm.s32 $0x0;
	[tilespmem:s11+$0xE030] =	vst v3;
	v3 =	vld [tilespmem:s11+$0x12040];
	v5 =	vadd.f32 v7, v63  }
.LBB2_10:
0x1e4: {  	s15 =	sand.u32 $0x1C00, s14;
	[tilespmem:s11+$0x10030] =	vst v6;
	v6 =	vld [tilespmem:s11+$0x50];
	s12 =	sadd.s32 $0x10, s12  }
0x1e5: {  	s13 =	sadd.s32 $0x8, s13;
	s16 =	sor.u32 s15, s12;
	[tilespmem:s11+$0x12030] =	vst v5;
	v4 =	vadd.f32 v4, v0;
	v5 =	vld [tilespmem:s11+$0xC050]  }
0x1e6: {  	p0 =	slt.u32 s13, $0x1F8;
	s16 =	sor.u32 $0x70, s16;
	v2 =	vadd.f32 v2, v0;
	v7 =	vld [tilespmem:s11+$0xE050]  }
0x1e7: {  	v8 =	vld [tilespmem:s16+$0x0];
	[tilespmem:s11+$0xC040] =	vst v4;
	v1 =	vadd.f32 v1, v0  }
0x1e8: {  	v4 =	vld [tilespmem:s16+$0xC000];
	[tilespmem:s11+$0xE040] =	vst v2;
	v0 =	vadd.f32 v3, v0  }
0x1e9: {  	[tilespmem:s11+$0x10040] =	vst v1;
	v1 =	vld [tilespmem:s11+$0x10050]  }
0x1ea: {  	[tilespmem:s11+$0x12040] =	vst v0;
	v0 =	vadd.f32 v5, v6;
	v2 =	vld [tilespmem:s11+$0x12050]  }
0x1eb: {  	v3 =	vadd.f32 v7, v6;
	v5 =	vld [tilespmem:s11+$0x60]  }
0x1ec: {  	[tilespmem:s11+$0xC050] =	vst v0;
	v0 =	vld [tilespmem:s11+$0xC060]  }
0x1ed: {  	v4 =	vadd.f32 v4, v8;
	[tilespmem:s11+$0xE050] =	vst v3;
	v3 =	vld [tilespmem:s11+$0xE060]  }
0x1ee: {  	s17 =	sand.u32 $0x380, s12;
	v1 =	vadd.f32 v1, v6;
	v7 =	vld [tilespmem:s11+$0x10060]  }
0x1ef: {  	s15 =	sor.u32 s17, s15;
	[tilespmem:s16+$0xC000] =	vst v4;
	v2 =	vadd.f32 v2, v6;
	v4 =	vld [tilespmem:s11+$0x12060]  }
0x1f0: {  	v6 =	vld [tilespmem:s15+$0x12070];
	[tilespmem:s11+$0x10050] =	vst v1  }
0x1f1: {  	v1 =	vld [tilespmem:s15+$0xE070];
	[tilespmem:s11+$0x12050] =	vst v2;
	v0 =	vadd.f32 v0, v5  }
0x1f2: {  	v2 =	vld [tilespmem:s15+$0x10070];
	v3 =	vadd.f32 v3, v5  }
0x1f3: {  	v9 =	vld [tilespmem:s15+$0x0];
	[tilespmem:s11+$0xC060] =	vst v0;
	v0 =	vadd.f32 v7, v5  }
0x1f4: {  	v7 =	vld [tilespmem:s15+$0xC000];
	[tilespmem:s11+$0xE060] =	vst v3;
	v3 =	vadd.f32 v4, v5  }
0x1f5: {  	v4 =	vld [tilespmem:s15+$0xE000];
	v5 =	vadd.f32 v6, v8;
	[tilespmem:s11+$0x10060] =	vst v0  }
0x1f6: {  	v0 =	vld [tilespmem:s15+$0x10000];
	v1 =	vadd.f32 v1, v8;
	[tilespmem:s11+$0x12060] =	vst v3;
	s11 =	smov.u32 s15  }
0x1f7: {  	v3 =	vld [tilespmem:s11+$0x12000];
	v2 =	vadd.f32 v2, v8;
	[tilespmem:s11+$0x12070] =	vst v5  }
0x1f8: {  	v5 =	vld [tilespmem:s11+$0x10];
	[tilespmem:s11+$0xE070] =	vst v1  }
0x1f9: {  	v1 =	vadd.f32 v7, v9;
	v6 =	vld [tilespmem:s11+$0xC010];
	[tilespmem:s11+$0x10070] =	vst v2  }
0x1fa: {  	v2 =	vadd.f32 v4, v9;
	v4 =	vld [tilespmem:s11+$0xE010]  }
0x1fb: {  	[tilespmem:s11+$0xC000] =	vst v1;
	v0 =	vadd.f32 v0, v9;
	v1 =	vld [tilespmem:s11+$0x10010]  }
0x1fc: {  	[tilespmem:s11+$0xE000] =	vst v2;
	v2 =	vadd.f32 v3, v9;
	v3 =	vld [tilespmem:s11+$0x12010]  }
0x1fd: {  	[tilespmem:s11+$0x10000] =	vst v0;
	v0 =	vld [tilespmem:s11+$0x20]  }
0x1fe: {  	[tilespmem:s11+$0x12000] =	vst v2;
	v2 =	vadd.f32 v6, v5;
	v6 =	vld [tilespmem:s11+$0xC020]  }
0x1ff: {  	v4 =	vadd.f32 v4, v5;
	v7 =	vld [tilespmem:s11+$0xE020]  }
0x200: {  	[tilespmem:s11+$0xC010] =	vst v2;
	v1 =	vadd.f32 v1, v5;
	v2 =	vld [tilespmem:s11+$0x10020]  }
0x201: {  	[tilespmem:s11+$0xE010] =	vst v4;
	v3 =	vadd.f32 v3, v5;
	v4 =	vld [tilespmem:s11+$0x12020]  }
0x202: {  	[tilespmem:s11+$0x10010] =	vst v1;
	v5 =	vld [tilespmem:s11+$0x30]  }
0x203: {  	[tilespmem:s11+$0x12010] =	vst v3;
	v1 =	vadd.f32 v6, v0;
	v3 =	vld [tilespmem:s11+$0xC030]  }
0x204: {  	v6 =	vadd.f32 v7, v0;
	v7 =	vld [tilespmem:s11+$0xE030]  }
0x205: {  	[tilespmem:s11+$0xC020] =	vst v1;
	v1 =	vadd.f32 v2, v0;
	v8 =	vld [tilespmem:s11+$0x10030]  }
0x206: {  	[tilespmem:s11+$0xE020] =	vst v6;
	v2 =	vadd.f32 v4, v0;
	v9 =	vld [tilespmem:s11+$0x12030]  }
.Ltmp4:
0x207: {  	[tilespmem:s11+$0x10020] =	vst v1;
	v0 =	vld [tilespmem:s11+$0x40];
	(pc) =	sbr.rel @p0 .LBB2_10-.Ltmp4, $4  }
0x208: {  	[tilespmem:s11+$0x12020] =	vst v2;
	v1 =	vadd.f32 v3, v5;
	v4 =	vld [tilespmem:s11+$0xC040]  }
0x209: {  	v3 =	vadd.f32 v7, v5;
	v2 =	vld [tilespmem:s11+$0xE040]  }
0x20a: {  	[tilespmem:s11+$0xC030] =	vst v1;
	v6 =	vadd.f32 v8, v5;
	v1 =	vld [tilespmem:s11+$0x10040]  }
0x20b: {  	s14 =	sadd.s32 $0x400, s14;
	[tilespmem:s11+$0xE030] =	vst v3;
	v5 =	vadd.f32 v9, v5;
	v3 =	vld [tilespmem:s11+$0x12040]  }
0x20c: {  	v7 =	vld [tilespmem:s11+$0x50]  }
0x20d: {  	v8 =	vld [tilespmem:s11+$0xC050]  }
0x20e: {  	v9 =	vld [tilespmem:s11+$0xE050]  }
0x20f: {  	[tilespmem:s11+$0x10030] =	vst v6;
	v6 =	vld [tilespmem:s11+$0x10050];
	v4 =	vadd.f32 v4, v0  }
0x210: {  	[tilespmem:s11+$0x12030] =	vst v5;
	v5 =	vld [tilespmem:s11+$0x12050];
	v2 =	vadd.f32 v2, v0  }
0x211: {  	[tilespmem:s11+$0xC040] =	vst v4;
	v1 =	vadd.f32 v1, v0;
	v4 =	vld [tilespmem:s11+$0x60]  }
0x212: {  	[tilespmem:s11+$0xE040] =	vst v2;
	v0 =	vadd.f32 v3, v0;
	v2 =	vld [tilespmem:s11+$0xC060]  }
0x213: {  	v3 =	vld [tilespmem:s11+$0xE060];
	[tilespmem:s11+$0x10040] =	vst v1;
	v1 =	vadd.f32 v8, v7  }
0x214: {  	v8 =	vld [tilespmem:s11+$0x10060];
	[tilespmem:s11+$0x12040] =	vst v0;
	v0 =	vadd.f32 v9, v7  }
0x215: {  	[tilespmem:s11+$0xC050] =	vst v1;
	v1 =	vadd.f32 v6, v7;
	v6 =	vld [tilespmem:s11+$0x12060]  }
0x216: {  	[tilespmem:s11+$0xE050] =	vst v0;
	v0 =	vadd.f32 v5, v7  }
0x217: {  	[tilespmem:s11+$0x10050] =	vst v1;
	v1 =	vadd.f32 v2, v4  }
0x218: {  	[tilespmem:s11+$0x12050] =	vst v0;
	v0 =	vadd.f32 v3, v4  }
0x219: {  	[tilespmem:s11+$0xC060] =	vst v1;
	v1 =	vadd.f32 v8, v4  }
0x21a: {  	[tilespmem:s11+$0xE060] =	vst v0;
	v0 =	vadd.f32 v6, v4  }
0x21b: {  	[tilespmem:s11+$0x10060] =	vst v1  }
0x21c: {  	[tilespmem:s11+$0x12060] =	vst v0  }
0x21d: {  	[hbm4b:s18+s29] =	stream.strided.scatter [tilespmem:s19], [sflag:$0x7], $0x8000, s30, s29, $0x38;
	[tilespmem:$0x1C000] =	vst v63  }
0x21e: {  	_ =	swait.ge [sflag:s6], $0x8000  }
0x21f: {  	[sflag:s6] =	ssyncset.done $0x0  }
0x220: {  	[sflag:s6] =	ssyncadd.s32 $0xFFFF8000  }
0x221: {  	[tilespmem:s31], [sflag:$0x3] =	stream.strided.gather [hbm4b:s21+s29], $0x8000, s30, s29, $0x38;
	[tilespmem:$0x1C000] =	vst v63  }
0x222: {  	s12 =	simm.s32 $0x0  }
0x223: {  	[tilespmem:s12], [sflag:$0x1] =	stream.linear.gather [hbm4b:s23+s12], $0x2000, $0x38;
	[tilespmem:$0x1C000] =	vst v63  }
0x224: {  	_ =	swait.ge [sflag:s7], $0x8000  }
0x225: {  	[sflag:s7] =	ssyncset.done $0x0  }
0x226: {  	[sflag:s7] =	ssyncadd.s32 $0xFFFF8000  }
0x227: {  	s17 =	sand.u32 $0x1C00, s12;
	_ =	swait.ge [sflag:s5], $0x2000  }
0x228: {  	s13 =	sor.u32 s17, s12;
	[sflag:s5] =	ssyncset.done $0x0  }
0x229: {  	s13 =	sor.u32 $0x70, s13;
	[sflag:s5] =	ssyncadd.s32 $0xFFFFE000  }
0x22a: {  	v0 =	vld [tilespmem:s13+$0x2000]  }
0x22b: {  	v1 =	vld [tilespmem:s13+$0x14000];
	_ =	sdelay $0x1  }
0x22c: {  	s14 =	sand.u32 $0x380, s12  }
0x22d: {  	s11 =	sor.u32 s14, s17  }
0x22e: {  	v4 =	vld [tilespmem:s11+$0x2000]  }
0x22f: {  	v5 =	vld [tilespmem:s11+$0x14000];
	v1 =	vadd.f32 v1, v0  }
0x230: {  	v6 =	vld [tilespmem:s11+$0x16000]  }
0x231: {  	v7 =	vld [tilespmem:s11+$0x18000];
	[tilespmem:s13+$0x14000] =	vst v1  }
0x232: {  	v1 =	vld [tilespmem:s11+$0x1A070]  }
0x233: {  	v2 =	vld [tilespmem:s11+$0x16070]  }
0x234: {  	v3 =	vld [tilespmem:s11+$0x18070]  }
0x235: {  	v8 =	vld [tilespmem:s11+$0x1A000]  }
0x236: {  	v62 =	vld [tilespmem:s11+$0x2010]  }
0x237: {  	v10 =	vld [tilespmem:s11+$0x14010];
	v1 =	vadd.f32 v1, v0  }
0x238: {  	v11 =	vld [tilespmem:s11+$0x16010];
	v2 =	vadd.f32 v2, v0  }
0x239: {  	v63 =	vld [tilespmem:s11+$0x2030];
	v0 =	vadd.f32 v3, v0;
	[tilespmem:s11+$0x1A070] =	vst v1  }
0x23a: {  	v3 =	vld [tilespmem:s11+$0x1A010];
	[tilespmem:s11+$0x16070] =	vst v2;
	v2 =	vadd.f32 v5, v4  }
0x23b: {  	v1 =	vld [tilespmem:s11+$0x18010];
	[tilespmem:s11+$0x18070] =	vst v0;
	v0 =	vadd.f32 v6, v4  }
0x23c: {  	v5 =	vld [tilespmem:s11+$0x2020];
	[tilespmem:s11+$0x14000] =	vst v2;
	v2 =	vadd.f32 v7, v4  }
0x23d: {  	v6 =	vld [tilespmem:s11+$0x14020];
	[tilespmem:s11+$0x16000] =	vst v0;
	v0 =	vadd.f32 v8, v4  }
0x23e: {  	v4 =	vld [tilespmem:s11+$0x16020];
	[tilespmem:s11+$0x18000] =	vst v2;
	v2 =	vadd.f32 v10, v62  }
0x23f: {  	v7 =	vld [tilespmem:s11+$0x18020];
	[tilespmem:s11+$0x1A000] =	vst v0;
	v0 =	vadd.f32 v11, v62  }
0x240: {  	v8 =	vld [tilespmem:s11+$0x1A020];
	v1 =	vadd.f32 v1, v62;
	[tilespmem:s11+$0x14010] =	vst v2  }
0x241: {  	[tilespmem:s11+$0x16010] =	vst v0;
	v0 =	vadd.f32 v3, v62;
	v2 =	vld [tilespmem:s11+$0x14030]  }
0x242: {  	v3 =	vld [tilespmem:s11+$0x16030];
	[tilespmem:s11+$0x18010] =	vst v1;
	v1 =	vadd.f32 v6, v5  }
0x243: {  	v6 =	vld [tilespmem:s11+$0x18030];
	[tilespmem:s11+$0x1A010] =	vst v0;
	v0 =	vadd.f32 v4, v5  }
0x244: {  	[tilespmem:s11+$0x14020] =	vst v1;
	v1 =	vadd.f32 v7, v5;
	v7 =	vld [tilespmem:s11+$0x1A030]  }
0x245: {  	v4 =	vld [tilespmem:s11+$0x14040];
	v5 =	vadd.f32 v8, v5;
	[tilespmem:s11+$0x16020] =	vst v0  }
0x246: {  	v0 =	vld [tilespmem:s11+$0x2040];
	[tilespmem:s11+$0x18020] =	vst v1;
	v1 =	vadd.f32 v2, v63  }
0x247: {  	[tilespmem:s11+$0x1A020] =	vst v5;
	v3 =	vadd.f32 v3, v63;
	v2 =	vld [tilespmem:s11+$0x16040]  }
0x248: {  	v6 =	vadd.f32 v6, v63;
	[tilespmem:s11+$0x14030] =	vst v1;
	v1 =	vld [tilespmem:s11+$0x18040]  }
0x249: {  	s14 =	simm.s32 $0x400;
	s13 =	simm.s32 $0x0;
	[tilespmem:s11+$0x16030] =	vst v3;
	v3 =	vld [tilespmem:s11+$0x1A040];
	v5 =	vadd.f32 v7, v63  }
.LBB2_12:
0x24a: {  	s15 =	sand.u32 $0x1C00, s14;
	[tilespmem:s11+$0x18030] =	vst v6;
	v6 =	vld [tilespmem:s11+$0x2050];
	s12 =	sadd.s32 $0x10, s12  }
0x24b: {  	s13 =	sadd.s32 $0x8, s13;
	s16 =	sor.u32 s15, s12;
	[tilespmem:s11+$0x1A030] =	vst v5;
	v4 =	vadd.f32 v4, v0;
	v5 =	vld [tilespmem:s11+$0x14050]  }
0x24c: {  	p0 =	slt.u32 s13, $0x1F8;
	s16 =	sor.u32 $0x70, s16;
	v2 =	vadd.f32 v2, v0;
	v7 =	vld [tilespmem:s11+$0x16050]  }
0x24d: {  	v8 =	vld [tilespmem:s16+$0x2000];
	[tilespmem:s11+$0x14040] =	vst v4;
	v1 =	vadd.f32 v1, v0  }
0x24e: {  	v4 =	vld [tilespmem:s16+$0x14000];
	[tilespmem:s11+$0x16040] =	vst v2;
	v0 =	vadd.f32 v3, v0  }
0x24f: {  	[tilespmem:s11+$0x18040] =	vst v1;
	v1 =	vld [tilespmem:s11+$0x18050]  }
0x250: {  	[tilespmem:s11+$0x1A040] =	vst v0;
	v0 =	vadd.f32 v5, v6;
	v2 =	vld [tilespmem:s11+$0x1A050]  }
0x251: {  	v3 =	vadd.f32 v7, v6;
	v5 =	vld [tilespmem:s11+$0x2060]  }
0x252: {  	[tilespmem:s11+$0x14050] =	vst v0;
	v0 =	vld [tilespmem:s11+$0x14060]  }
0x253: {  	v4 =	vadd.f32 v4, v8;
	[tilespmem:s11+$0x16050] =	vst v3;
	v3 =	vld [tilespmem:s11+$0x16060]  }
0x254: {  	s17 =	sand.u32 $0x380, s12;
	v1 =	vadd.f32 v1, v6;
	v7 =	vld [tilespmem:s11+$0x18060]  }
0x255: {  	s15 =	sor.u32 s17, s15;
	[tilespmem:s16+$0x14000] =	vst v4;
	v2 =	vadd.f32 v2, v6;
	v4 =	vld [tilespmem:s11+$0x1A060]  }
0x256: {  	v6 =	vld [tilespmem:s15+$0x1A070];
	[tilespmem:s11+$0x18050] =	vst v1  }
0x257: {  	v1 =	vld [tilespmem:s15+$0x16070];
	[tilespmem:s11+$0x1A050] =	vst v2;
	v0 =	vadd.f32 v0, v5  }
0x258: {  	v2 =	vld [tilespmem:s15+$0x18070];
	v3 =	vadd.f32 v3, v5  }
0x259: {  	v9 =	vld [tilespmem:s15+$0x2000];
	[tilespmem:s11+$0x14060] =	vst v0;
	v0 =	vadd.f32 v7, v5  }
0x25a: {  	v7 =	vld [tilespmem:s15+$0x14000];
	[tilespmem:s11+$0x16060] =	vst v3;
	v3 =	vadd.f32 v4, v5  }
0x25b: {  	v4 =	vld [tilespmem:s15+$0x16000];
	v5 =	vadd.f32 v6, v8;
	[tilespmem:s11+$0x18060] =	vst v0  }
0x25c: {  	v0 =	vld [tilespmem:s15+$0x18000];
	v1 =	vadd.f32 v1, v8;
	[tilespmem:s11+$0x1A060] =	vst v3;
	s11 =	smov.u32 s15  }
0x25d: {  	v3 =	vld [tilespmem:s11+$0x1A000];
	v2 =	vadd.f32 v2, v8;
	[tilespmem:s11+$0x1A070] =	vst v5  }
0x25e: {  	v5 =	vld [tilespmem:s11+$0x2010];
	[tilespmem:s11+$0x16070] =	vst v1  }
0x25f: {  	v1 =	vadd.f32 v7, v9;
	v6 =	vld [tilespmem:s11+$0x14010];
	[tilespmem:s11+$0x18070] =	vst v2  }
0x260: {  	v2 =	vadd.f32 v4, v9;
	v4 =	vld [tilespmem:s11+$0x16010]  }
0x261: {  	[tilespmem:s11+$0x14000] =	vst v1;
	v0 =	vadd.f32 v0, v9;
	v1 =	vld [tilespmem:s11+$0x18010]  }
0x262: {  	[tilespmem:s11+$0x16000] =	vst v2;
	v2 =	vadd.f32 v3, v9;
	v3 =	vld [tilespmem:s11+$0x1A010]  }
0x263: {  	[tilespmem:s11+$0x18000] =	vst v0;
	v0 =	vld [tilespmem:s11+$0x2020]  }
0x264: {  	[tilespmem:s11+$0x1A000] =	vst v2;
	v2 =	vadd.f32 v6, v5;
	v6 =	vld [tilespmem:s11+$0x14020]  }
0x265: {  	v4 =	vadd.f32 v4, v5;
	v7 =	vld [tilespmem:s11+$0x16020]  }
0x266: {  	[tilespmem:s11+$0x14010] =	vst v2;
	v1 =	vadd.f32 v1, v5;
	v2 =	vld [tilespmem:s11+$0x18020]  }
0x267: {  	[tilespmem:s11+$0x16010] =	vst v4;
	v3 =	vadd.f32 v3, v5;
	v4 =	vld [tilespmem:s11+$0x1A020]  }
0x268: {  	[tilespmem:s11+$0x18010] =	vst v1;
	v5 =	vld [tilespmem:s11+$0x2030]  }
0x269: {  	[tilespmem:s11+$0x1A010] =	vst v3;
	v1 =	vadd.f32 v6, v0;
	v3 =	vld [tilespmem:s11+$0x14030]  }
0x26a: {  	v6 =	vadd.f32 v7, v0;
	v7 =	vld [tilespmem:s11+$0x16030]  }
0x26b: {  	[tilespmem:s11+$0x14020] =	vst v1;
	v1 =	vadd.f32 v2, v0;
	v8 =	vld [tilespmem:s11+$0x18030]  }
0x26c: {  	[tilespmem:s11+$0x16020] =	vst v6;
	v2 =	vadd.f32 v4, v0;
	v9 =	vld [tilespmem:s11+$0x1A030]  }
.Ltmp5:
0x26d: {  	[tilespmem:s11+$0x18020] =	vst v1;
	v0 =	vld [tilespmem:s11+$0x2040];
	(pc) =	sbr.rel @p0 .LBB2_12-.Ltmp5, $4  }
0x26e: {  	[tilespmem:s11+$0x1A020] =	vst v2;
	v1 =	vadd.f32 v3, v5;
	v4 =	vld [tilespmem:s11+$0x14040]  }
0x26f: {  	v3 =	vadd.f32 v7, v5;
	v2 =	vld [tilespmem:s11+$0x16040]  }
0x270: {  	[tilespmem:s11+$0x14030] =	vst v1;
	v6 =	vadd.f32 v8, v5;
	v1 =	vld [tilespmem:s11+$0x18040]  }
0x271: {  	s14 =	sadd.s32 $0x400, s14;
	[tilespmem:s11+$0x16030] =	vst v3;
	v5 =	vadd.f32 v9, v5;
	v3 =	vld [tilespmem:s11+$0x1A040]  }
0x272: {  	v7 =	vld [tilespmem:s11+$0x2050]  }
0x273: {  	v8 =	vld [tilespmem:s11+$0x14050]  }
0x274: {  	v9 =	vld [tilespmem:s11+$0x16050]  }
0x275: {  	[tilespmem:s11+$0x18030] =	vst v6;
	v6 =	vld [tilespmem:s11+$0x18050];
	v4 =	vadd.f32 v4, v0  }
0x276: {  	[tilespmem:s11+$0x1A030] =	vst v5;
	v5 =	vld [tilespmem:s11+$0x1A050];
	v2 =	vadd.f32 v2, v0  }
0x277: {  	[tilespmem:s11+$0x14040] =	vst v4;
	v1 =	vadd.f32 v1, v0;
	v4 =	vld [tilespmem:s11+$0x2060]  }
0x278: {  	[tilespmem:s11+$0x16040] =	vst v2;
	v0 =	vadd.f32 v3, v0;
	v2 =	vld [tilespmem:s11+$0x14060]  }
0x279: {  	v3 =	vld [tilespmem:s11+$0x16060];
	[tilespmem:s11+$0x18040] =	vst v1;
	v1 =	vadd.f32 v8, v7  }
0x27a: {  	v8 =	vld [tilespmem:s11+$0x18060];
	[tilespmem:s11+$0x1A040] =	vst v0;
	v0 =	vadd.f32 v9, v7  }
0x27b: {  	[tilespmem:s11+$0x14050] =	vst v1;
	v1 =	vadd.f32 v6, v7;
	v6 =	vld [tilespmem:s11+$0x1A060]  }
0x27c: {  	[tilespmem:s11+$0x16050] =	vst v0;
	v0 =	vadd.f32 v5, v7  }
0x27d: {  	[tilespmem:s11+$0x18050] =	vst v1;
	v1 =	vadd.f32 v2, v4  }
0x27e: {  	[tilespmem:s11+$0x1A050] =	vst v0;
	v0 =	vadd.f32 v3, v4  }
0x27f: {  	[tilespmem:s11+$0x14060] =	vst v1;
	v1 =	vadd.f32 v8, v4  }
0x280: {  	[tilespmem:s11+$0x16060] =	vst v0;
	v0 =	vadd.f32 v6, v4  }
0x281: {  	[tilespmem:s11+$0x18060] =	vst v1  }
0x282: {  	[tilespmem:s11+$0x1A060] =	vst v0  }
0x283: {  	[hbm4b:s20+s29] =	stream.strided.scatter [tilespmem:s3], [sflag:$0x8], $0x8000, s30, s29, $0x38;
	[tilespmem:$0x1C000] =	vst v63  }
0x284: {  	_ =	swait.ge [sflag:s8], $0x8000  }
0x285: {  	[sflag:s8] =	ssyncset.done $0x0  }
0x286: {  	[sflag:s8] =	ssyncadd.s32 $0xFFFF8000  }
0x287: {  	[tilespmem:s19], [sflag:$0x4] =	stream.strided.gather [hbm4b:s22+s29], $0x8000, s30, s29, $0x38;
	[tilespmem:$0x1C000] =	vst v63  }
0x288: {  	s12 =	simm.s32 $0x0  }
0x289: {  	[tilespmem:s29], [sflag:$0x2] =	stream.linear.gather [hbm4b:s24+s12], $0x2000, $0x38;
	[tilespmem:$0x1C000] =	vst v63  }
0x28a: {  	_ =	swait.ge [sflag:s0], $0x8000  }
0x28b: {  	[sflag:s0] =	ssyncset.done $0x0  }
0x28c: {  	[sflag:s0] =	ssyncadd.s32 $0xFFFF8000  }
0x28d: {  	s17 =	sand.u32 $0x1C00, s12;
	_ =	swait.ge [sflag:s2], $0x2000  }
0x28e: {  	s13 =	sor.u32 s17, s12;
	[sflag:s2] =	ssyncset.done $0x0  }
0x28f: {  	s13 =	sor.u32 $0x70, s13;
	[sflag:s2] =	ssyncadd.s32 $0xFFFFE000  }
0x290: {  	v0 =	vld [tilespmem:s13+$0x0]  }
0x291: {  	v1 =	vld [tilespmem:s13+$0x4000];
	_ =	sdelay $0x1  }
0x292: {  	s14 =	sand.u32 $0x380, s12  }
0x293: {  	s11 =	sor.u32 s14, s17  }
0x294: {  	v4 =	vld [tilespmem:s11+$0x0]  }
0x295: {  	v5 =	vld [tilespmem:s11+$0x4000];
	v1 =	vadd.f32 v1, v0  }
0x296: {  	v6 =	vld [tilespmem:s11+$0x6000]  }
0x297: {  	v7 =	vld [tilespmem:s11+$0x8000];
	[tilespmem:s13+$0x4000] =	vst v1  }
0x298: {  	v1 =	vld [tilespmem:s11+$0xA070]  }
0x299: {  	v2 =	vld [tilespmem:s11+$0x6070]  }
0x29a: {  	v3 =	vld [tilespmem:s11+$0x8070]  }
0x29b: {  	v8 =	vld [tilespmem:s11+$0xA000]  }
0x29c: {  	v62 =	vld [tilespmem:s11+$0x10]  }
0x29d: {  	v10 =	vld [tilespmem:s11+$0x4010];
	v1 =	vadd.f32 v1, v0  }
0x29e: {  	v11 =	vld [tilespmem:s11+$0x6010];
	v2 =	vadd.f32 v2, v0  }
0x29f: {  	v63 =	vld [tilespmem:s11+$0x30];
	v0 =	vadd.f32 v3, v0;
	[tilespmem:s11+$0xA070] =	vst v1  }
0x2a0: {  	v3 =	vld [tilespmem:s11+$0xA010];
	[tilespmem:s11+$0x6070] =	vst v2;
	v2 =	vadd.f32 v5, v4  }
0x2a1: {  	v1 =	vld [tilespmem:s11+$0x8010];
	[tilespmem:s11+$0x8070] =	vst v0;
	v0 =	vadd.f32 v6, v4  }
0x2a2: {  	v5 =	vld [tilespmem:s11+$0x20];
	[tilespmem:s11+$0x4000] =	vst v2;
	v2 =	vadd.f32 v7, v4  }
0x2a3: {  	v6 =	vld [tilespmem:s11+$0x4020];
	[tilespmem:s11+$0x6000] =	vst v0;
	v0 =	vadd.f32 v8, v4  }
0x2a4: {  	v4 =	vld [tilespmem:s11+$0x6020];
	[tilespmem:s11+$0x8000] =	vst v2;
	v2 =	vadd.f32 v10, v62  }
0x2a5: {  	v7 =	vld [tilespmem:s11+$0x8020];
	[tilespmem:s11+$0xA000] =	vst v0;
	v0 =	vadd.f32 v11, v62  }
0x2a6: {  	v8 =	vld [tilespmem:s11+$0xA020];
	v1 =	vadd.f32 v1, v62;
	[tilespmem:s11+$0x4010] =	vst v2  }
0x2a7: {  	[tilespmem:s11+$0x6010] =	vst v0;
	v0 =	vadd.f32 v3, v62;
	v2 =	vld [tilespmem:s11+$0x4030]  }
0x2a8: {  	v3 =	vld [tilespmem:s11+$0x6030];
	[tilespmem:s11+$0x8010] =	vst v1;
	v1 =	vadd.f32 v6, v5  }
0x2a9: {  	v6 =	vld [tilespmem:s11+$0x8030];
	[tilespmem:s11+$0xA010] =	vst v0;
	v0 =	vadd.f32 v4, v5  }
0x2aa: {  	[tilespmem:s11+$0x4020] =	vst v1;
	v1 =	vadd.f32 v7, v5;
	v7 =	vld [tilespmem:s11+$0xA030]  }
0x2ab: {  	v4 =	vld [tilespmem:s11+$0x4040];
	v5 =	vadd.f32 v8, v5;
	[tilespmem:s11+$0x6020] =	vst v0  }
0x2ac: {  	v0 =	vld [tilespmem:s11+$0x40];
	[tilespmem:s11+$0x8020] =	vst v1;
	v1 =	vadd.f32 v2, v63  }
0x2ad: {  	[tilespmem:s11+$0xA020] =	vst v5;
	v3 =	vadd.f32 v3, v63;
	v2 =	vld [tilespmem:s11+$0x6040]  }
0x2ae: {  	v6 =	vadd.f32 v6, v63;
	[tilespmem:s11+$0x4030] =	vst v1;
	v1 =	vld [tilespmem:s11+$0x8040]  }
0x2af: {  	s14 =	simm.s32 $0x400;
	s13 =	simm.s32 $0x0;
	[tilespmem:s11+$0x6030] =	vst v3;
	v3 =	vld [tilespmem:s11+$0xA040];
	v5 =	vadd.f32 v7, v63  }
.LBB2_14:
0x2b0: {  	s15 =	sand.u32 $0x1C00, s14;
	[tilespmem:s11+$0x8030] =	vst v6;
	v6 =	vld [tilespmem:s11+$0x50];
	s12 =	sadd.s32 $0x10, s12  }
0x2b1: {  	s13 =	sadd.s32 $0x8, s13;
	s16 =	sor.u32 s15, s12;
	[tilespmem:s11+$0xA030] =	vst v5;
	v4 =	vadd.f32 v4, v0;
	v5 =	vld [tilespmem:s11+$0x4050]  }
0x2b2: {  	p0 =	slt.u32 s13, $0x1F8;
	s16 =	sor.u32 $0x70, s16;
	v2 =	vadd.f32 v2, v0;
	v7 =	vld [tilespmem:s11+$0x6050]  }
0x2b3: {  	v8 =	vld [tilespmem:s16+$0x0];
	[tilespmem:s11+$0x4040] =	vst v4;
	v1 =	vadd.f32 v1, v0  }
0x2b4: {  	v4 =	vld [tilespmem:s16+$0x4000];
	[tilespmem:s11+$0x6040] =	vst v2;
	v0 =	vadd.f32 v3, v0  }
0x2b5: {  	[tilespmem:s11+$0x8040] =	vst v1;
	v1 =	vld [tilespmem:s11+$0x8050]  }
0x2b6: {  	[tilespmem:s11+$0xA040] =	vst v0;
	v0 =	vadd.f32 v5, v6;
	v2 =	vld [tilespmem:s11+$0xA050]  }
0x2b7: {  	v3 =	vadd.f32 v7, v6;
	v5 =	vld [tilespmem:s11+$0x60]  }
0x2b8: {  	[tilespmem:s11+$0x4050] =	vst v0;
	v0 =	vld [tilespmem:s11+$0x4060]  }
0x2b9: {  	v4 =	vadd.f32 v4, v8;
	[tilespmem:s11+$0x6050] =	vst v3;
	v3 =	vld [tilespmem:s11+$0x6060]  }
0x2ba: {  	s17 =	sand.u32 $0x380, s12;
	v1 =	vadd.f32 v1, v6;
	v7 =	vld [tilespmem:s11+$0x8060]  }
0x2bb: {  	s15 =	sor.u32 s17, s15;
	[tilespmem:s16+$0x4000] =	vst v4;
	v2 =	vadd.f32 v2, v6;
	v4 =	vld [tilespmem:s11+$0xA060]  }
0x2bc: {  	v6 =	vld [tilespmem:s15+$0xA070];
	[tilespmem:s11+$0x8050] =	vst v1  }
0x2bd: {  	v1 =	vld [tilespmem:s15+$0x6070];
	[tilespmem:s11+$0xA050] =	vst v2;
	v0 =	vadd.f32 v0, v5  }
0x2be: {  	v2 =	vld [tilespmem:s15+$0x8070];
	v3 =	vadd.f32 v3, v5  }
0x2bf: {  	v9 =	vld [tilespmem:s15+$0x0];
	[tilespmem:s11+$0x4060] =	vst v0;
	v0 =	vadd.f32 v7, v5  }
0x2c0: {  	v7 =	vld [tilespmem:s15+$0x4000];
	[tilespmem:s11+$0x6060] =	vst v3;
	v3 =	vadd.f32 v4, v5  }
0x2c1: {  	v4 =	vld [tilespmem:s15+$0x6000];
	v5 =	vadd.f32 v6, v8;
	[tilespmem:s11+$0x8060] =	vst v0  }
0x2c2: {  	v0 =	vld [tilespmem:s15+$0x8000];
	v1 =	vadd.f32 v1, v8;
	[tilespmem:s11+$0xA060] =	vst v3;
	s11 =	smov.u32 s15  }
0x2c3: {  	v3 =	vld [tilespmem:s11+$0xA000];
	v2 =	vadd.f32 v2, v8;
	[tilespmem:s11+$0xA070] =	vst v5  }
0x2c4: {  	v5 =	vld [tilespmem:s11+$0x10];
	[tilespmem:s11+$0x6070] =	vst v1  }
0x2c5: {  	v1 =	vadd.f32 v7, v9;
	v6 =	vld [tilespmem:s11+$0x4010];
	[tilespmem:s11+$0x8070] =	vst v2  }
0x2c6: {  	v2 =	vadd.f32 v4, v9;
	v4 =	vld [tilespmem:s11+$0x6010]  }
0x2c7: {  	[tilespmem:s11+$0x4000] =	vst v1;
	v0 =	vadd.f32 v0, v9;
	v1 =	vld [tilespmem:s11+$0x8010]  }
0x2c8: {  	[tilespmem:s11+$0x6000] =	vst v2;
	v2 =	vadd.f32 v3, v9;
	v3 =	vld [tilespmem:s11+$0xA010]  }
0x2c9: {  	[tilespmem:s11+$0x8000] =	vst v0;
	v0 =	vld [tilespmem:s11+$0x20]  }
0x2ca: {  	[tilespmem:s11+$0xA000] =	vst v2;
	v2 =	vadd.f32 v6, v5;
	v6 =	vld [tilespmem:s11+$0x4020]  }
0x2cb: {  	v4 =	vadd.f32 v4, v5;
	v7 =	vld [tilespmem:s11+$0x6020]  }
0x2cc: {  	[tilespmem:s11+$0x4010] =	vst v2;
	v1 =	vadd.f32 v1, v5;
	v2 =	vld [tilespmem:s11+$0x8020]  }
0x2cd: {  	[tilespmem:s11+$0x6010] =	vst v4;
	v3 =	vadd.f32 v3, v5;
	v4 =	vld [tilespmem:s11+$0xA020]  }
0x2ce: {  	[tilespmem:s11+$0x8010] =	vst v1;
	v5 =	vld [tilespmem:s11+$0x30]  }
0x2cf: {  	[tilespmem:s11+$0xA010] =	vst v3;
	v1 =	vadd.f32 v6, v0;
	v3 =	vld [tilespmem:s11+$0x4030]  }
0x2d0: {  	v6 =	vadd.f32 v7, v0;
	v7 =	vld [tilespmem:s11+$0x6030]  }
0x2d1: {  	[tilespmem:s11+$0x4020] =	vst v1;
	v1 =	vadd.f32 v2, v0;
	v8 =	vld [tilespmem:s11+$0x8030]  }
0x2d2: {  	[tilespmem:s11+$0x6020] =	vst v6;
	v2 =	vadd.f32 v4, v0;
	v9 =	vld [tilespmem:s11+$0xA030]  }
.Ltmp6:
0x2d3: {  	[tilespmem:s11+$0x8020] =	vst v1;
	v0 =	vld [tilespmem:s11+$0x40];
	(pc) =	sbr.rel @p0 .LBB2_14-.Ltmp6, $4  }
0x2d4: {  	[tilespmem:s11+$0xA020] =	vst v2;
	v1 =	vadd.f32 v3, v5;
	v4 =	vld [tilespmem:s11+$0x4040]  }
0x2d5: {  	v3 =	vadd.f32 v7, v5;
	v2 =	vld [tilespmem:s11+$0x6040]  }
0x2d6: {  	[tilespmem:s11+$0x4030] =	vst v1;
	v6 =	vadd.f32 v8, v5;
	v1 =	vld [tilespmem:s11+$0x8040]  }
0x2d7: {  	s14 =	sadd.s32 $0x400, s14;
	[tilespmem:s11+$0x6030] =	vst v3;
	v5 =	vadd.f32 v9, v5;
	v3 =	vld [tilespmem:s11+$0xA040]  }
0x2d8: {  	v7 =	vld [tilespmem:s11+$0x50]  }
0x2d9: {  	v8 =	vld [tilespmem:s11+$0x4050]  }
0x2da: {  	v9 =	vld [tilespmem:s11+$0x6050]  }
0x2db: {  	[tilespmem:s11+$0x8030] =	vst v6;
	v6 =	vld [tilespmem:s11+$0x8050];
	v4 =	vadd.f32 v4, v0  }
0x2dc: {  	[tilespmem:s11+$0xA030] =	vst v5;
	v5 =	vld [tilespmem:s11+$0xA050];
	v2 =	vadd.f32 v2, v0  }
0x2dd: {  	[tilespmem:s11+$0x4040] =	vst v4;
	v1 =	vadd.f32 v1, v0;
	v4 =	vld [tilespmem:s11+$0x60]  }
0x2de: {  	[tilespmem:s11+$0x6040] =	vst v2;
	v0 =	vadd.f32 v3, v0;
	v2 =	vld [tilespmem:s11+$0x4060]  }
0x2df: {  	v3 =	vld [tilespmem:s11+$0x6060];
	[tilespmem:s11+$0x8040] =	vst v1;
	v1 =	vadd.f32 v8, v7  }
0x2e0: {  	v8 =	vld [tilespmem:s11+$0x8060];
	[tilespmem:s11+$0xA040] =	vst v0;
	v0 =	vadd.f32 v9, v7  }
0x2e1: {  	[tilespmem:s11+$0x4050] =	vst v1;
	v1 =	vadd.f32 v6, v7;
	v6 =	vld [tilespmem:s11+$0xA060]  }
0x2e2: {  	[tilespmem:s11+$0x6050] =	vst v0;
	v0 =	vadd.f32 v5, v7  }
0x2e3: {  	[tilespmem:s11+$0x8050] =	vst v1;
	v1 =	vadd.f32 v2, v4  }
0x2e4: {  	[tilespmem:s11+$0xA050] =	vst v0;
	v0 =	vadd.f32 v3, v4  }
0x2e5: {  	[tilespmem:s11+$0x4060] =	vst v1;
	v1 =	vadd.f32 v8, v4  }
0x2e6: {  	[tilespmem:s11+$0x6060] =	vst v0;
	v0 =	vadd.f32 v6, v4  }
0x2e7: {  	[tilespmem:s11+$0x8060] =	vst v1  }
0x2e8: {  	[tilespmem:s11+$0xA060] =	vst v0  }
0x2e9: {  	[hbm4b:s25+s29] =	stream.strided.scatter [tilespmem:s31], [sflag:$0x6], $0x8000, s30, s29, $0x38;
	[tilespmem:$0x1C000] =	vst v63  }
0x2ea: {  	_ =	swait.ge [sflag:s4], $0x8000  }
0x2eb: {  	[sflag:s4] =	ssyncset.done $0x0  }
0x2ec: {  	s12 =	simm.s32 $0x0;
	[sflag:s4] =	ssyncadd.s32 $0xFFFF8000  }
0x2ed: {  	s17 =	sand.u32 $0x1C00, s12;
	_ =	swait.ge [sflag:s5], $0x2000  }
0x2ee: {  	s13 =	sor.u32 s17, s12;
	[sflag:s5] =	ssyncset.done $0x0  }
0x2ef: {  	s13 =	sor.u32 $0x70, s13;
	[sflag:s5] =	ssyncadd.s32 $0xFFFFE000  }
0x2f0: {  	v0 =	vld [tilespmem:s13+$0x2000]  }
0x2f1: {  	v1 =	vld [tilespmem:s13+$0xC000];
	_ =	sdelay $0x1  }
0x2f2: {  	s14 =	sand.u32 $0x380, s12  }
0x2f3: {  	s11 =	sor.u32 s14, s17  }
0x2f4: {  	v4 =	vld [tilespmem:s11+$0x2000]  }
0x2f5: {  	v5 =	vld [tilespmem:s11+$0xC000];
	v1 =	vadd.f32 v1, v0  }
0x2f6: {  	v6 =	vld [tilespmem:s11+$0xE000]  }
0x2f7: {  	v7 =	vld [tilespmem:s11+$0x10000];
	[tilespmem:s13+$0xC000] =	vst v1  }
0x2f8: {  	v1 =	vld [tilespmem:s11+$0x12070]  }
0x2f9: {  	v2 =	vld [tilespmem:s11+$0xE070]  }
0x2fa: {  	v3 =	vld [tilespmem:s11+$0x10070]  }
0x2fb: {  	v8 =	vld [tilespmem:s11+$0x12000]  }
0x2fc: {  	v62 =	vld [tilespmem:s11+$0x2010]  }
0x2fd: {  	v10 =	vld [tilespmem:s11+$0xC010];
	v1 =	vadd.f32 v1, v0  }
0x2fe: {  	v11 =	vld [tilespmem:s11+$0xE010];
	v2 =	vadd.f32 v2, v0  }
0x2ff: {  	v63 =	vld [tilespmem:s11+$0x2030];
	v0 =	vadd.f32 v3, v0;
	[tilespmem:s11+$0x12070] =	vst v1  }
0x300: {  	v3 =	vld [tilespmem:s11+$0x12010];
	[tilespmem:s11+$0xE070] =	vst v2;
	v2 =	vadd.f32 v5, v4  }
0x301: {  	v1 =	vld [tilespmem:s11+$0x10010];
	[tilespmem:s11+$0x10070] =	vst v0;
	v0 =	vadd.f32 v6, v4  }
0x302: {  	v5 =	vld [tilespmem:s11+$0x2020];
	[tilespmem:s11+$0xC000] =	vst v2;
	v2 =	vadd.f32 v7, v4  }
0x303: {  	v6 =	vld [tilespmem:s11+$0xC020];
	[tilespmem:s11+$0xE000] =	vst v0;
	v0 =	vadd.f32 v8, v4  }
0x304: {  	v4 =	vld [tilespmem:s11+$0xE020];
	[tilespmem:s11+$0x10000] =	vst v2;
	v2 =	vadd.f32 v10, v62  }
0x305: {  	v7 =	vld [tilespmem:s11+$0x10020];
	[tilespmem:s11+$0x12000] =	vst v0;
	v0 =	vadd.f32 v11, v62  }
0x306: {  	v8 =	vld [tilespmem:s11+$0x12020];
	v1 =	vadd.f32 v1, v62;
	[tilespmem:s11+$0xC010] =	vst v2  }
0x307: {  	[tilespmem:s11+$0xE010] =	vst v0;
	v0 =	vadd.f32 v3, v62;
	v2 =	vld [tilespmem:s11+$0xC030]  }
0x308: {  	v3 =	vld [tilespmem:s11+$0xE030];
	[tilespmem:s11+$0x10010] =	vst v1;
	v1 =	vadd.f32 v6, v5  }
0x309: {  	v6 =	vld [tilespmem:s11+$0x10030];
	[tilespmem:s11+$0x12010] =	vst v0;
	v0 =	vadd.f32 v4, v5  }
0x30a: {  	[tilespmem:s11+$0xC020] =	vst v1;
	v1 =	vadd.f32 v7, v5;
	v7 =	vld [tilespmem:s11+$0x12030]  }
0x30b: {  	v4 =	vld [tilespmem:s11+$0xC040];
	v5 =	vadd.f32 v8, v5;
	[tilespmem:s11+$0xE020] =	vst v0  }
0x30c: {  	v0 =	vld [tilespmem:s11+$0x2040];
	[tilespmem:s11+$0x10020] =	vst v1;
	v1 =	vadd.f32 v2, v63  }
0x30d: {  	[tilespmem:s11+$0x12020] =	vst v5;
	v3 =	vadd.f32 v3, v63;
	v2 =	vld [tilespmem:s11+$0xE040]  }
0x30e: {  	v6 =	vadd.f32 v6, v63;
	[tilespmem:s11+$0xC030] =	vst v1;
	v1 =	vld [tilespmem:s11+$0x10040]  }
0x30f: {  	s14 =	simm.s32 $0x400;
	s13 =	simm.s32 $0x0;
	[tilespmem:s11+$0xE030] =	vst v3;
	v3 =	vld [tilespmem:s11+$0x12040];
	v5 =	vadd.f32 v7, v63  }
.LBB2_16:
0x310: {  	s15 =	sand.u32 $0x1C00, s14;
	[tilespmem:s11+$0x10030] =	vst v6;
	v6 =	vld [tilespmem:s11+$0x2050];
	s12 =	sadd.s32 $0x10, s12  }
0x311: {  	s13 =	sadd.s32 $0x8, s13;
	s16 =	sor.u32 s15, s12;
	[tilespmem:s11+$0x12030] =	vst v5;
	v4 =	vadd.f32 v4, v0;
	v5 =	vld [tilespmem:s11+$0xC050]  }
0x312: {  	p0 =	slt.u32 s13, $0x1F8;
	s16 =	sor.u32 $0x70, s16;
	v2 =	vadd.f32 v2, v0;
	v7 =	vld [tilespmem:s11+$0xE050]  }
0x313: {  	v8 =	vld [tilespmem:s16+$0x2000];
	[tilespmem:s11+$0xC040] =	vst v4;
	v1 =	vadd.f32 v1, v0  }
0x314: {  	v4 =	vld [tilespmem:s16+$0xC000];
	[tilespmem:s11+$0xE040] =	vst v2;
	v0 =	vadd.f32 v3, v0  }
0x315: {  	[tilespmem:s11+$0x10040] =	vst v1;
	v1 =	vld [tilespmem:s11+$0x10050]  }
0x316: {  	[tilespmem:s11+$0x12040] =	vst v0;
	v0 =	vadd.f32 v5, v6;
	v2 =	vld [tilespmem:s11+$0x12050]  }
0x317: {  	v3 =	vadd.f32 v7, v6;
	v5 =	vld [tilespmem:s11+$0x2060]  }
0x318: {  	[tilespmem:s11+$0xC050] =	vst v0;
	v0 =	vld [tilespmem:s11+$0xC060]  }
0x319: {  	v4 =	vadd.f32 v4, v8;
	[tilespmem:s11+$0xE050] =	vst v3;
	v3 =	vld [tilespmem:s11+$0xE060]  }
0x31a: {  	s17 =	sand.u32 $0x380, s12;
	v1 =	vadd.f32 v1, v6;
	v7 =	vld [tilespmem:s11+$0x10060]  }
0x31b: {  	s15 =	sor.u32 s17, s15;
	[tilespmem:s16+$0xC000] =	vst v4;
	v2 =	vadd.f32 v2, v6;
	v4 =	vld [tilespmem:s11+$0x12060]  }
0x31c: {  	v6 =	vld [tilespmem:s15+$0x12070];
	[tilespmem:s11+$0x10050] =	vst v1  }
0x31d: {  	v1 =	vld [tilespmem:s15+$0xE070];
	[tilespmem:s11+$0x12050] =	vst v2;
	v0 =	vadd.f32 v0, v5  }
0x31e: {  	v2 =	vld [tilespmem:s15+$0x10070];
	v3 =	vadd.f32 v3, v5  }
0x31f: {  	v9 =	vld [tilespmem:s15+$0x2000];
	[tilespmem:s11+$0xC060] =	vst v0;
	v0 =	vadd.f32 v7, v5  }
0x320: {  	v7 =	vld [tilespmem:s15+$0xC000];
	[tilespmem:s11+$0xE060] =	vst v3;
	v3 =	vadd.f32 v4, v5  }
0x321: {  	v4 =	vld [tilespmem:s15+$0xE000];
	v5 =	vadd.f32 v6, v8;
	[tilespmem:s11+$0x10060] =	vst v0  }
0x322: {  	v0 =	vld [tilespmem:s15+$0x10000];
	v1 =	vadd.f32 v1, v8;
	[tilespmem:s11+$0x12060] =	vst v3;
	s11 =	smov.u32 s15  }
0x323: {  	v3 =	vld [tilespmem:s11+$0x12000];
	v2 =	vadd.f32 v2, v8;
	[tilespmem:s11+$0x12070] =	vst v5  }
0x324: {  	v5 =	vld [tilespmem:s11+$0x2010];
	[tilespmem:s11+$0xE070] =	vst v1  }
0x325: {  	v1 =	vadd.f32 v7, v9;
	v6 =	vld [tilespmem:s11+$0xC010];
	[tilespmem:s11+$0x10070] =	vst v2  }
0x326: {  	v2 =	vadd.f32 v4, v9;
	v4 =	vld [tilespmem:s11+$0xE010]  }
0x327: {  	[tilespmem:s11+$0xC000] =	vst v1;
	v0 =	vadd.f32 v0, v9;
	v1 =	vld [tilespmem:s11+$0x10010]  }
0x328: {  	[tilespmem:s11+$0xE000] =	vst v2;
	v2 =	vadd.f32 v3, v9;
	v3 =	vld [tilespmem:s11+$0x12010]  }
0x329: {  	[tilespmem:s11+$0x10000] =	vst v0;
	v0 =	vld [tilespmem:s11+$0x2020]  }
0x32a: {  	[tilespmem:s11+$0x12000] =	vst v2;
	v2 =	vadd.f32 v6, v5;
	v6 =	vld [tilespmem:s11+$0xC020]  }
0x32b: {  	v4 =	vadd.f32 v4, v5;
	v7 =	vld [tilespmem:s11+$0xE020]  }
0x32c: {  	[tilespmem:s11+$0xC010] =	vst v2;
	v1 =	vadd.f32 v1, v5;
	v2 =	vld [tilespmem:s11+$0x10020]  }
0x32d: {  	[tilespmem:s11+$0xE010] =	vst v4;
	v3 =	vadd.f32 v3, v5;
	v4 =	vld [tilespmem:s11+$0x12020]  }
0x32e: {  	[tilespmem:s11+$0x10010] =	vst v1;
	v5 =	vld [tilespmem:s11+$0x2030]  }
0x32f: {  	[tilespmem:s11+$0x12010] =	vst v3;
	v1 =	vadd.f32 v6, v0;
	v3 =	vld [tilespmem:s11+$0xC030]  }
0x330: {  	v6 =	vadd.f32 v7, v0;
	v7 =	vld [tilespmem:s11+$0xE030]  }
0x331: {  	[tilespmem:s11+$0xC020] =	vst v1;
	v1 =	vadd.f32 v2, v0;
	v8 =	vld [tilespmem:s11+$0x10030]  }
0x332: {  	[tilespmem:s11+$0xE020] =	vst v6;
	v2 =	vadd.f32 v4, v0;
	v9 =	vld [tilespmem:s11+$0x12030]  }
.Ltmp7:
0x333: {  	[tilespmem:s11+$0x10020] =	vst v1;
	v0 =	vld [tilespmem:s11+$0x2040];
	(pc) =	sbr.rel @p0 .LBB2_16-.Ltmp7, $4  }
0x334: {  	[tilespmem:s11+$0x12020] =	vst v2;
	v1 =	vadd.f32 v3, v5;
	v4 =	vld [tilespmem:s11+$0xC040]  }
0x335: {  	v3 =	vadd.f32 v7, v5;
	v2 =	vld [tilespmem:s11+$0xE040]  }
0x336: {  	[tilespmem:s11+$0xC030] =	vst v1;
	v6 =	vadd.f32 v8, v5;
	v1 =	vld [tilespmem:s11+$0x10040]  }
0x337: {  	s14 =	sadd.s32 $0x400, s14;
	[tilespmem:s11+$0xE030] =	vst v3;
	v5 =	vadd.f32 v9, v5;
	v3 =	vld [tilespmem:s11+$0x12040]  }
0x338: {  	v7 =	vld [tilespmem:s11+$0x2050]  }
0x339: {  	v8 =	vld [tilespmem:s11+$0xC050]  }
0x33a: {  	v9 =	vld [tilespmem:s11+$0xE050]  }
0x33b: {  	[tilespmem:s11+$0x10030] =	vst v6;
	v48 =	vld [tilespmem:s11+$0x10050];
	v4 =	vadd.f32 v4, v0  }
0x33c: {  	v49 =	vld [tilespmem:s11+$0x12050];
	[tilespmem:s11+$0x12030] =	vst v5;
	v2 =	vadd.f32 v2, v0  }
0x33d: {  	v50 =	vld [tilespmem:s11+$0x2060];
	[tilespmem:s11+$0xC040] =	vst v4;
	v1 =	vadd.f32 v1, v0  }
0x33e: {  	v52 =	vld [tilespmem:s11+$0xC060];
	[tilespmem:s11+$0xE040] =	vst v2;
	v51 =	vadd.f32 v3, v0  }
0x33f: {  	v54 =	vld [tilespmem:s11+$0xE060];
	[tilespmem:s11+$0x10040] =	vst v1;
	v53 =	vadd.f32 v8, v7  }
0x340: {  	v56 =	vld [tilespmem:s11+$0x10060];
	v55 =	vadd.f32 v9, v7;
	[tilespmem:s11+$0x12040] =	vst v51  }
0x341: {  	v58 =	vld [tilespmem:s11+$0x12060];
	v57 =	vadd.f32 v48, v7;
	[tilespmem:s11+$0xC050] =	vst v53  }
0x342: {  	v59 =	vadd.f32 v49, v7;
	[tilespmem:s11+$0xE050] =	vst v55  }
0x343: {  	v60 =	vadd.f32 v52, v50;
	[tilespmem:s11+$0x10050] =	vst v57  }
0x344: {  	v61 =	vadd.f32 v54, v50;
	[tilespmem:s11+$0x12050] =	vst v59  }
0x345: {  	v62 =	vadd.f32 v56, v50;
	[tilespmem:s11+$0xC060] =	vst v60  }
0x346: {  	v63 =	vadd.f32 v58, v50;
	[tilespmem:s11+$0xE060] =	vst v61  }
0x347: {  	[tilespmem:s11+$0x10060] =	vst v62  }
0x348: {  	[tilespmem:s11+$0x12060] =	vst v63  }
0x349: {  	[hbm4b:s26+s29] =	stream.strided.scatter [tilespmem:s19], [sflag:$0x7], $0x8000, s30, s29, $0x38;
	[tilespmem:$0x1C000] =	vst v63  }
0x34a: {  	_ =	swait.ge [sflag:s9], $0x8000  }
0x34b: {  	[sflag:s9] =	ssyncset.done $0x0  }
0x34c: {  	s10 =	sadd.s32 $0x1, s10;
	[sflag:s9] =	ssyncadd.s32 $0xFFFF8000  }
0x34d: {  	p0 =	sne.s32 s10, s28;
	_ =	swait.ge [sflag:s6], $0x8000  }
.Ltmp8:
0x34e: {  	[sflag:s6] =	ssyncset.done $0x0;
	(pc) =	sbr.rel @p0 .LBB2_1-.Ltmp8, $4  }
0x34f: {  	[sflag:s6] =	ssyncadd.s32 $0xFFFF8000  }
0x350: {  	_ =	swait.ge [sflag:s8], $0x8000  }
0x351: {  	[sflag:s8] =	ssyncset.done $0x0  }
0x352: {  	[sflag:s8] =	ssyncadd.s32 $0xFFFF8000  }
0x353: {  	_ =	sfence.sel $0x180000  }
0x354: {  	[bflag:$0x0] =	sbarrier.arrive $0xFFFF  }
0x355: {  	_ =	strace $0x90000047  }
0x356: {  	s0 =	stileid.u32;
	[bflag:$0x2] =	sbarrier.arrive $0xFFFF  }
0x357: {  	p0 =	sne.s32 s0, $0x0;
	s0 =	rddreg [dreg:$0x3]  }
0x358: {  	s0 =	sadd.s32 @!p0 $0x100000, s0  }
0x359: {  	[sflag:s0] =	ssyncadd.tile.s32 @!p0 $0x1;
	_ =	shalt  }
.Lfunc_end2:
_tile_overlayer_lowered:
.L_overlay_start_2:
0x35a: {  	(tag) =	ssettag $0x2  }
0x35b: {  	s0 =	rddreg [dreg:$0x0];
	s2 =	stileid.u32  }
0x35c: {  	s1 =	rddreg [dreg:$0x1];
	p0 =	sne.s32 s2, $0x0  }
0x35d: {  	s3 =	rddreg [dreg:$0x2];
	[bflag:$0x3] =	sbarrier.arrive $0xFFFF;
	s2 =	simm.s32 @!p0 $0x1C09  }
0x35e: {  	[timem:s3], [sflag:s2] =	dma.local @!p0 [hbm:s0], s1  }
0x35f: {  	s0 =	simm.s32 @!p0 $0x9  }
0x360: {  	_ =	swait.ge @!p0 [sflag:s0], s1  }
0x361: {  	s1 =	ssub.s32 @!p0 $0x0, s1;
	[sflag:s0] =	ssyncset.done @!p0 $0x0  }
0x362: {  	[sflag:s0] =	ssyncadd.s32 @!p0 s1  }
0x363: {  	[bflag:$0x3] =	sbarrier.arrive $0xFFFF  }
0x364: {  	_ =	shalt  }

</sc_bundles>
